<compile_context>
chip_gen: v7x
topology: tpu7x:2x2x1
jax: 0.10.2.dev20260603
libtpu: 0.0.44.dev20260713+nightly
codegen_flags: <defaults>
</compile_context>

<pallas_src>
import functools

import jax
import jax.numpy as jnp
from jax import lax
from jax.experimental import pallas as pl
from jax.experimental.pallas import tpu as pltpu
from jax.experimental.pallas import tpu_sc as plsc

_H = 512
_W = 512
_B = 16
_P = 1024
_K = 15
_ROWS = 128
_NRB = _H // _ROWS
_NCHUNK = _B * _NRB
_SENT = 1 << 20
_DUMP = _ROWS


def _make_sc_call():
    info = plsc.get_sparse_core_info()
    nc, ns = info.num_cores, info.num_subcores
    nw = nc * ns
    npass = _NCHUNK // nw
    mesh = plsc.VectorSubcoreMesh(core_axis_name="c", subcore_axis_name="s")

    @functools.partial(
        pl.kernel,
        mesh=mesh,
        compiler_params=pltpu.CompilerParams(needs_layout_passes=False),
        out_type=jax.ShapeDtypeStruct((_B, 1, _H, _W), jnp.float32),
        scratch_types=[
            pltpu.VMEM((_P,), jnp.int32),
            pltpu.VMEM((_K * _K + 15, 16), jnp.float32),
            pltpu.VMEM((_ROWS + 1, _W), jnp.float32),
            pltpu.VMEM((_P + 16,), jnp.int32),
        ],
    )
    def stamp(pk_hbm, wsp_hbm, out_hbm, pkv, wsp, acc, plo):
        wid = lax.axis_index("s") * nc + lax.axis_index("c")
        pltpu.sync_copy(wsp_hbm, wsp)

        zv = wsp[_K * _K]
        sentv = jnp.full((16,), _SENT, jnp.int32)
        dumpv = jnp.full((16,), _DUMP, jnp.int32)

        def pass_body(ps, _unused):
            chunk = wid + ps * nw
            b = chunk // _NRB
            rb = chunk % _NRB
            r0 = rb * _ROWS

            pltpu.sync_copy(pk_hbm.at[b], pkv)

            def zbody(r, _):
                for j in range(_W // 16):
                    acc[r, pl.ds(j * 16, 16)] = zv
                return _

            lax.fori_loop(0, _ROWS, zbody, None)

            def cbody(g, off):
                pvec = pkv[pl.ds(g * 16, 16)]
                cxv = lax.shift_right_logical(pvec, 10)
                rbv = cxv - (7 + r0)
                ov = (rbv + (_K - 1)).astype(jnp.uint32) <= _ROWS + _K - 2
                plsc.store_compressed(plo.at[pl.ds(off, 16)], pvec, mask=ov)
                return off + plsc.all_reduce_population_count(ov)[0]

            off = lax.fori_loop(0, _P // 16, cbody, jnp.int32(0))
            plo[pl.ds(off, 16)] = sentv

            def sbody(g, _):
                @pl.when(g * 16 <= off)
                def _grp():
                    pvec = plo[pl.ds(g * 16, 16)]
                    cxv = lax.shift_right_logical(pvec, 10)
                    cyv = pvec & 1023
                    rowv = cxv - (7 + r0)
                    colv = cyv - 7
                    masks = []
                    ct = colv
                    for t in range(_K):
                        masks.append(ct.astype(jnp.uint32) < _W)
                        if t < _K - 1:
                            ct = ct + 1
                    for k in range(_K):
                        vals_k = [wsp[k * _K + t] for t in range(_K)]
                        rk = rowv + k
                        srow = jnp.where(rk.astype(jnp.uint32) < _ROWS, rk, dumpv)
                        ctv = colv
                        for t in range(_K):
                            plsc.addupdate_scatter(
                                acc, [srow, ctv], vals_k[t], mask=masks[t]
                            )
                            if t < _K - 1:
                                ctv = ctv + 1
                return _

            lax.fori_loop(0, _P // 16 + 1, sbody, None)

            pltpu.sync_copy(
                acc.at[pl.ds(0, _ROWS)], out_hbm.at[b, 0, pl.ds(r0, _ROWS)]
            )
            return _unused

        lax.fori_loop(0, npass, pass_body, None)

    return stamp


def kernel(batch_images, batch_labels, sigma):
    del batch_images
    ax = jnp.arange(_K, dtype=jnp.float32) - (_K // 2)
    g = jnp.exp(-(ax * ax) / (2.0 * sigma * sigma))
    g = g / jnp.sum(g)
    taps = (g[:, None] * g[None, :]).reshape(_K * _K)
    wsp = jnp.zeros((_K * _K + 15, 16), jnp.float32)
    wsp = wsp.at[: _K * _K].set(jnp.broadcast_to(taps[:, None], (_K * _K, 16)))

    c = jnp.trunc(batch_labels.astype(jnp.float32) - (_K / 2)).astype(jnp.int32) + (_K // 2)
    packed = c[:, :, 0] * 1024 + c[:, :, 1]

    return _make_sc_call()(packed, wsp)

# --- scband reference (transcript-rebuilt; emitter-appended) ---
"""Pipeline reference for scband-static-refiner-tuner-15616501088912 (READ-ONLY COPY).

The authoritative reference and input builder live on the scoring server;
editing this copy changes nothing except your own understanding.
"""

import jax, jax.numpy as jnp
import numpy as np

SIGMA = 2.0
KERNEL_SIZE = int(6 * SIGMA) + 3
if KERNEL_SIZE % 2 == 0:
    KERNEL_SIZE += 1


def gaussian_kernel(sigma, ksize):
    ax = jnp.arange(-ksize // 2 + 1.0, ksize // 2 + 1.0, dtype=jnp.float32)
    xx, yy = jnp.meshgrid(ax, ax, indexing='ij')
    kernel = jnp.exp(-(xx ** 2 + yy ** 2) / (2.0 * sigma ** 2))
    return kernel / jnp.sum(kernel)


def setup_inputs(seed: int = 0) -> dict:
    key = jax.random.key(seed)
    k1, k2 = jax.random.split(key)
    batch_images = jax.random.normal(k1, (16, 1, 512, 512), dtype=jnp.float32)
    batch_labels = jax.random.randint(k2, (16, 1024, 2), 0, 504, dtype=jnp.int32)
    sigma = jnp.float32(SIGMA)
    return {"batch_images": batch_images, "batch_labels": batch_labels, "sigma": sigma}


def reference(batch_images, batch_labels, sigma):
    K = KERNEL_SIZE
    kernel = gaussian_kernel(sigma, K)
    B, C, H, W = batch_images.shape
    P = batch_labels.shape[1]
    padded = jnp.zeros((B, 1, H + 2 * K, W + 2 * K), dtype=jnp.float32)
    lbl = batch_labels.reshape(-1, 2)
    # x = int(label - K/2) + K with trunc-toward-zero semantics (matches python int())
    x = jnp.trunc(lbl[:, 0].astype(jnp.float32) - K / 2).astype(jnp.int32) + K
    y = jnp.trunc(lbl[:, 1].astype(jnp.float32) - K / 2).astype(jnp.int32) + K
    bidx = jnp.repeat(jnp.arange(B, dtype=jnp.int32), P)
    offs = jnp.arange(K, dtype=jnp.int32)
    xs = x[:, None] + offs[None, :]
    ys = y[:, None] + offs[None, :]
    upd = jnp.broadcast_to(kernel[None, :, :], (lbl.shape[0], K, K))
    padded = padded.at[bidx[:, None, None], 0, xs[:, :, None], ys[:, None, :]].add(upd)
    density = padded[:, :, K:-K, K:-K]
    return density

if __name__ == "__main__":
    import jax
    _d = setup_inputs()
    print(jax.jit(kernel)(*tuple(_d.values())))

</pallas_src>

<mosaic_0001>
#map = affine_map<(d0, d1) -> (0, 0)>
#map1 = affine_map<(d0, d1) -> (0, 0, 0, 0)>
module attributes {stable_mosaic.version = 14 : i64} {
  func.func @stamp(%arg0: i32, %arg1: i32, %arg2: memref<16x1024xi32, #tpu.memory_space<hbm>>, %arg3: memref<240x16xf32, #tpu.memory_space<hbm>>, %arg4: memref<16x1x512x512xf32, #tpu.memory_space<hbm>>, %arg5: memref<1024xi32, #tpu.memory_space<vmem>>, %arg6: memref<240x16xf32, #tpu.memory_space<vmem>>, %arg7: memref<129x512xf32, #tpu.memory_space<vmem>>, %arg8: memref<1040xi32, #tpu.memory_space<vmem>>) attributes {dimension_semantics = [#tpu.dimension_semantics<core_parallel>, #tpu.dimension_semantics<subcore_parallel>], iteration_bounds = array<i64: 2, 16>, scalar_prefetch = 0 : i64, scratch_operands = 4 : i64, tpu.core_type = #tpu.core_type<sc_vector_subcore>, window_params = [{transform_indices = #map}, {transform_indices = #map}, {transform_indices = #map1}]} {
    %mul3A = arith.constant 2 : i32
    %mul3A_0 = arith.muli %arg1, %mul3A : i32
    %add3A = arith.addi %mul3A_0, %arg0 : i32
    "tpu.region"() ({
      %run_scoped3A = tpu.sem_alloc : memref<!tpu.dma_semaphore, #tpu.memory_space<semaphore_mem>>
      tpu.enqueue_dma source(%arg3 : memref<240x16xf32, #tpu.memory_space<hbm>>) target(%arg6 : memref<240x16xf32, #tpu.memory_space<vmem>>) target_semaphore(%run_scoped3A : memref<!tpu.dma_semaphore, #tpu.memory_space<semaphore_mem>>)
      tpu.wait_dma2 semaphore(%run_scoped3A : memref<!tpu.dma_semaphore, #tpu.memory_space<semaphore_mem>>) src(%arg3 : memref<240x16xf32, #tpu.memory_space<hbm>>) dst(%arg6 : memref<240x16xf32, #tpu.memory_space<vmem>>)
      tpu.yield
    }) : () -> ()
    %get3A = arith.constant 225 : i32
    %get3A_1 = arith.index_cast %get3A : i32 to index
    %get3A_2 = arith.constant 0 : index
    %get3A_3 = tpu.vector_load %arg6[%get3A_1, %get3A_2] {strides = array<i32>} : memref<240x16xf32, #tpu.memory_space<vmem>>, vector<16xf32>,
    %broadcast_in_dim3A = arith.constant 1048576 : i32
    %broadcast_in_dim3A_4 = vector.broadcast %broadcast_in_dim3A : i32 to vector<16xi32>
    %broadcast_in_dim3A_5 = arith.constant 128 : i32
    %broadcast_in_dim3A_6 = vector.broadcast %broadcast_in_dim3A_5 : i32 to vector<16xi32>
    %scan3A = arith.constant 0 : i32
    %scan3A_7 = arith.constant 2 : i32
    %scan3A_8 = arith.addi %scan3A, %scan3A_7 : i32
    %scan3A_9 = arith.constant 1 : i32
    scf.for %scan3A_11 = %scan3A to %scan3A_8 step %scan3A_9  : i32 {
      %mul3A_12 = arith.constant 32 : i32
      %mul3A_13 = arith.muli %scan3A_11, %mul3A_12 : i32
      %add3A_14 = arith.addi %add3A, %mul3A_13 : i32
      %jit3A = arith.constant 4 : i32
      %div3A = arith.divsi %add3A_14, %jit3A : i32
      %sign3A = arith.constant 0 : i32
      %sign3A_15 = arith.cmpi sgt, %add3A_14, %sign3A : i32
      %sign3A_16 = arith.extui %sign3A_15 : i1 to i32
      %sign3A_17 = arith.constant 0 : i32
      %sign3A_18 = arith.cmpi slt, %add3A_14, %sign3A_17 : i32
      %sign3A_19 = arith.extui %sign3A_18 : i1 to i32
      %sign3A_20 = arith.subi %sign3A_16, %sign3A_19 : i32
      %sign3A_21 = arith.constant 0 : i32
      %sign3A_22 = arith.cmpi sgt, %jit3A, %sign3A_21 : i32
      %sign3A_23 = arith.extui %sign3A_22 : i1 to i32
      %sign3A_24 = arith.constant 0 : i32
      %sign3A_25 = arith.cmpi slt, %jit3A, %sign3A_24 : i32
      %sign3A_26 = arith.extui %sign3A_25 : i1 to i32
      %sign3A_27 = arith.subi %sign3A_23, %sign3A_26 : i32
      %ne3A = arith.cmpi ne, %sign3A_20, %sign3A_27 : i32
      %rem3A = arith.remsi %add3A_14, %jit3A : i32
      %ne3A_28 = arith.constant 0 : i32
      %ne3A_29 = arith.cmpi ne, %rem3A, %ne3A_28 : i32
      %and3A = arith.andi %ne3A, %ne3A_29 : i1
      %sub3A = arith.constant 1 : i32
      %sub3A_30 = arith.subi %div3A, %sub3A : i32
      %select_n3A = arith.select %and3A, %sub3A_30, %div3A : i32
      %jit3A_31 = arith.constant 4 : i32
      %eq3A = arith.constant 0 : i32
      %eq3A_32 = arith.cmpi eq, %jit3A_31, %eq3A : i32
      %jit3A_33 = arith.constant 1 : i32
      %select_n3A_34 = arith.select %eq3A_32, %jit3A_33, %jit3A_31 : i32
      %rem3A_35 = arith.remsi %add3A_14, %select_n3A_34 : i32
      %ne3A_36 = arith.constant 0 : i32
      %ne3A_37 = arith.cmpi ne, %rem3A_35, %ne3A_36 : i32
      %lt3A = arith.constant 0 : i32
      %lt3A_38 = arith.cmpi slt, %rem3A_35, %lt3A : i32
      %lt3A_39 = arith.constant 0 : i32
      %lt3A_40 = arith.cmpi slt, %select_n3A_34, %lt3A_39 : i32
      %ne3A_41 = arith.xori %lt3A_38, %lt3A_40 : i1
      %and3A_42 = arith.andi %ne3A_41, %ne3A_37 : i1
      %add3A_43 = arith.addi %rem3A_35, %select_n3A_34 : i32
      %select_n3A_44 = arith.select %and3A_42, %add3A_43, %rem3A_35 : i32
      %mul3A_45 = arith.constant 128 : i32
      %mul3A_46 = arith.muli %select_n3A_44, %mul3A_45 : i32
      "tpu.region"() ({
        %run_scoped3A_65 = tpu.sem_alloc : memref<!tpu.dma_semaphore, #tpu.memory_space<semaphore_mem>>
        %dma_start3A = arith.constant 0 : i32
        %dma_start3A_66 = tpu.memref_slice %arg2[%select_n3A, %dma_start3A] : memref<16x1024xi32, #tpu.memory_space<hbm>> -> memref<1x1024xi32, #tpu.memory_space<hbm>>
        %dma_start3A_67 = tpu.memref_squeeze %dma_start3A_66 : memref<1x1024xi32, #tpu.memory_space<hbm>> -> memref<1024xi32, #tpu.memory_space<hbm>>
        %dma_start3A_68 = arith.constant 0 : i32
        %dma_start3A_69 = tpu.memref_slice %arg2[%select_n3A, %dma_start3A_68] : memref<16x1024xi32, #tpu.memory_space<hbm>> -> memref<1x1024xi32, #tpu.memory_space<hbm>>
        %dma_start3A_70 = tpu.memref_squeeze %dma_start3A_69 : memref<1x1024xi32, #tpu.memory_space<hbm>> -> memref<1024xi32, #tpu.memory_space<hbm>>
        tpu.enqueue_dma source(%dma_start3A_70 : memref<1024xi32, #tpu.memory_space<hbm>>) target(%arg5 : memref<1024xi32, #tpu.memory_space<vmem>>) target_semaphore(%run_scoped3A_65 : memref<!tpu.dma_semaphore, #tpu.memory_space<semaphore_mem>>)
        %dma_wait3A = arith.constant 0 : i32
        %dma_wait3A_71 = tpu.memref_slice %arg2[%select_n3A, %dma_wait3A] : memref<16x1024xi32, #tpu.memory_space<hbm>> -> memref<1x1024xi32, #tpu.memory_space<hbm>>
        %dma_wait3A_72 = tpu.memref_squeeze %dma_wait3A_71 : memref<1x1024xi32, #tpu.memory_space<hbm>> -> memref<1024xi32, #tpu.memory_space<hbm>>
        %dma_wait3A_73 = arith.constant 0 : i32
        %dma_wait3A_74 = tpu.memref_slice %arg2[%select_n3A, %dma_wait3A_73] : memref<16x1024xi32, #tpu.memory_space<hbm>> -> memref<1x1024xi32, #tpu.memory_space<hbm>>
        %dma_wait3A_75 = tpu.memref_squeeze %dma_wait3A_74 : memref<1x1024xi32, #tpu.memory_space<hbm>> -> memref<1024xi32, #tpu.memory_space<hbm>>
        tpu.wait_dma2 semaphore(%run_scoped3A_65 : memref<!tpu.dma_semaphore, #tpu.memory_space<semaphore_mem>>) src(%dma_wait3A_75 : memref<1024xi32, #tpu.memory_space<hbm>>) dst(%arg5 : memref<1024xi32, #tpu.memory_space<vmem>>)
        tpu.yield
      }) : () -> ()
      %scan3A_47 = arith.constant 0 : i32
      %scan3A_48 = arith.constant 128 : i32
      %scan3A_49 = arith.addi %scan3A_47, %scan3A_48 : i32
      %scan3A_50 = arith.constant 1 : i32
      scf.for %scan3A_65 = %scan3A_47 to %scan3A_49 step %scan3A_50  : i32 {
        %swap3A_66 = arith.index_cast %scan3A_65 : i32 to index
        %swap3A_67 = arith.constant 0 : index
        %swap3A_68 = tpu.vector_load %arg7[%swap3A_66, %swap3A_67] {strides = array<i32>} : memref<129x512xf32, #tpu.memory_space<vmem>>, vector<16xf32>,
        tpu.vector_store %arg7[%swap3A_66, %swap3A_67], %get3A_3 {strides = array<i32>} : memref<129x512xf32, #tpu.memory_space<vmem>>, vector<16xf32>,
        %swap3A_69 = arith.index_cast %scan3A_65 : i32 to index
        %swap3A_70 = arith.constant 16 : index
        %swap3A_71 = tpu.vector_load %arg7[%swap3A_69, %swap3A_70] {strides = array<i32>} : memref<129x512xf32, #tpu.memory_space<vmem>>, vector<16xf32>,
        tpu.vector_store %arg7[%swap3A_69, %swap3A_70], %get3A_3 {strides = array<i32>} : memref<129x512xf32, #tpu.memory_space<vmem>>, vector<16xf32>,
        %swap3A_72 = arith.index_cast %scan3A_65 : i32 to index
        %swap3A_73 = arith.constant 32 : index
        %swap3A_74 = tpu.vector_load %arg7[%swap3A_72, %swap3A_73] {strides = array<i32>} : memref<129x512xf32, #tpu.memory_space<vmem>>, vector<16xf32>,
        tpu.vector_store %arg7[%swap3A_72, %swap3A_73], %get3A_3 {strides = array<i32>} : memref<129x512xf32, #tpu.memory_space<vmem>>, vector<16xf32>,
        %swap3A_75 = arith.index_cast %scan3A_65 : i32 to index
        %swap3A_76 = arith.constant 48 : index
        %swap3A_77 = tpu.vector_load %arg7[%swap3A_75, %swap3A_76] {strides = array<i32>} : memref<129x512xf32, #tpu.memory_space<vmem>>, vector<16xf32>,
        tpu.vector_store %arg7[%swap3A_75, %swap3A_76], %get3A_3 {strides = array<i32>} : memref<129x512xf32, #tpu.memory_space<vmem>>, vector<16xf32>,
        %swap3A_78 = arith.index_cast %scan3A_65 : i32 to index
        %swap3A_79 = arith.constant 64 : index
        %swap3A_80 = tpu.vector_load %arg7[%swap3A_78, %swap3A_79] {strides = array<i32>} : memref<129x512xf32, #tpu.memory_space<vmem>>, vector<16xf32>,
        tpu.vector_store %arg7[%swap3A_78, %swap3A_79], %get3A_3 {strides = array<i32>} : memref<129x512xf32, #tpu.memory_space<vmem>>, vector<16xf32>,
        %swap3A_81 = arith.index_cast %scan3A_65 : i32 to index
        %swap3A_82 = arith.constant 80 : index
        %swap3A_83 = tpu.vector_load %arg7[%swap3A_81, %swap3A_82] {strides = array<i32>} : memref<129x512xf32, #tpu.memory_space<vmem>>, vector<16xf32>,
        tpu.vector_store %arg7[%swap3A_81, %swap3A_82], %get3A_3 {strides = array<i32>} : memref<129x512xf32, #tpu.memory_space<vmem>>, vector<16xf32>,
        %swap3A_84 = arith.index_cast %scan3A_65 : i32 to index
        %swap3A_85 = arith.constant 96 : index
        %swap3A_86 = tpu.vector_load %arg7[%swap3A_84, %swap3A_85] {strides = array<i32>} : memref<129x512xf32, #tpu.memory_space<vmem>>, vector<16xf32>,
        tpu.vector_store %arg7[%swap3A_84, %swap3A_85], %get3A_3 {strides = array<i32>} : memref<129x512xf32, #tpu.memory_space<vmem>>, vector<16xf32>,
        %swap3A_87 = arith.index_cast %scan3A_65 : i32 to index
        %swap3A_88 = arith.constant 112 : index
        %swap3A_89 = tpu.vector_load %arg7[%swap3A_87, %swap3A_88] {strides = array<i32>} : memref<129x512xf32, #tpu.memory_space<vmem>>, vector<16xf32>,
        tpu.vector_store %arg7[%swap3A_87, %swap3A_88], %get3A_3 {strides = array<i32>} : memref<129x512xf32, #tpu.memory_space<vmem>>, vector<16xf32>,
        %swap3A_90 = arith.index_cast %scan3A_65 : i32 to index
        %swap3A_91 = arith.constant 128 : index
        %swap3A_92 = tpu.vector_load %arg7[%swap3A_90, %swap3A_91] {strides = array<i32>} : memref<129x512xf32, #tpu.memory_space<vmem>>, vector<16xf32>,
        tpu.vector_store %arg7[%swap3A_90, %swap3A_91], %get3A_3 {strides = array<i32>} : memref<129x512xf32, #tpu.memory_space<vmem>>, vector<16xf32>,
        %swap3A_93 = arith.index_cast %scan3A_65 : i32 to index
        %swap3A_94 = arith.constant 144 : index
        %swap3A_95 = tpu.vector_load %arg7[%swap3A_93, %swap3A_94] {strides = array<i32>} : memref<129x512xf32, #tpu.memory_space<vmem>>, vector<16xf32>,
        tpu.vector_store %arg7[%swap3A_93, %swap3A_94], %get3A_3 {strides = array<i32>} : memref<129x512xf32, #tpu.memory_space<vmem>>, vector<16xf32>,
        %swap3A_96 = arith.index_cast %scan3A_65 : i32 to index
        %swap3A_97 = arith.constant 160 : index
        %swap3A_98 = tpu.vector_load %arg7[%swap3A_96, %swap3A_97] {strides = array<i32>} : memref<129x512xf32, #tpu.memory_space<vmem>>, vector<16xf32>,
        tpu.vector_store %arg7[%swap3A_96, %swap3A_97], %get3A_3 {strides = array<i32>} : memref<129x512xf32, #tpu.memory_space<vmem>>, vector<16xf32>,
        %swap3A_99 = arith.index_cast %scan3A_65 : i32 to index
        %swap3A_100 = arith.constant 176 : index
        %swap3A_101 = tpu.vector_load %arg7[%swap3A_99, %swap3A_100] {strides = array<i32>} : memref<129x512xf32, #tpu.memory_space<vmem>>, vector<16xf32>,
        tpu.vector_store %arg7[%swap3A_99, %swap3A_100], %get3A_3 {strides = array<i32>} : memref<129x512xf32, #tpu.memory_space<vmem>>, vector<16xf32>,
        %swap3A_102 = arith.index_cast %scan3A_65 : i32 to index
        %swap3A_103 = arith.constant 192 : index
        %swap3A_104 = tpu.vector_load %arg7[%swap3A_102, %swap3A_103] {strides = array<i32>} : memref<129x512xf32, #tpu.memory_space<vmem>>, vector<16xf32>,
        tpu.vector_store %arg7[%swap3A_102, %swap3A_103], %get3A_3 {strides = array<i32>} : memref<129x512xf32, #tpu.memory_space<vmem>>, vector<16xf32>,
        %swap3A_105 = arith.index_cast %scan3A_65 : i32 to index
        %swap3A_106 = arith.constant 208 : index
        %swap3A_107 = tpu.vector_load %arg7[%swap3A_105, %swap3A_106] {strides = array<i32>} : memref<129x512xf32, #tpu.memory_space<vmem>>, vector<16xf32>,
        tpu.vector_store %arg7[%swap3A_105, %swap3A_106], %get3A_3 {strides = array<i32>} : memref<129x512xf32, #tpu.memory_space<vmem>>, vector<16xf32>,
        %swap3A_108 = arith.index_cast %scan3A_65 : i32 to index
        %swap3A_109 = arith.constant 224 : index
        %swap3A_110 = tpu.vector_load %arg7[%swap3A_108, %swap3A_109] {strides = array<i32>} : memref<129x512xf32, #tpu.memory_space<vmem>>, vector<16xf32>,
        tpu.vector_store %arg7[%swap3A_108, %swap3A_109], %get3A_3 {strides = array<i32>} : memref<129x512xf32, #tpu.memory_space<vmem>>, vector<16xf32>,
        %swap3A_111 = arith.index_cast %scan3A_65 : i32 to index
        %swap3A_112 = arith.constant 240 : index
        %swap3A_113 = tpu.vector_load %arg7[%swap3A_111, %swap3A_112] {strides = array<i32>} : memref<129x512xf32, #tpu.memory_space<vmem>>, vector<16xf32>,
        tpu.vector_store %arg7[%swap3A_111, %swap3A_112], %get3A_3 {strides = array<i32>} : memref<129x512xf32, #tpu.memory_space<vmem>>, vector<16xf32>,
        %swap3A_114 = arith.index_cast %scan3A_65 : i32 to index
        %swap3A_115 = arith.constant 256 : index
        %swap3A_116 = tpu.vector_load %arg7[%swap3A_114, %swap3A_115] {strides = array<i32>} : memref<129x512xf32, #tpu.memory_space<vmem>>, vector<16xf32>,
        tpu.vector_store %arg7[%swap3A_114, %swap3A_115], %get3A_3 {strides = array<i32>} : memref<129x512xf32, #tpu.memory_space<vmem>>, vector<16xf32>,
        %swap3A_117 = arith.index_cast %scan3A_65 : i32 to index
        %swap3A_118 = arith.constant 272 : index
        %swap3A_119 = tpu.vector_load %arg7[%swap3A_117, %swap3A_118] {strides = array<i32>} : memref<129x512xf32, #tpu.memory_space<vmem>>, vector<16xf32>,
        tpu.vector_store %arg7[%swap3A_117, %swap3A_118], %get3A_3 {strides = array<i32>} : memref<129x512xf32, #tpu.memory_space<vmem>>, vector<16xf32>,
        %swap3A_120 = arith.index_cast %scan3A_65 : i32 to index
        %swap3A_121 = arith.constant 288 : index
        %swap3A_122 = tpu.vector_load %arg7[%swap3A_120, %swap3A_121] {strides = array<i32>} : memref<129x512xf32, #tpu.memory_space<vmem>>, vector<16xf32>,
        tpu.vector_store %arg7[%swap3A_120, %swap3A_121], %get3A_3 {strides = array<i32>} : memref<129x512xf32, #tpu.memory_space<vmem>>, vector<16xf32>,
        %swap3A_123 = arith.index_cast %scan3A_65 : i32 to index
        %swap3A_124 = arith.constant 304 : index
        %swap3A_125 = tpu.vector_load %arg7[%swap3A_123, %swap3A_124] {strides = array<i32>} : memref<129x512xf32, #tpu.memory_space<vmem>>, vector<16xf32>,
        tpu.vector_store %arg7[%swap3A_123, %swap3A_124], %get3A_3 {strides = array<i32>} : memref<129x512xf32, #tpu.memory_space<vmem>>, vector<16xf32>,
        %swap3A_126 = arith.index_cast %scan3A_65 : i32 to index
        %swap3A_127 = arith.constant 320 : index
        %swap3A_128 = tpu.vector_load %arg7[%swap3A_126, %swap3A_127] {strides = array<i32>} : memref<129x512xf32, #tpu.memory_space<vmem>>, vector<16xf32>,
        tpu.vector_store %arg7[%swap3A_126, %swap3A_127], %get3A_3 {strides = array<i32>} : memref<129x512xf32, #tpu.memory_space<vmem>>, vector<16xf32>,
        %swap3A_129 = arith.index_cast %scan3A_65 : i32 to index
        %swap3A_130 = arith.constant 336 : index
        %swap3A_131 = tpu.vector_load %arg7[%swap3A_129, %swap3A_130] {strides = array<i32>} : memref<129x512xf32, #tpu.memory_space<vmem>>, vector<16xf32>,
        tpu.vector_store %arg7[%swap3A_129, %swap3A_130], %get3A_3 {strides = array<i32>} : memref<129x512xf32, #tpu.memory_space<vmem>>, vector<16xf32>,
        %swap3A_132 = arith.index_cast %scan3A_65 : i32 to index
        %swap3A_133 = arith.constant 352 : index
        %swap3A_134 = tpu.vector_load %arg7[%swap3A_132, %swap3A_133] {strides = array<i32>} : memref<129x512xf32, #tpu.memory_space<vmem>>, vector<16xf32>,
        tpu.vector_store %arg7[%swap3A_132, %swap3A_133], %get3A_3 {strides = array<i32>} : memref<129x512xf32, #tpu.memory_space<vmem>>, vector<16xf32>,
        %swap3A_135 = arith.index_cast %scan3A_65 : i32 to index
        %swap3A_136 = arith.constant 368 : index
        %swap3A_137 = tpu.vector_load %arg7[%swap3A_135, %swap3A_136] {strides = array<i32>} : memref<129x512xf32, #tpu.memory_space<vmem>>, vector<16xf32>,
        tpu.vector_store %arg7[%swap3A_135, %swap3A_136], %get3A_3 {strides = array<i32>} : memref<129x512xf32, #tpu.memory_space<vmem>>, vector<16xf32>,
        %swap3A_138 = arith.index_cast %scan3A_65 : i32 to index
        %swap3A_139 = arith.constant 384 : index
        %swap3A_140 = tpu.vector_load %arg7[%swap3A_138, %swap3A_139] {strides = array<i32>} : memref<129x512xf32, #tpu.memory_space<vmem>>, vector<16xf32>,
        tpu.vector_store %arg7[%swap3A_138, %swap3A_139], %get3A_3 {strides = array<i32>} : memref<129x512xf32, #tpu.memory_space<vmem>>, vector<16xf32>,
        %swap3A_141 = arith.index_cast %scan3A_65 : i32 to index
        %swap3A_142 = arith.constant 400 : index
        %swap3A_143 = tpu.vector_load %arg7[%swap3A_141, %swap3A_142] {strides = array<i32>} : memref<129x512xf32, #tpu.memory_space<vmem>>, vector<16xf32>,
        tpu.vector_store %arg7[%swap3A_141, %swap3A_142], %get3A_3 {strides = array<i32>} : memref<129x512xf32, #tpu.memory_space<vmem>>, vector<16xf32>,
        %swap3A_144 = arith.index_cast %scan3A_65 : i32 to index
        %swap3A_145 = arith.constant 416 : index
        %swap3A_146 = tpu.vector_load %arg7[%swap3A_144, %swap3A_145] {strides = array<i32>} : memref<129x512xf32, #tpu.memory_space<vmem>>, vector<16xf32>,
        tpu.vector_store %arg7[%swap3A_144, %swap3A_145], %get3A_3 {strides = array<i32>} : memref<129x512xf32, #tpu.memory_space<vmem>>, vector<16xf32>,
        %swap3A_147 = arith.index_cast %scan3A_65 : i32 to index
        %swap3A_148 = arith.constant 432 : index
        %swap3A_149 = tpu.vector_load %arg7[%swap3A_147, %swap3A_148] {strides = array<i32>} : memref<129x512xf32, #tpu.memory_space<vmem>>, vector<16xf32>,
        tpu.vector_store %arg7[%swap3A_147, %swap3A_148], %get3A_3 {strides = array<i32>} : memref<129x512xf32, #tpu.memory_space<vmem>>, vector<16xf32>,
        %swap3A_150 = arith.index_cast %scan3A_65 : i32 to index
        %swap3A_151 = arith.constant 448 : index
        %swap3A_152 = tpu.vector_load %arg7[%swap3A_150, %swap3A_151] {strides = array<i32>} : memref<129x512xf32, #tpu.memory_space<vmem>>, vector<16xf32>,
        tpu.vector_store %arg7[%swap3A_150, %swap3A_151], %get3A_3 {strides = array<i32>} : memref<129x512xf32, #tpu.memory_space<vmem>>, vector<16xf32>,
        %swap3A_153 = arith.index_cast %scan3A_65 : i32 to index
        %swap3A_154 = arith.constant 464 : index
        %swap3A_155 = tpu.vector_load %arg7[%swap3A_153, %swap3A_154] {strides = array<i32>} : memref<129x512xf32, #tpu.memory_space<vmem>>, vector<16xf32>,
        tpu.vector_store %arg7[%swap3A_153, %swap3A_154], %get3A_3 {strides = array<i32>} : memref<129x512xf32, #tpu.memory_space<vmem>>, vector<16xf32>,
        %swap3A_156 = arith.index_cast %scan3A_65 : i32 to index
        %swap3A_157 = arith.constant 480 : index
        %swap3A_158 = tpu.vector_load %arg7[%swap3A_156, %swap3A_157] {strides = array<i32>} : memref<129x512xf32, #tpu.memory_space<vmem>>, vector<16xf32>,
        tpu.vector_store %arg7[%swap3A_156, %swap3A_157], %get3A_3 {strides = array<i32>} : memref<129x512xf32, #tpu.memory_space<vmem>>, vector<16xf32>,
        %swap3A_159 = arith.index_cast %scan3A_65 : i32 to index
        %swap3A_160 = arith.constant 496 : index
        %swap3A_161 = tpu.vector_load %arg7[%swap3A_159, %swap3A_160] {strides = array<i32>} : memref<129x512xf32, #tpu.memory_space<vmem>>, vector<16xf32>,
        tpu.vector_store %arg7[%swap3A_159, %swap3A_160], %get3A_3 {strides = array<i32>} : memref<129x512xf32, #tpu.memory_space<vmem>>, vector<16xf32>,
      }
      %scan3A_51 = arith.constant 128 : i32
      %scan3A_52 = arith.constant 0 : i32
      %scan3A_53 = arith.constant 0 : i32
      %scan3A_54 = arith.constant 64 : i32
      %scan3A_55 = arith.addi %scan3A_53, %scan3A_54 : i32
      %scan3A_56 = arith.constant 1 : i32
      %scan3A_57 = scf.for %scan3A_65 = %scan3A_53 to %scan3A_55 step %scan3A_56 iter_args(%scan3A_66 = %scan3A_52) -> (i32)  : i32 {
        %mul3A_67 = arith.constant 16 : i32
        %mul3A_68 = arith.muli %scan3A_65, %mul3A_67 : i32
        %get3A_69 = arith.index_cast %mul3A_68 : i32 to index
        %get3A_70 = tpu.vector_load %arg5[%get3A_69] {strides = array<i32>} : memref<1024xi32, #tpu.memory_space<vmem>>, vector<16xi32>,
        %shift_right_logical3A = arith.constant 10 : i32
        %shift_right_logical3A_71 = vector.broadcast %shift_right_logical3A : i32 to vector<16xi32>
        %shift_right_logical3A_72 = arith.shrui %get3A_70, %shift_right_logical3A_71 : vector<16xi32>
        %add3A_73 = arith.constant 7 : i32
        %add3A_74 = arith.addi %add3A_73, %mul3A_46 : i32
        %sub3A_75 = vector.broadcast %add3A_74 : i32 to vector<16xi32>
        %sub3A_76 = arith.subi %shift_right_logical3A_72, %sub3A_75 : vector<16xi32>
        %add3A_77 = arith.constant 14 : i32
        %add3A_78 = vector.broadcast %add3A_77 : i32 to vector<16xi32>
        %add3A_79 = arith.addi %sub3A_76, %add3A_78 : vector<16xi32>
        %le3A = arith.constant 141 : i32
        %le3A_80 = vector.broadcast %le3A : i32 to vector<16xi32>
        %le3A_81 = arith.cmpi ule, %add3A_79, %le3A_80 : vector<16xi32>
        %swap3A_82 = arith.index_cast %scan3A_66 : i32 to index
        %swap3A_83 = tpu.vector_load %arg8[%swap3A_82] masked %le3A_81 {strides = array<i32>} : memref<1040xi32, #tpu.memory_space<vmem>>, vector<16xi32>, vector<16xi1>
        tpu.vector_store %arg8[%swap3A_82], %get3A_70 masked %le3A_81 {strides = array<i32>} : memref<1040xi32, #tpu.memory_space<vmem>>, vector<16xi32>, vector<16xi1>
        %all_reduce_population_count3A = tpu.all_reduce %le3A_81 {dim = 0 : i64, kind = #tpu.reduction_kind<sum>} : vector<16xi1> -> vector<16xi32>
        %slice3A = vector.extract_strided_slice %all_reduce_population_count3A {offsets = [0], sizes = [1], strides = [1]} : vector<16xi32> to vector<1xi32>
        %squeeze3A = vector.extract %slice3A[0] : i32 from vector<1xi32>
        %add3A_84 = arith.addi %scan3A_66, %squeeze3A : i32
        scf.yield %add3A_84 : i32
      }
      %scan3A_58 = arith.constant 64 : i32
      %swap3A = arith.index_cast %scan3A_57 : i32 to index
      %swap3A_59 = tpu.vector_load %arg8[%swap3A] {strides = array<i32>} : memref<1040xi32, #tpu.memory_space<vmem>>, vector<16xi32>,
      tpu.vector_store %arg8[%swap3A], %broadcast_in_dim3A_4 {strides = array<i32>} : memref<1040xi32, #tpu.memory_space<vmem>>, vector<16xi32>,
      %scan3A_60 = arith.constant 0 : i32
      %scan3A_61 = arith.constant 65 : i32
      %scan3A_62 = arith.addi %scan3A_60, %scan3A_61 : i32
      %scan3A_63 = arith.constant 1 : i32
      scf.for %scan3A_65 = %scan3A_60 to %scan3A_62 step %scan3A_63  : i32 {
        %mul3A_66 = arith.constant 16 : i32
        %mul3A_67 = arith.muli %scan3A_65, %mul3A_66 : i32
        %le3A = arith.cmpi sle, %mul3A_67, %scan3A_57 : i32
        %convert_element_type3A = arith.extui %le3A : i1 to i32
        %cond3A = arith.constant 0 : i32
        %cond3A_68 = arith.cmpi ne, %convert_element_type3A, %cond3A : i32
        scf.if %cond3A_68 {
          %mul3A_69 = arith.constant 16 : i32
          %mul3A_70 = arith.muli %scan3A_65, %mul3A_69 : i32
          %get3A_71 = arith.index_cast %mul3A_70 : i32 to index
          %get3A_72 = tpu.vector_load %arg8[%get3A_71] {strides = array<i32>} : memref<1040xi32, #tpu.memory_space<vmem>>, vector<16xi32>,
          %shift_right_logical3A = arith.constant 10 : i32
          %shift_right_logical3A_73 = vector.broadcast %shift_right_logical3A : i32 to vector<16xi32>
          %shift_right_logical3A_74 = arith.shrui %get3A_72, %shift_right_logical3A_73 : vector<16xi32>
          %and3A_75 = arith.constant 1023 : i32
          %and3A_76 = vector.broadcast %and3A_75 : i32 to vector<16xi32>
          %and3A_77 = arith.andi %get3A_72, %and3A_76 : vector<16xi32>
          %add3A_78 = arith.constant 7 : i32
          %add3A_79 = arith.addi %add3A_78, %mul3A_46 : i32
          %sub3A_80 = vector.broadcast %add3A_79 : i32 to vector<16xi32>
          %sub3A_81 = arith.subi %shift_right_logical3A_74, %sub3A_80 : vector<16xi32>
          %sub3A_82 = arith.constant 7 : i32
          %sub3A_83 = vector.broadcast %sub3A_82 : i32 to vector<16xi32>
          %sub3A_84 = arith.subi %and3A_77, %sub3A_83 : vector<16xi32>
          %lt3A_85 = arith.constant 512 : i32
          %lt3A_86 = vector.broadcast %lt3A_85 : i32 to vector<16xi32>
          %lt3A_87 = arith.cmpi ult, %sub3A_84, %lt3A_86 : vector<16xi32>
          %add3A_88 = arith.constant 1 : i32
          %add3A_89 = vector.broadcast %add3A_88 : i32 to vector<16xi32>
          %add3A_90 = arith.addi %sub3A_84, %add3A_89 : vector<16xi32>
          %lt3A_91 = arith.constant 512 : i32
          %lt3A_92 = vector.broadcast %lt3A_91 : i32 to vector<16xi32>
          %lt3A_93 = arith.cmpi ult, %add3A_90, %lt3A_92 : vector<16xi32>
          %add3A_94 = arith.constant 1 : i32
          %add3A_95 = vector.broadcast %add3A_94 : i32 to vector<16xi32>
          %add3A_96 = arith.addi %add3A_90, %add3A_95 : vector<16xi32>
          %lt3A_97 = arith.constant 512 : i32
          %lt3A_98 = vector.broadcast %lt3A_97 : i32 to vector<16xi32>
          %lt3A_99 = arith.cmpi ult, %add3A_96, %lt3A_98 : vector<16xi32>
          %add3A_100 = arith.constant 1 : i32
          %add3A_101 = vector.broadcast %add3A_100 : i32 to vector<16xi32>
          %add3A_102 = arith.addi %add3A_96, %add3A_101 : vector<16xi32>
          %lt3A_103 = arith.constant 512 : i32
          %lt3A_104 = vector.broadcast %lt3A_103 : i32 to vector<16xi32>
          %lt3A_105 = arith.cmpi ult, %add3A_102, %lt3A_104 : vector<16xi32>
          %add3A_106 = arith.constant 1 : i32
          %add3A_107 = vector.broadcast %add3A_106 : i32 to vector<16xi32>
          %add3A_108 = arith.addi %add3A_102, %add3A_107 : vector<16xi32>
          %lt3A_109 = arith.constant 512 : i32
          %lt3A_110 = vector.broadcast %lt3A_109 : i32 to vector<16xi32>
          %lt3A_111 = arith.cmpi ult, %add3A_108, %lt3A_110 : vector<16xi32>
          %add3A_112 = arith.constant 1 : i32
          %add3A_113 = vector.broadcast %add3A_112 : i32 to vector<16xi32>
          %add3A_114 = arith.addi %add3A_108, %add3A_113 : vector<16xi32>
          %lt3A_115 = arith.constant 512 : i32
          %lt3A_116 = vector.broadcast %lt3A_115 : i32 to vector<16xi32>
          %lt3A_117 = arith.cmpi ult, %add3A_114, %lt3A_116 : vector<16xi32>
          %add3A_118 = arith.constant 1 : i32
          %add3A_119 = vector.broadcast %add3A_118 : i32 to vector<16xi32>
          %add3A_120 = arith.addi %add3A_114, %add3A_119 : vector<16xi32>
          %lt3A_121 = arith.constant 512 : i32
          %lt3A_122 = vector.broadcast %lt3A_121 : i32 to vector<16xi32>
          %lt3A_123 = arith.cmpi ult, %add3A_120, %lt3A_122 : vector<16xi32>
          %add3A_124 = arith.constant 1 : i32
          %add3A_125 = vector.broadcast %add3A_124 : i32 to vector<16xi32>
          %add3A_126 = arith.addi %add3A_120, %add3A_125 : vector<16xi32>
          %lt3A_127 = arith.constant 512 : i32
          %lt3A_128 = vector.broadcast %lt3A_127 : i32 to vector<16xi32>
          %lt3A_129 = arith.cmpi ult, %add3A_126, %lt3A_128 : vector<16xi32>
          %add3A_130 = arith.constant 1 : i32
          %add3A_131 = vector.broadcast %add3A_130 : i32 to vector<16xi32>
          %add3A_132 = arith.addi %add3A_126, %add3A_131 : vector<16xi32>
          %lt3A_133 = arith.constant 512 : i32
          %lt3A_134 = vector.broadcast %lt3A_133 : i32 to vector<16xi32>
          %lt3A_135 = arith.cmpi ult, %add3A_132, %lt3A_134 : vector<16xi32>
          %add3A_136 = arith.constant 1 : i32
          %add3A_137 = vector.broadcast %add3A_136 : i32 to vector<16xi32>
          %add3A_138 = arith.addi %add3A_132, %add3A_137 : vector<16xi32>
          %lt3A_139 = arith.constant 512 : i32
          %lt3A_140 = vector.broadcast %lt3A_139 : i32 to vector<16xi32>
          %lt3A_141 = arith.cmpi ult, %add3A_138, %lt3A_140 : vector<16xi32>
          %add3A_142 = arith.constant 1 : i32
          %add3A_143 = vector.broadcast %add3A_142 : i32 to vector<16xi32>
          %add3A_144 = arith.addi %add3A_138, %add3A_143 : vector<16xi32>
          %lt3A_145 = arith.constant 512 : i32
          %lt3A_146 = vector.broadcast %lt3A_145 : i32 to vector<16xi32>
          %lt3A_147 = arith.cmpi ult, %add3A_144, %lt3A_146 : vector<16xi32>
          %add3A_148 = arith.constant 1 : i32
          %add3A_149 = vector.broadcast %add3A_148 : i32 to vector<16xi32>
          %add3A_150 = arith.addi %add3A_144, %add3A_149 : vector<16xi32>
          %lt3A_151 = arith.constant 512 : i32
          %lt3A_152 = vector.broadcast %lt3A_151 : i32 to vector<16xi32>
          %lt3A_153 = arith.cmpi ult, %add3A_150, %lt3A_152 : vector<16xi32>
          %add3A_154 = arith.constant 1 : i32
          %add3A_155 = vector.broadcast %add3A_154 : i32 to vector<16xi32>
          %add3A_156 = arith.addi %add3A_150, %add3A_155 : vector<16xi32>
          %lt3A_157 = arith.constant 512 : i32
          %lt3A_158 = vector.broadcast %lt3A_157 : i32 to vector<16xi32>
          %lt3A_159 = arith.cmpi ult, %add3A_156, %lt3A_158 : vector<16xi32>
          %add3A_160 = arith.constant 1 : i32
          %add3A_161 = vector.broadcast %add3A_160 : i32 to vector<16xi32>
          %add3A_162 = arith.addi %add3A_156, %add3A_161 : vector<16xi32>
          %lt3A_163 = arith.constant 512 : i32
          %lt3A_164 = vector.broadcast %lt3A_163 : i32 to vector<16xi32>
          %lt3A_165 = arith.cmpi ult, %add3A_162, %lt3A_164 : vector<16xi32>
          %add3A_166 = arith.constant 1 : i32
          %add3A_167 = vector.broadcast %add3A_166 : i32 to vector<16xi32>
          %add3A_168 = arith.addi %add3A_162, %add3A_167 : vector<16xi32>
          %lt3A_169 = arith.constant 512 : i32
          %lt3A_170 = vector.broadcast %lt3A_169 : i32 to vector<16xi32>
          %lt3A_171 = arith.cmpi ult, %add3A_168, %lt3A_170 : vector<16xi32>
          %get3A_172 = arith.constant 0 : i32
          %get3A_173 = arith.index_cast %get3A_172 : i32 to index
          %get3A_174 = arith.constant 0 : index
          %get3A_175 = tpu.vector_load %arg6[%get3A_173, %get3A_174] {strides = array<i32>} : memref<240x16xf32, #tpu.memory_space<vmem>>, vector<16xf32>,
          %get3A_176 = arith.constant 1 : i32
          %get3A_177 = arith.index_cast %get3A_176 : i32 to index
          %get3A_178 = arith.constant 0 : index
          %get3A_179 = tpu.vector_load %arg6[%get3A_177, %get3A_178] {strides = array<i32>} : memref<240x16xf32, #tpu.memory_space<vmem>>, vector<16xf32>,
          %get3A_180 = arith.constant 2 : i32
          %get3A_181 = arith.index_cast %get3A_180 : i32 to index
          %get3A_182 = arith.constant 0 : index
          %get3A_183 = tpu.vector_load %arg6[%get3A_181, %get3A_182] {strides = array<i32>} : memref<240x16xf32, #tpu.memory_space<vmem>>, vector<16xf32>,
          %get3A_184 = arith.constant 3 : i32
          %get3A_185 = arith.index_cast %get3A_184 : i32 to index
          %get3A_186 = arith.constant 0 : index
          %get3A_187 = tpu.vector_load %arg6[%get3A_185, %get3A_186] {strides = array<i32>} : memref<240x16xf32, #tpu.memory_space<vmem>>, vector<16xf32>,
          %get3A_188 = arith.constant 4 : i32
          %get3A_189 = arith.index_cast %get3A_188 : i32 to index
          %get3A_190 = arith.constant 0 : index
          %get3A_191 = tpu.vector_load %arg6[%get3A_189, %get3A_190] {strides = array<i32>} : memref<240x16xf32, #tpu.memory_space<vmem>>, vector<16xf32>,
          %get3A_192 = arith.constant 5 : i32
          %get3A_193 = arith.index_cast %get3A_192 : i32 to index
          %get3A_194 = arith.constant 0 : index
          %get3A_195 = tpu.vector_load %arg6[%get3A_193, %get3A_194] {strides = array<i32>} : memref<240x16xf32, #tpu.memory_space<vmem>>, vector<16xf32>,
          %get3A_196 = arith.constant 6 : i32
          %get3A_197 = arith.index_cast %get3A_196 : i32 to index
          %get3A_198 = arith.constant 0 : index
          %get3A_199 = tpu.vector_load %arg6[%get3A_197, %get3A_198] {strides = array<i32>} : memref<240x16xf32, #tpu.memory_space<vmem>>, vector<16xf32>,
          %get3A_200 = arith.constant 7 : i32
          %get3A_201 = arith.index_cast %get3A_200 : i32 to index
          %get3A_202 = arith.constant 0 : index
          %get3A_203 = tpu.vector_load %arg6[%get3A_201, %get3A_202] {strides = array<i32>} : memref<240x16xf32, #tpu.memory_space<vmem>>, vector<16xf32>,
          %get3A_204 = arith.constant 8 : i32
          %get3A_205 = arith.index_cast %get3A_204 : i32 to index
          %get3A_206 = arith.constant 0 : index
          %get3A_207 = tpu.vector_load %arg6[%get3A_205, %get3A_206] {strides = array<i32>} : memref<240x16xf32, #tpu.memory_space<vmem>>, vector<16xf32>,
          %get3A_208 = arith.constant 9 : i32
          %get3A_209 = arith.index_cast %get3A_208 : i32 to index
          %get3A_210 = arith.constant 0 : index
          %get3A_211 = tpu.vector_load %arg6[%get3A_209, %get3A_210] {strides = array<i32>} : memref<240x16xf32, #tpu.memory_space<vmem>>, vector<16xf32>,
          %get3A_212 = arith.constant 10 : i32
          %get3A_213 = arith.index_cast %get3A_212 : i32 to index
          %get3A_214 = arith.constant 0 : index
          %get3A_215 = tpu.vector_load %arg6[%get3A_213, %get3A_214] {strides = array<i32>} : memref<240x16xf32, #tpu.memory_space<vmem>>, vector<16xf32>,
          %get3A_216 = arith.constant 11 : i32
          %get3A_217 = arith.index_cast %get3A_216 : i32 to index
          %get3A_218 = arith.constant 0 : index
          %get3A_219 = tpu.vector_load %arg6[%get3A_217, %get3A_218] {strides = array<i32>} : memref<240x16xf32, #tpu.memory_space<vmem>>, vector<16xf32>,
          %get3A_220 = arith.constant 12 : i32
          %get3A_221 = arith.index_cast %get3A_220 : i32 to index
          %get3A_222 = arith.constant 0 : index
          %get3A_223 = tpu.vector_load %arg6[%get3A_221, %get3A_222] {strides = array<i32>} : memref<240x16xf32, #tpu.memory_space<vmem>>, vector<16xf32>,
          %get3A_224 = arith.constant 13 : i32
          %get3A_225 = arith.index_cast %get3A_224 : i32 to index
          %get3A_226 = arith.constant 0 : index
          %get3A_227 = tpu.vector_load %arg6[%get3A_225, %get3A_226] {strides = array<i32>} : memref<240x16xf32, #tpu.memory_space<vmem>>, vector<16xf32>,
          %get3A_228 = arith.constant 14 : i32
          %get3A_229 = arith.index_cast %get3A_228 : i32 to index
          %get3A_230 = arith.constant 0 : index
          %get3A_231 = tpu.vector_load %arg6[%get3A_229, %get3A_230] {strides = array<i32>} : memref<240x16xf32, #tpu.memory_space<vmem>>, vector<16xf32>,
          %add3A_232 = arith.constant 0 : i32
          %add3A_233 = vector.broadcast %add3A_232 : i32 to vector<16xi32>
          %add3A_234 = arith.addi %sub3A_81, %add3A_233 : vector<16xi32>
          %lt3A_235 = arith.constant 128 : i32
          %lt3A_236 = vector.broadcast %lt3A_235 : i32 to vector<16xi32>
          %lt3A_237 = arith.cmpi ult, %add3A_234, %lt3A_236 : vector<16xi32>
          %select_n3A_238 = arith.select %lt3A_237, %add3A_234, %broadcast_in_dim3A_6 : vector<16xi1>, vector<16xi32>
          tpu.vector_store_idx %arg7[%select_n3A_238, %sub3A_84], %get3A_175 masked %lt3A_87 {add = true} : memref<129x512xf32, #tpu.memory_space<vmem>>[vector<16xi32>, vector<16xi32>], vector<16xf32>, vector<16xi1>
          %add3A_239 = arith.constant 1 : i32
          %add3A_240 = vector.broadcast %add3A_239 : i32 to vector<16xi32>
          %add3A_241 = arith.addi %sub3A_84, %add3A_240 : vector<16xi32>
          tpu.vector_store_idx %arg7[%select_n3A_238, %add3A_241], %get3A_179 masked %lt3A_93 {add = true} : memref<129x512xf32, #tpu.memory_space<vmem>>[vector<16xi32>, vector<16xi32>], vector<16xf32>, vector<16xi1>
          %add3A_242 = arith.constant 1 : i32
          %add3A_243 = vector.broadcast %add3A_242 : i32 to vector<16xi32>
          %add3A_244 = arith.addi %add3A_241, %add3A_243 : vector<16xi32>
          tpu.vector_store_idx %arg7[%select_n3A_238, %add3A_244], %get3A_183 masked %lt3A_99 {add = true} : memref<129x512xf32, #tpu.memory_space<vmem>>[vector<16xi32>, vector<16xi32>], vector<16xf32>, vector<16xi1>
          %add3A_245 = arith.constant 1 : i32
          %add3A_246 = vector.broadcast %add3A_245 : i32 to vector<16xi32>
          %add3A_247 = arith.addi %add3A_244, %add3A_246 : vector<16xi32>
          tpu.vector_store_idx %arg7[%select_n3A_238, %add3A_247], %get3A_187 masked %lt3A_105 {add = true} : memref<129x512xf32, #tpu.memory_space<vmem>>[vector<16xi32>, vector<16xi32>], vector<16xf32>, vector<16xi1>
          %add3A_248 = arith.constant 1 : i32
          %add3A_249 = vector.broadcast %add3A_248 : i32 to vector<16xi32>
          %add3A_250 = arith.addi %add3A_247, %add3A_249 : vector<16xi32>
          tpu.vector_store_idx %arg7[%select_n3A_238, %add3A_250], %get3A_191 masked %lt3A_111 {add = true} : memref<129x512xf32, #tpu.memory_space<vmem>>[vector<16xi32>, vector<16xi32>], vector<16xf32>, vector<16xi1>
          %add3A_251 = arith.constant 1 : i32
          %add3A_252 = vector.broadcast %add3A_251 : i32 to vector<16xi32>
          %add3A_253 = arith.addi %add3A_250, %add3A_252 : vector<16xi32>
          tpu.vector_store_idx %arg7[%select_n3A_238, %add3A_253], %get3A_195 masked %lt3A_117 {add = true} : memref<129x512xf32, #tpu.memory_space<vmem>>[vector<16xi32>, vector<16xi32>], vector<16xf32>, vector<16xi1>
          %add3A_254 = arith.constant 1 : i32
          %add3A_255 = vector.broadcast %add3A_254 : i32 to vector<16xi32>
          %add3A_256 = arith.addi %add3A_253, %add3A_255 : vector<16xi32>
          tpu.vector_store_idx %arg7[%select_n3A_238, %add3A_256], %get3A_199 masked %lt3A_123 {add = true} : memref<129x512xf32, #tpu.memory_space<vmem>>[vector<16xi32>, vector<16xi32>], vector<16xf32>, vector<16xi1>
          %add3A_257 = arith.constant 1 : i32
          %add3A_258 = vector.broadcast %add3A_257 : i32 to vector<16xi32>
          %add3A_259 = arith.addi %add3A_256, %add3A_258 : vector<16xi32>
          tpu.vector_store_idx %arg7[%select_n3A_238, %add3A_259], %get3A_203 masked %lt3A_129 {add = true} : memref<129x512xf32, #tpu.memory_space<vmem>>[vector<16xi32>, vector<16xi32>], vector<16xf32>, vector<16xi1>
          %add3A_260 = arith.constant 1 : i32
          %add3A_261 = vector.broadcast %add3A_260 : i32 to vector<16xi32>
          %add3A_262 = arith.addi %add3A_259, %add3A_261 : vector<16xi32>
          tpu.vector_store_idx %arg7[%select_n3A_238, %add3A_262], %get3A_207 masked %lt3A_135 {add = true} : memref<129x512xf32, #tpu.memory_space<vmem>>[vector<16xi32>, vector<16xi32>], vector<16xf32>, vector<16xi1>
          %add3A_263 = arith.constant 1 : i32
          %add3A_264 = vector.broadcast %add3A_263 : i32 to vector<16xi32>
          %add3A_265 = arith.addi %add3A_262, %add3A_264 : vector<16xi32>
          tpu.vector_store_idx %arg7[%select_n3A_238, %add3A_265], %get3A_211 masked %lt3A_141 {add = true} : memref<129x512xf32, #tpu.memory_space<vmem>>[vector<16xi32>, vector<16xi32>], vector<16xf32>, vector<16xi1>
          %add3A_266 = arith.constant 1 : i32
          %add3A_267 = vector.broadcast %add3A_266 : i32 to vector<16xi32>
          %add3A_268 = arith.addi %add3A_265, %add3A_267 : vector<16xi32>
          tpu.vector_store_idx %arg7[%select_n3A_238, %add3A_268], %get3A_215 masked %lt3A_147 {add = true} : memref<129x512xf32, #tpu.memory_space<vmem>>[vector<16xi32>, vector<16xi32>], vector<16xf32>, vector<16xi1>
          %add3A_269 = arith.constant 1 : i32
          %add3A_270 = vector.broadcast %add3A_269 : i32 to vector<16xi32>
          %add3A_271 = arith.addi %add3A_268, %add3A_270 : vector<16xi32>
          tpu.vector_store_idx %arg7[%select_n3A_238, %add3A_271], %get3A_219 masked %lt3A_153 {add = true} : memref<129x512xf32, #tpu.memory_space<vmem>>[vector<16xi32>, vector<16xi32>], vector<16xf32>, vector<16xi1>
          %add3A_272 = arith.constant 1 : i32
          %add3A_273 = vector.broadcast %add3A_272 : i32 to vector<16xi32>
          %add3A_274 = arith.addi %add3A_271, %add3A_273 : vector<16xi32>
          tpu.vector_store_idx %arg7[%select_n3A_238, %add3A_274], %get3A_223 masked %lt3A_159 {add = true} : memref<129x512xf32, #tpu.memory_space<vmem>>[vector<16xi32>, vector<16xi32>], vector<16xf32>, vector<16xi1>
          %add3A_275 = arith.constant 1 : i32
          %add3A_276 = vector.broadcast %add3A_275 : i32 to vector<16xi32>
          %add3A_277 = arith.addi %add3A_274, %add3A_276 : vector<16xi32>
          tpu.vector_store_idx %arg7[%select_n3A_238, %add3A_277], %get3A_227 masked %lt3A_165 {add = true} : memref<129x512xf32, #tpu.memory_space<vmem>>[vector<16xi32>, vector<16xi32>], vector<16xf32>, vector<16xi1>
          %add3A_278 = arith.constant 1 : i32
          %add3A_279 = vector.broadcast %add3A_278 : i32 to vector<16xi32>
          %add3A_280 = arith.addi %add3A_277, %add3A_279 : vector<16xi32>
          tpu.vector_store_idx %arg7[%select_n3A_238, %add3A_280], %get3A_231 masked %lt3A_171 {add = true} : memref<129x512xf32, #tpu.memory_space<vmem>>[vector<16xi32>, vector<16xi32>], vector<16xf32>, vector<16xi1>
          %get3A_281 = arith.constant 15 : i32
          %get3A_282 = arith.index_cast %get3A_281 : i32 to index
          %get3A_283 = arith.constant 0 : index
          %get3A_284 = tpu.vector_load %arg6[%get3A_282, %get3A_283] {strides = array<i32>} : memref<240x16xf32, #tpu.memory_space<vmem>>, vector<16xf32>,
          %get3A_285 = arith.constant 16 : i32
          %get3A_286 = arith.index_cast %get3A_285 : i32 to index
          %get3A_287 = arith.constant 0 : index
          %get3A_288 = tpu.vector_load %arg6[%get3A_286, %get3A_287] {strides = array<i32>} : memref<240x16xf32, #tpu.memory_space<vmem>>, vector<16xf32>,
          %get3A_289 = arith.constant 17 : i32
          %get3A_290 = arith.index_cast %get3A_289 : i32 to index
          %get3A_291 = arith.constant 0 : index
          %get3A_292 = tpu.vector_load %arg6[%get3A_290, %get3A_291] {strides = array<i32>} : memref<240x16xf32, #tpu.memory_space<vmem>>, vector<16xf32>,
          %get3A_293 = arith.constant 18 : i32
          %get3A_294 = arith.index_cast %get3A_293 : i32 to index
          %get3A_295 = arith.constant 0 : index
          %get3A_296 = tpu.vector_load %arg6[%get3A_294, %get3A_295] {strides = array<i32>} : memref<240x16xf32, #tpu.memory_space<vmem>>, vector<16xf32>,
          %get3A_297 = arith.constant 19 : i32
          %get3A_298 = arith.index_cast %get3A_297 : i32 to index
          %get3A_299 = arith.constant 0 : index
          %get3A_300 = tpu.vector_load %arg6[%get3A_298, %get3A_299] {strides = array<i32>} : memref<240x16xf32, #tpu.memory_space<vmem>>, vector<16xf32>,
          %get3A_301 = arith.constant 20 : i32
          %get3A_302 = arith.index_cast %get3A_301 : i32 to index
          %get3A_303 = arith.constant 0 : index
          %get3A_304 = tpu.vector_load %arg6[%get3A_302, %get3A_303] {strides = array<i32>} : memref<240x16xf32, #tpu.memory_space<vmem>>, vector<16xf32>,
          %get3A_305 = arith.constant 21 : i32
          %get3A_306 = arith.index_cast %get3A_305 : i32 to index
          %get3A_307 = arith.constant 0 : index
          %get3A_308 = tpu.vector_load %arg6[%get3A_306, %get3A_307] {strides = array<i32>} : memref<240x16xf32, #tpu.memory_space<vmem>>, vector<16xf32>,
          %get3A_309 = arith.constant 22 : i32
          %get3A_310 = arith.index_cast %get3A_309 : i32 to index
          %get3A_311 = arith.constant 0 : index
          %get3A_312 = tpu.vector_load %arg6[%get3A_310, %get3A_311] {strides = array<i32>} : memref<240x16xf32, #tpu.memory_space<vmem>>, vector<16xf32>,
          %get3A_313 = arith.constant 23 : i32
          %get3A_314 = arith.index_cast %get3A_313 : i32 to index
          %get3A_315 = arith.constant 0 : index
          %get3A_316 = tpu.vector_load %arg6[%get3A_314, %get3A_315] {strides = array<i32>} : memref<240x16xf32, #tpu.memory_space<vmem>>, vector<16xf32>,
          %get3A_317 = arith.constant 24 : i32
          %get3A_318 = arith.index_cast %get3A_317 : i32 to index
          %get3A_319 = arith.constant 0 : index
          %get3A_320 = tpu.vector_load %arg6[%get3A_318, %get3A_319] {strides = array<i32>} : memref<240x16xf32, #tpu.memory_space<vmem>>, vector<16xf32>,
          %get3A_321 = arith.constant 25 : i32
          %get3A_322 = arith.index_cast %get3A_321 : i32 to index
          %get3A_323 = arith.constant 0 : index
          %get3A_324 = tpu.vector_load %arg6[%get3A_322, %get3A_323] {strides = array<i32>} : memref<240x16xf32, #tpu.memory_space<vmem>>, vector<16xf32>,
          %get3A_325 = arith.constant 26 : i32
          %get3A_326 = arith.index_cast %get3A_325 : i32 to index
          %get3A_327 = arith.constant 0 : index
          %get3A_328 = tpu.vector_load %arg6[%get3A_326, %get3A_327] {strides = array<i32>} : memref<240x16xf32, #tpu.memory_space<vmem>>, vector<16xf32>,
          %get3A_329 = arith.constant 27 : i32
          %get3A_330 = arith.index_cast %get3A_329 : i32 to index
          %get3A_331 = arith.constant 0 : index
          %get3A_332 = tpu.vector_load %arg6[%get3A_330, %get3A_331] {strides = array<i32>} : memref<240x16xf32, #tpu.memory_space<vmem>>, vector<16xf32>,
          %get3A_333 = arith.constant 28 : i32
          %get3A_334 = arith.index_cast %get3A_333 : i32 to index
          %get3A_335 = arith.constant 0 : index
          %get3A_336 = tpu.vector_load %arg6[%get3A_334, %get3A_335] {strides = array<i32>} : memref<240x16xf32, #tpu.memory_space<vmem>>, vector<16xf32>,
          %get3A_337 = arith.constant 29 : i32
          %get3A_338 = arith.index_cast %get3A_337 : i32 to index
          %get3A_339 = arith.constant 0 : index
          %get3A_340 = tpu.vector_load %arg6[%get3A_338, %get3A_339] {strides = array<i32>} : memref<240x16xf32, #tpu.memory_space<vmem>>, vector<16xf32>,
          %add3A_341 = arith.constant 1 : i32
          %add3A_342 = vector.broadcast %add3A_341 : i32 to vector<16xi32>
          %add3A_343 = arith.addi %sub3A_81, %add3A_342 : vector<16xi32>
          %lt3A_344 = arith.constant 128 : i32
          %lt3A_345 = vector.broadcast %lt3A_344 : i32 to vector<16xi32>
          %lt3A_346 = arith.cmpi ult, %add3A_343, %lt3A_345 : vector<16xi32>
          %select_n3A_347 = arith.select %lt3A_346, %add3A_343, %broadcast_in_dim3A_6 : vector<16xi1>, vector<16xi32>
          tpu.vector_store_idx %arg7[%select_n3A_347, %sub3A_84], %get3A_284 masked %lt3A_87 {add = true} : memref<129x512xf32, #tpu.memory_space<vmem>>[vector<16xi32>, vector<16xi32>], vector<16xf32>, vector<16xi1>
          %add3A_348 = arith.constant 1 : i32
          %add3A_349 = vector.broadcast %add3A_348 : i32 to vector<16xi32>
          %add3A_350 = arith.addi %sub3A_84, %add3A_349 : vector<16xi32>
          tpu.vector_store_idx %arg7[%select_n3A_347, %add3A_350], %get3A_288 masked %lt3A_93 {add = true} : memref<129x512xf32, #tpu.memory_space<vmem>>[vector<16xi32>, vector<16xi32>], vector<16xf32>, vector<16xi1>
          %add3A_351 = arith.constant 1 : i32
          %add3A_352 = vector.broadcast %add3A_351 : i32 to vector<16xi32>
          %add3A_353 = arith.addi %add3A_350, %add3A_352 : vector<16xi32>
          tpu.vector_store_idx %arg7[%select_n3A_347, %add3A_353], %get3A_292 masked %lt3A_99 {add = true} : memref<129x512xf32, #tpu.memory_space<vmem>>[vector<16xi32>, vector<16xi32>], vector<16xf32>, vector<16xi1>
          %add3A_354 = arith.constant 1 : i32
          %add3A_355 = vector.broadcast %add3A_354 : i32 to vector<16xi32>
          %add3A_356 = arith.addi %add3A_353, %add3A_355 : vector<16xi32>
          tpu.vector_store_idx %arg7[%select_n3A_347, %add3A_356], %get3A_296 masked %lt3A_105 {add = true} : memref<129x512xf32, #tpu.memory_space<vmem>>[vector<16xi32>, vector<16xi32>], vector<16xf32>, vector<16xi1>
          %add3A_357 = arith.constant 1 : i32
          %add3A_358 = vector.broadcast %add3A_357 : i32 to vector<16xi32>
          %add3A_359 = arith.addi %add3A_356, %add3A_358 : vector<16xi32>
          tpu.vector_store_idx %arg7[%select_n3A_347, %add3A_359], %get3A_300 masked %lt3A_111 {add = true} : memref<129x512xf32, #tpu.memory_space<vmem>>[vector<16xi32>, vector<16xi32>], vector<16xf32>, vector<16xi1>
          %add3A_360 = arith.constant 1 : i32
          %add3A_361 = vector.broadcast %add3A_360 : i32 to vector<16xi32>
          %add3A_362 = arith.addi %add3A_359, %add3A_361 : vector<16xi32>
          tpu.vector_store_idx %arg7[%select_n3A_347, %add3A_362], %get3A_304 masked %lt3A_117 {add = true} : memref<129x512xf32, #tpu.memory_space<vmem>>[vector<16xi32>, vector<16xi32>], vector<16xf32>, vector<16xi1>
          %add3A_363 = arith.constant 1 : i32
          %add3A_364 = vector.broadcast %add3A_363 : i32 to vector<16xi32>
          %add3A_365 = arith.addi %add3A_362, %add3A_364 : vector<16xi32>
          tpu.vector_store_idx %arg7[%select_n3A_347, %add3A_365], %get3A_308 masked %lt3A_123 {add = true} : memref<129x512xf32, #tpu.memory_space<vmem>>[vector<16xi32>, vector<16xi32>], vector<16xf32>, vector<16xi1>
          %add3A_366 = arith.constant 1 : i32
          %add3A_367 = vector.broadcast %add3A_366 : i32 to vector<16xi32>
          %add3A_368 = arith.addi %add3A_365, %add3A_367 : vector<16xi32>
          tpu.vector_store_idx %arg7[%select_n3A_347, %add3A_368], %get3A_312 masked %lt3A_129 {add = true} : memref<129x512xf32, #tpu.memory_space<vmem>>[vector<16xi32>, vector<16xi32>], vector<16xf32>, vector<16xi1>
          %add3A_369 = arith.constant 1 : i32
          %add3A_370 = vector.broadcast %add3A_369 : i32 to vector<16xi32>
          %add3A_371 = arith.addi %add3A_368, %add3A_370 : vector<16xi32>
          tpu.vector_store_idx %arg7[%select_n3A_347, %add3A_371], %get3A_316 masked %lt3A_135 {add = true} : memref<129x512xf32, #tpu.memory_space<vmem>>[vector<16xi32>, vector<16xi32>], vector<16xf32>, vector<16xi1>
          %add3A_372 = arith.constant 1 : i32
          %add3A_373 = vector.broadcast %add3A_372 : i32 to vector<16xi32>
          %add3A_374 = arith.addi %add3A_371, %add3A_373 : vector<16xi32>
          tpu.vector_store_idx %arg7[%select_n3A_347, %add3A_374], %get3A_320 masked %lt3A_141 {add = true} : memref<129x512xf32, #tpu.memory_space<vmem>>[vector<16xi32>, vector<16xi32>], vector<16xf32>, vector<16xi1>
          %add3A_375 = arith.constant 1 : i32
          %add3A_376 = vector.broadcast %add3A_375 : i32 to vector<16xi32>
          %add3A_377 = arith.addi %add3A_374, %add3A_376 : vector<16xi32>
          tpu.vector_store_idx %arg7[%select_n3A_347, %add3A_377], %get3A_324 masked %lt3A_147 {add = true} : memref<129x512xf32, #tpu.memory_space<vmem>>[vector<16xi32>, vector<16xi32>], vector<16xf32>, vector<16xi1>
          %add3A_378 = arith.constant 1 : i32
          %add3A_379 = vector.broadcast %add3A_378 : i32 to vector<16xi32>
          %add3A_380 = arith.addi %add3A_377, %add3A_379 : vector<16xi32>
          tpu.vector_store_idx %arg7[%select_n3A_347, %add3A_380], %get3A_328 masked %lt3A_153 {add = true} : memref<129x512xf32, #tpu.memory_space<vmem>>[vector<16xi32>, vector<16xi32>], vector<16xf32>, vector<16xi1>
          %add3A_381 = arith.constant 1 : i32
          %add3A_382 = vector.broadcast %add3A_381 : i32 to vector<16xi32>
          %add3A_383 = arith.addi %add3A_380, %add3A_382 : vector<16xi32>
          tpu.vector_store_idx %arg7[%select_n3A_347, %add3A_383], %get3A_332 masked %lt3A_159 {add = true} : memref<129x512xf32, #tpu.memory_space<vmem>>[vector<16xi32>, vector<16xi32>], vector<16xf32>, vector<16xi1>
          %add3A_384 = arith.constant 1 : i32
          %add3A_385 = vector.broadcast %add3A_384 : i32 to vector<16xi32>
          %add3A_386 = arith.addi %add3A_383, %add3A_385 : vector<16xi32>
          tpu.vector_store_idx %arg7[%select_n3A_347, %add3A_386], %get3A_336 masked %lt3A_165 {add = true} : memref<129x512xf32, #tpu.memory_space<vmem>>[vector<16xi32>, vector<16xi32>], vector<16xf32>, vector<16xi1>
          %add3A_387 = arith.constant 1 : i32
          %add3A_388 = vector.broadcast %add3A_387 : i32 to vector<16xi32>
          %add3A_389 = arith.addi %add3A_386, %add3A_388 : vector<16xi32>
          tpu.vector_store_idx %arg7[%select_n3A_347, %add3A_389], %get3A_340 masked %lt3A_171 {add = true} : memref<129x512xf32, #tpu.memory_space<vmem>>[vector<16xi32>, vector<16xi32>], vector<16xf32>, vector<16xi1>
          %get3A_390 = arith.constant 30 : i32
          %get3A_391 = arith.index_cast %get3A_390 : i32 to index
          %get3A_392 = arith.constant 0 : index
          %get3A_393 = tpu.vector_load %arg6[%get3A_391, %get3A_392] {strides = array<i32>} : memref<240x16xf32, #tpu.memory_space<vmem>>, vector<16xf32>,
          %get3A_394 = arith.constant 31 : i32
          %get3A_395 = arith.index_cast %get3A_394 : i32 to index
          %get3A_396 = arith.constant 0 : index
          %get3A_397 = tpu.vector_load %arg6[%get3A_395, %get3A_396] {strides = array<i32>} : memref<240x16xf32, #tpu.memory_space<vmem>>, vector<16xf32>,
          %get3A_398 = arith.constant 32 : i32
          %get3A_399 = arith.index_cast %get3A_398 : i32 to index
          %get3A_400 = arith.constant 0 : index
          %get3A_401 = tpu.vector_load %arg6[%get3A_399, %get3A_400] {strides = array<i32>} : memref<240x16xf32, #tpu.memory_space<vmem>>, vector<16xf32>,
          %get3A_402 = arith.constant 33 : i32
          %get3A_403 = arith.index_cast %get3A_402 : i32 to index
          %get3A_404 = arith.constant 0 : index
          %get3A_405 = tpu.vector_load %arg6[%get3A_403, %get3A_404] {strides = array<i32>} : memref<240x16xf32, #tpu.memory_space<vmem>>, vector<16xf32>,
          %get3A_406 = arith.constant 34 : i32
          %get3A_407 = arith.index_cast %get3A_406 : i32 to index
          %get3A_408 = arith.constant 0 : index
          %get3A_409 = tpu.vector_load %arg6[%get3A_407, %get3A_408] {strides = array<i32>} : memref<240x16xf32, #tpu.memory_space<vmem>>, vector<16xf32>,
          %get3A_410 = arith.constant 35 : i32
          %get3A_411 = arith.index_cast %get3A_410 : i32 to index
          %get3A_412 = arith.constant 0 : index
          %get3A_413 = tpu.vector_load %arg6[%get3A_411, %get3A_412] {strides = array<i32>} : memref<240x16xf32, #tpu.memory_space<vmem>>, vector<16xf32>,
          %get3A_414 = arith.constant 36 : i32
          %get3A_415 = arith.index_cast %get3A_414 : i32 to index
          %get3A_416 = arith.constant 0 : index
          %get3A_417 = tpu.vector_load %arg6[%get3A_415, %get3A_416] {strides = array<i32>} : memref<240x16xf32, #tpu.memory_space<vmem>>, vector<16xf32>,
          %get3A_418 = arith.constant 37 : i32
          %get3A_419 = arith.index_cast %get3A_418 : i32 to index
          %get3A_420 = arith.constant 0 : index
          %get3A_421 = tpu.vector_load %arg6[%get3A_419, %get3A_420] {strides = array<i32>} : memref<240x16xf32, #tpu.memory_space<vmem>>, vector<16xf32>,
          %get3A_422 = arith.constant 38 : i32
          %get3A_423 = arith.index_cast %get3A_422 : i32 to index
          %get3A_424 = arith.constant 0 : index
          %get3A_425 = tpu.vector_load %arg6[%get3A_423, %get3A_424] {strides = array<i32>} : memref<240x16xf32, #tpu.memory_space<vmem>>, vector<16xf32>,
          %get3A_426 = arith.constant 39 : i32
          %get3A_427 = arith.index_cast %get3A_426 : i32 to index
          %get3A_428 = arith.constant 0 : index
          %get3A_429 = tpu.vector_load %arg6[%get3A_427, %get3A_428] {strides = array<i32>} : memref<240x16xf32, #tpu.memory_space<vmem>>, vector<16xf32>,
          %get3A_430 = arith.constant 40 : i32
          %get3A_431 = arith.index_cast %get3A_430 : i32 to index
          %get3A_432 = arith.constant 0 : index
          %get3A_433 = tpu.vector_load %arg6[%get3A_431, %get3A_432] {strides = array<i32>} : memref<240x16xf32, #tpu.memory_space<vmem>>, vector<16xf32>,
          %get3A_434 = arith.constant 41 : i32
          %get3A_435 = arith.index_cast %get3A_434 : i32 to index
          %get3A_436 = arith.constant 0 : index
          %get3A_437 = tpu.vector_load %arg6[%get3A_435, %get3A_436] {strides = array<i32>} : memref<240x16xf32, #tpu.memory_space<vmem>>, vector<16xf32>,
          %get3A_438 = arith.constant 42 : i32
          %get3A_439 = arith.index_cast %get3A_438 : i32 to index
          %get3A_440 = arith.constant 0 : index
          %get3A_441 = tpu.vector_load %arg6[%get3A_439, %get3A_440] {strides = array<i32>} : memref<240x16xf32, #tpu.memory_space<vmem>>, vector<16xf32>,
          %get3A_442 = arith.constant 43 : i32
          %get3A_443 = arith.index_cast %get3A_442 : i32 to index
          %get3A_444 = arith.constant 0 : index
          %get3A_445 = tpu.vector_load %arg6[%get3A_443, %get3A_444] {strides = array<i32>} : memref<240x16xf32, #tpu.memory_space<vmem>>, vector<16xf32>,
          %get3A_446 = arith.constant 44 : i32
          %get3A_447 = arith.index_cast %get3A_446 : i32 to index
          %get3A_448 = arith.constant 0 : index
          %get3A_449 = tpu.vector_load %arg6[%get3A_447, %get3A_448] {strides = array<i32>} : memref<240x16xf32, #tpu.memory_space<vmem>>, vector<16xf32>,
          %add3A_450 = arith.constant 2 : i32
          %add3A_451 = vector.broadcast %add3A_450 : i32 to vector<16xi32>
          %add3A_452 = arith.addi %sub3A_81, %add3A_451 : vector<16xi32>
          %lt3A_453 = arith.constant 128 : i32
          %lt3A_454 = vector.broadcast %lt3A_453 : i32 to vector<16xi32>
          %lt3A_455 = arith.cmpi ult, %add3A_452, %lt3A_454 : vector<16xi32>
          %select_n3A_456 = arith.select %lt3A_455, %add3A_452, %broadcast_in_dim3A_6 : vector<16xi1>, vector<16xi32>
          tpu.vector_store_idx %arg7[%select_n3A_456, %sub3A_84], %get3A_393 masked %lt3A_87 {add = true} : memref<129x512xf32, #tpu.memory_space<vmem>>[vector<16xi32>, vector<16xi32>], vector<16xf32>, vector<16xi1>
          %add3A_457 = arith.constant 1 : i32
          %add3A_458 = vector.broadcast %add3A_457 : i32 to vector<16xi32>
          %add3A_459 = arith.addi %sub3A_84, %add3A_458 : vector<16xi32>
          tpu.vector_store_idx %arg7[%select_n3A_456, %add3A_459], %get3A_397 masked %lt3A_93 {add = true} : memref<129x512xf32, #tpu.memory_space<vmem>>[vector<16xi32>, vector<16xi32>], vector<16xf32>, vector<16xi1>
          %add3A_460 = arith.constant 1 : i32
          %add3A_461 = vector.broadcast %add3A_460 : i32 to vector<16xi32>
          %add3A_462 = arith.addi %add3A_459, %add3A_461 : vector<16xi32>
          tpu.vector_store_idx %arg7[%select_n3A_456, %add3A_462], %get3A_401 masked %lt3A_99 {add = true} : memref<129x512xf32, #tpu.memory_space<vmem>>[vector<16xi32>, vector<16xi32>], vector<16xf32>, vector<16xi1>
          %add3A_463 = arith.constant 1 : i32
          %add3A_464 = vector.broadcast %add3A_463 : i32 to vector<16xi32>
          %add3A_465 = arith.addi %add3A_462, %add3A_464 : vector<16xi32>
          tpu.vector_store_idx %arg7[%select_n3A_456, %add3A_465], %get3A_405 masked %lt3A_105 {add = true} : memref<129x512xf32, #tpu.memory_space<vmem>>[vector<16xi32>, vector<16xi32>], vector<16xf32>, vector<16xi1>
          %add3A_466 = arith.constant 1 : i32
          %add3A_467 = vector.broadcast %add3A_466 : i32 to vector<16xi32>
          %add3A_468 = arith.addi %add3A_465, %add3A_467 : vector<16xi32>
          tpu.vector_store_idx %arg7[%select_n3A_456, %add3A_468], %get3A_409 masked %lt3A_111 {add = true} : memref<129x512xf32, #tpu.memory_space<vmem>>[vector<16xi32>, vector<16xi32>], vector<16xf32>, vector<16xi1>
          %add3A_469 = arith.constant 1 : i32
          %add3A_470 = vector.broadcast %add3A_469 : i32 to vector<16xi32>
          %add3A_471 = arith.addi %add3A_468, %add3A_470 : vector<16xi32>
          tpu.vector_store_idx %arg7[%select_n3A_456, %add3A_471], %get3A_413 masked %lt3A_117 {add = true} : memref<129x512xf32, #tpu.memory_space<vmem>>[vector<16xi32>, vector<16xi32>], vector<16xf32>, vector<16xi1>
          %add3A_472 = arith.constant 1 : i32
          %add3A_473 = vector.broadcast %add3A_472 : i32 to vector<16xi32>
          %add3A_474 = arith.addi %add3A_471, %add3A_473 : vector<16xi32>
          tpu.vector_store_idx %arg7[%select_n3A_456, %add3A_474], %get3A_417 masked %lt3A_123 {add = true} : memref<129x512xf32, #tpu.memory_space<vmem>>[vector<16xi32>, vector<16xi32>], vector<16xf32>, vector<16xi1>
          %add3A_475 = arith.constant 1 : i32
          %add3A_476 = vector.broadcast %add3A_475 : i32 to vector<16xi32>
          %add3A_477 = arith.addi %add3A_474, %add3A_476 : vector<16xi32>
          tpu.vector_store_idx %arg7[%select_n3A_456, %add3A_477], %get3A_421 masked %lt3A_129 {add = true} : memref<129x512xf32, #tpu.memory_space<vmem>>[vector<16xi32>, vector<16xi32>], vector<16xf32>, vector<16xi1>
          %add3A_478 = arith.constant 1 : i32
          %add3A_479 = vector.broadcast %add3A_478 : i32 to vector<16xi32>
          %add3A_480 = arith.addi %add3A_477, %add3A_479 : vector<16xi32>
          tpu.vector_store_idx %arg7[%select_n3A_456, %add3A_480], %get3A_425 masked %lt3A_135 {add = true} : memref<129x512xf32, #tpu.memory_space<vmem>>[vector<16xi32>, vector<16xi32>], vector<16xf32>, vector<16xi1>
          %add3A_481 = arith.constant 1 : i32
          %add3A_482 = vector.broadcast %add3A_481 : i32 to vector<16xi32>
          %add3A_483 = arith.addi %add3A_480, %add3A_482 : vector<16xi32>
          tpu.vector_store_idx %arg7[%select_n3A_456, %add3A_483], %get3A_429 masked %lt3A_141 {add = true} : memref<129x512xf32, #tpu.memory_space<vmem>>[vector<16xi32>, vector<16xi32>], vector<16xf32>, vector<16xi1>
          %add3A_484 = arith.constant 1 : i32
          %add3A_485 = vector.broadcast %add3A_484 : i32 to vector<16xi32>
          %add3A_486 = arith.addi %add3A_483, %add3A_485 : vector<16xi32>
          tpu.vector_store_idx %arg7[%select_n3A_456, %add3A_486], %get3A_433 masked %lt3A_147 {add = true} : memref<129x512xf32, #tpu.memory_space<vmem>>[vector<16xi32>, vector<16xi32>], vector<16xf32>, vector<16xi1>
          %add3A_487 = arith.constant 1 : i32
          %add3A_488 = vector.broadcast %add3A_487 : i32 to vector<16xi32>
          %add3A_489 = arith.addi %add3A_486, %add3A_488 : vector<16xi32>
          tpu.vector_store_idx %arg7[%select_n3A_456, %add3A_489], %get3A_437 masked %lt3A_153 {add = true} : memref<129x512xf32, #tpu.memory_space<vmem>>[vector<16xi32>, vector<16xi32>], vector<16xf32>, vector<16xi1>
          %add3A_490 = arith.constant 1 : i32
          %add3A_491 = vector.broadcast %add3A_490 : i32 to vector<16xi32>
          %add3A_492 = arith.addi %add3A_489, %add3A_491 : vector<16xi32>
          tpu.vector_store_idx %arg7[%select_n3A_456, %add3A_492], %get3A_441 masked %lt3A_159 {add = true} : memref<129x512xf32, #tpu.memory_space<vmem>>[vector<16xi32>, vector<16xi32>], vector<16xf32>, vector<16xi1>
          %add3A_493 = arith.constant 1 : i32
          %add3A_494 = vector.broadcast %add3A_493 : i32 to vector<16xi32>
          %add3A_495 = arith.addi %add3A_492, %add3A_494 : vector<16xi32>
          tpu.vector_store_idx %arg7[%select_n3A_456, %add3A_495], %get3A_445 masked %lt3A_165 {add = true} : memref<129x512xf32, #tpu.memory_space<vmem>>[vector<16xi32>, vector<16xi32>], vector<16xf32>, vector<16xi1>
          %add3A_496 = arith.constant 1 : i32
          %add3A_497 = vector.broadcast %add3A_496 : i32 to vector<16xi32>
          %add3A_498 = arith.addi %add3A_495, %add3A_497 : vector<16xi32>
          tpu.vector_store_idx %arg7[%select_n3A_456, %add3A_498], %get3A_449 masked %lt3A_171 {add = true} : memref<129x512xf32, #tpu.memory_space<vmem>>[vector<16xi32>, vector<16xi32>], vector<16xf32>, vector<16xi1>
          %get3A_499 = arith.constant 45 : i32
          %get3A_500 = arith.index_cast %get3A_499 : i32 to index
          %get3A_501 = arith.constant 0 : index
          %get3A_502 = tpu.vector_load %arg6[%get3A_500, %get3A_501] {strides = array<i32>} : memref<240x16xf32, #tpu.memory_space<vmem>>, vector<16xf32>,
          %get3A_503 = arith.constant 46 : i32
          %get3A_504 = arith.index_cast %get3A_503 : i32 to index
          %get3A_505 = arith.constant 0 : index
          %get3A_506 = tpu.vector_load %arg6[%get3A_504, %get3A_505] {strides = array<i32>} : memref<240x16xf32, #tpu.memory_space<vmem>>, vector<16xf32>,
          %get3A_507 = arith.constant 47 : i32
          %get3A_508 = arith.index_cast %get3A_507 : i32 to index
          %get3A_509 = arith.constant 0 : index
          %get3A_510 = tpu.vector_load %arg6[%get3A_508, %get3A_509] {strides = array<i32>} : memref<240x16xf32, #tpu.memory_space<vmem>>, vector<16xf32>,
          %get3A_511 = arith.constant 48 : i32
          %get3A_512 = arith.index_cast %get3A_511 : i32 to index
          %get3A_513 = arith.constant 0 : index
          %get3A_514 = tpu.vector_load %arg6[%get3A_512, %get3A_513] {strides = array<i32>} : memref<240x16xf32, #tpu.memory_space<vmem>>, vector<16xf32>,
          %get3A_515 = arith.constant 49 : i32
          %get3A_516 = arith.index_cast %get3A_515 : i32 to index
          %get3A_517 = arith.constant 0 : index
          %get3A_518 = tpu.vector_load %arg6[%get3A_516, %get3A_517] {strides = array<i32>} : memref<240x16xf32, #tpu.memory_space<vmem>>, vector<16xf32>,
          %get3A_519 = arith.constant 50 : i32
          %get3A_520 = arith.index_cast %get3A_519 : i32 to index
          %get3A_521 = arith.constant 0 : index
          %get3A_522 = tpu.vector_load %arg6[%get3A_520, %get3A_521] {strides = array<i32>} : memref<240x16xf32, #tpu.memory_space<vmem>>, vector<16xf32>,
          %get3A_523 = arith.constant 51 : i32
          %get3A_524 = arith.index_cast %get3A_523 : i32 to index
          %get3A_525 = arith.constant 0 : index
          %get3A_526 = tpu.vector_load %arg6[%get3A_524, %get3A_525] {strides = array<i32>} : memref<240x16xf32, #tpu.memory_space<vmem>>, vector<16xf32>,
          %get3A_527 = arith.constant 52 : i32
          %get3A_528 = arith.index_cast %get3A_527 : i32 to index
          %get3A_529 = arith.constant 0 : index
          %get3A_530 = tpu.vector_load %arg6[%get3A_528, %get3A_529] {strides = array<i32>} : memref<240x16xf32, #tpu.memory_space<vmem>>, vector<16xf32>,
          %get3A_531 = arith.constant 53 : i32
          %get3A_532 = arith.index_cast %get3A_531 : i32 to index
          %get3A_533 = arith.constant 0 : index
          %get3A_534 = tpu.vector_load %arg6[%get3A_532, %get3A_533] {strides = array<i32>} : memref<240x16xf32, #tpu.memory_space<vmem>>, vector<16xf32>,
          %get3A_535 = arith.constant 54 : i32
          %get3A_536 = arith.index_cast %get3A_535 : i32 to index
          %get3A_537 = arith.constant 0 : index
          %get3A_538 = tpu.vector_load %arg6[%get3A_536, %get3A_537] {strides = array<i32>} : memref<240x16xf32, #tpu.memory_space<vmem>>, vector<16xf32>,
          %get3A_539 = arith.constant 55 : i32
          %get3A_540 = arith.index_cast %get3A_539 : i32 to index
          %get3A_541 = arith.constant 0 : index
          %get3A_542 = tpu.vector_load %arg6[%get3A_540, %get3A_541] {strides = array<i32>} : memref<240x16xf32, #tpu.memory_space<vmem>>, vector<16xf32>,
          %get3A_543 = arith.constant 56 : i32
          %get3A_544 = arith.index_cast %get3A_543 : i32 to index
          %get3A_545 = arith.constant 0 : index
          %get3A_546 = tpu.vector_load %arg6[%get3A_544, %get3A_545] {strides = array<i32>} : memref<240x16xf32, #tpu.memory_space<vmem>>, vector<16xf32>,
          %get3A_547 = arith.constant 57 : i32
          %get3A_548 = arith.index_cast %get3A_547 : i32 to index
          %get3A_549 = arith.constant 0 : index
          %get3A_550 = tpu.vector_load %arg6[%get3A_548, %get3A_549] {strides = array<i32>} : memref<240x16xf32, #tpu.memory_space<vmem>>, vector<16xf32>,
          %get3A_551 = arith.constant 58 : i32
          %get3A_552 = arith.index_cast %get3A_551 : i32 to index
          %get3A_553 = arith.constant 0 : index
          %get3A_554 = tpu.vector_load %arg6[%get3A_552, %get3A_553] {strides = array<i32>} : memref<240x16xf32, #tpu.memory_space<vmem>>, vector<16xf32>,
          %get3A_555 = arith.constant 59 : i32
          %get3A_556 = arith.index_cast %get3A_555 : i32 to index
          %get3A_557 = arith.constant 0 : index
          %get3A_558 = tpu.vector_load %arg6[%get3A_556, %get3A_557] {strides = array<i32>} : memref<240x16xf32, #tpu.memory_space<vmem>>, vector<16xf32>,
          %add3A_559 = arith.constant 3 : i32
          %add3A_560 = vector.broadcast %add3A_559 : i32 to vector<16xi32>
          %add3A_561 = arith.addi %sub3A_81, %add3A_560 : vector<16xi32>
          %lt3A_562 = arith.constant 128 : i32
          %lt3A_563 = vector.broadcast %lt3A_562 : i32 to vector<16xi32>
          %lt3A_564 = arith.cmpi ult, %add3A_561, %lt3A_563 : vector<16xi32>
          %select_n3A_565 = arith.select %lt3A_564, %add3A_561, %broadcast_in_dim3A_6 : vector<16xi1>, vector<16xi32>
          tpu.vector_store_idx %arg7[%select_n3A_565, %sub3A_84], %get3A_502 masked %lt3A_87 {add = true} : memref<129x512xf32, #tpu.memory_space<vmem>>[vector<16xi32>, vector<16xi32>], vector<16xf32>, vector<16xi1>
          %add3A_566 = arith.constant 1 : i32
          %add3A_567 = vector.broadcast %add3A_566 : i32 to vector<16xi32>
          %add3A_568 = arith.addi %sub3A_84, %add3A_567 : vector<16xi32>
          tpu.vector_store_idx %arg7[%select_n3A_565, %add3A_568], %get3A_506 masked %lt3A_93 {add = true} : memref<129x512xf32, #tpu.memory_space<vmem>>[vector<16xi32>, vector<16xi32>], vector<16xf32>, vector<16xi1>
          %add3A_569 = arith.constant 1 : i32
          %add3A_570 = vector.broadcast %add3A_569 : i32 to vector<16xi32>
          %add3A_571 = arith.addi %add3A_568, %add3A_570 : vector<16xi32>
          tpu.vector_store_idx %arg7[%select_n3A_565, %add3A_571], %get3A_510 masked %lt3A_99 {add = true} : memref<129x512xf32, #tpu.memory_space<vmem>>[vector<16xi32>, vector<16xi32>], vector<16xf32>, vector<16xi1>
          %add3A_572 = arith.constant 1 : i32
          %add3A_573 = vector.broadcast %add3A_572 : i32 to vector<16xi32>
          %add3A_574 = arith.addi %add3A_571, %add3A_573 : vector<16xi32>
          tpu.vector_store_idx %arg7[%select_n3A_565, %add3A_574], %get3A_514 masked %lt3A_105 {add = true} : memref<129x512xf32, #tpu.memory_space<vmem>>[vector<16xi32>, vector<16xi32>], vector<16xf32>, vector<16xi1>
          %add3A_575 = arith.constant 1 : i32
          %add3A_576 = vector.broadcast %add3A_575 : i32 to vector<16xi32>
          %add3A_577 = arith.addi %add3A_574, %add3A_576 : vector<16xi32>
          tpu.vector_store_idx %arg7[%select_n3A_565, %add3A_577], %get3A_518 masked %lt3A_111 {add = true} : memref<129x512xf32, #tpu.memory_space<vmem>>[vector<16xi32>, vector<16xi32>], vector<16xf32>, vector<16xi1>
          %add3A_578 = arith.constant 1 : i32
          %add3A_579 = vector.broadcast %add3A_578 : i32 to vector<16xi32>
          %add3A_580 = arith.addi %add3A_577, %add3A_579 : vector<16xi32>
          tpu.vector_store_idx %arg7[%select_n3A_565, %add3A_580], %get3A_522 masked %lt3A_117 {add = true} : memref<129x512xf32, #tpu.memory_space<vmem>>[vector<16xi32>, vector<16xi32>], vector<16xf32>, vector<16xi1>
          %add3A_581 = arith.constant 1 : i32
          %add3A_582 = vector.broadcast %add3A_581 : i32 to vector<16xi32>
          %add3A_583 = arith.addi %add3A_580, %add3A_582 : vector<16xi32>
          tpu.vector_store_idx %arg7[%select_n3A_565, %add3A_583], %get3A_526 masked %lt3A_123 {add = true} : memref<129x512xf32, #tpu.memory_space<vmem>>[vector<16xi32>, vector<16xi32>], vector<16xf32>, vector<16xi1>
          %add3A_584 = arith.constant 1 : i32
          %add3A_585 = vector.broadcast %add3A_584 : i32 to vector<16xi32>
          %add3A_586 = arith.addi %add3A_583, %add3A_585 : vector<16xi32>
          tpu.vector_store_idx %arg7[%select_n3A_565, %add3A_586], %get3A_530 masked %lt3A_129 {add = true} : memref<129x512xf32, #tpu.memory_space<vmem>>[vector<16xi32>, vector<16xi32>], vector<16xf32>, vector<16xi1>
          %add3A_587 = arith.constant 1 : i32
          %add3A_588 = vector.broadcast %add3A_587 : i32 to vector<16xi32>
          %add3A_589 = arith.addi %add3A_586, %add3A_588 : vector<16xi32>
          tpu.vector_store_idx %arg7[%select_n3A_565, %add3A_589], %get3A_534 masked %lt3A_135 {add = true} : memref<129x512xf32, #tpu.memory_space<vmem>>[vector<16xi32>, vector<16xi32>], vector<16xf32>, vector<16xi1>
          %add3A_590 = arith.constant 1 : i32
          %add3A_591 = vector.broadcast %add3A_590 : i32 to vector<16xi32>
          %add3A_592 = arith.addi %add3A_589, %add3A_591 : vector<16xi32>
          tpu.vector_store_idx %arg7[%select_n3A_565, %add3A_592], %get3A_538 masked %lt3A_141 {add = true} : memref<129x512xf32, #tpu.memory_space<vmem>>[vector<16xi32>, vector<16xi32>], vector<16xf32>, vector<16xi1>
          %add3A_593 = arith.constant 1 : i32
          %add3A_594 = vector.broadcast %add3A_593 : i32 to vector<16xi32>
          %add3A_595 = arith.addi %add3A_592, %add3A_594 : vector<16xi32>
          tpu.vector_store_idx %arg7[%select_n3A_565, %add3A_595], %get3A_542 masked %lt3A_147 {add = true} : memref<129x512xf32, #tpu.memory_space<vmem>>[vector<16xi32>, vector<16xi32>], vector<16xf32>, vector<16xi1>
          %add3A_596 = arith.constant 1 : i32
          %add3A_597 = vector.broadcast %add3A_596 : i32 to vector<16xi32>
          %add3A_598 = arith.addi %add3A_595, %add3A_597 : vector<16xi32>
          tpu.vector_store_idx %arg7[%select_n3A_565, %add3A_598], %get3A_546 masked %lt3A_153 {add = true} : memref<129x512xf32, #tpu.memory_space<vmem>>[vector<16xi32>, vector<16xi32>], vector<16xf32>, vector<16xi1>
          %add3A_599 = arith.constant 1 : i32
          %add3A_600 = vector.broadcast %add3A_599 : i32 to vector<16xi32>
          %add3A_601 = arith.addi %add3A_598, %add3A_600 : vector<16xi32>
          tpu.vector_store_idx %arg7[%select_n3A_565, %add3A_601], %get3A_550 masked %lt3A_159 {add = true} : memref<129x512xf32, #tpu.memory_space<vmem>>[vector<16xi32>, vector<16xi32>], vector<16xf32>, vector<16xi1>
          %add3A_602 = arith.constant 1 : i32
          %add3A_603 = vector.broadcast %add3A_602 : i32 to vector<16xi32>
          %add3A_604 = arith.addi %add3A_601, %add3A_603 : vector<16xi32>
          tpu.vector_store_idx %arg7[%select_n3A_565, %add3A_604], %get3A_554 masked %lt3A_165 {add = true} : memref<129x512xf32, #tpu.memory_space<vmem>>[vector<16xi32>, vector<16xi32>], vector<16xf32>, vector<16xi1>
          %add3A_605 = arith.constant 1 : i32
          %add3A_606 = vector.broadcast %add3A_605 : i32 to vector<16xi32>
          %add3A_607 = arith.addi %add3A_604, %add3A_606 : vector<16xi32>
          tpu.vector_store_idx %arg7[%select_n3A_565, %add3A_607], %get3A_558 masked %lt3A_171 {add = true} : memref<129x512xf32, #tpu.memory_space<vmem>>[vector<16xi32>, vector<16xi32>], vector<16xf32>, vector<16xi1>
          %get3A_608 = arith.constant 60 : i32
          %get3A_609 = arith.index_cast %get3A_608 : i32 to index
          %get3A_610 = arith.constant 0 : index
          %get3A_611 = tpu.vector_load %arg6[%get3A_609, %get3A_610] {strides = array<i32>} : memref<240x16xf32, #tpu.memory_space<vmem>>, vector<16xf32>,
          %get3A_612 = arith.constant 61 : i32
          %get3A_613 = arith.index_cast %get3A_612 : i32 to index
          %get3A_614 = arith.constant 0 : index
          %get3A_615 = tpu.vector_load %arg6[%get3A_613, %get3A_614] {strides = array<i32>} : memref<240x16xf32, #tpu.memory_space<vmem>>, vector<16xf32>,
          %get3A_616 = arith.constant 62 : i32
          %get3A_617 = arith.index_cast %get3A_616 : i32 to index
          %get3A_618 = arith.constant 0 : index
          %get3A_619 = tpu.vector_load %arg6[%get3A_617, %get3A_618] {strides = array<i32>} : memref<240x16xf32, #tpu.memory_space<vmem>>, vector<16xf32>,
          %get3A_620 = arith.constant 63 : i32
          %get3A_621 = arith.index_cast %get3A_620 : i32 to index
          %get3A_622 = arith.constant 0 : index
          %get3A_623 = tpu.vector_load %arg6[%get3A_621, %get3A_622] {strides = array<i32>} : memref<240x16xf32, #tpu.memory_space<vmem>>, vector<16xf32>,
          %get3A_624 = arith.constant 64 : i32
          %get3A_625 = arith.index_cast %get3A_624 : i32 to index
          %get3A_626 = arith.constant 0 : index
          %get3A_627 = tpu.vector_load %arg6[%get3A_625, %get3A_626] {strides = array<i32>} : memref<240x16xf32, #tpu.memory_space<vmem>>, vector<16xf32>,
          %get3A_628 = arith.constant 65 : i32
          %get3A_629 = arith.index_cast %get3A_628 : i32 to index
          %get3A_630 = arith.constant 0 : index
          %get3A_631 = tpu.vector_load %arg6[%get3A_629, %get3A_630] {strides = array<i32>} : memref<240x16xf32, #tpu.memory_space<vmem>>, vector<16xf32>,
          %get3A_632 = arith.constant 66 : i32
          %get3A_633 = arith.index_cast %get3A_632 : i32 to index
          %get3A_634 = arith.constant 0 : index
          %get3A_635 = tpu.vector_load %arg6[%get3A_633, %get3A_634] {strides = array<i32>} : memref<240x16xf32, #tpu.memory_space<vmem>>, vector<16xf32>,
          %get3A_636 = arith.constant 67 : i32
          %get3A_637 = arith.index_cast %get3A_636 : i32 to index
          %get3A_638 = arith.constant 0 : index
          %get3A_639 = tpu.vector_load %arg6[%get3A_637, %get3A_638] {strides = array<i32>} : memref<240x16xf32, #tpu.memory_space<vmem>>, vector<16xf32>,
          %get3A_640 = arith.constant 68 : i32
          %get3A_641 = arith.index_cast %get3A_640 : i32 to index
          %get3A_642 = arith.constant 0 : index
          %get3A_643 = tpu.vector_load %arg6[%get3A_641, %get3A_642] {strides = array<i32>} : memref<240x16xf32, #tpu.memory_space<vmem>>, vector<16xf32>,
          %get3A_644 = arith.constant 69 : i32
          %get3A_645 = arith.index_cast %get3A_644 : i32 to index
          %get3A_646 = arith.constant 0 : index
          %get3A_647 = tpu.vector_load %arg6[%get3A_645, %get3A_646] {strides = array<i32>} : memref<240x16xf32, #tpu.memory_space<vmem>>, vector<16xf32>,
          %get3A_648 = arith.constant 70 : i32
          %get3A_649 = arith.index_cast %get3A_648 : i32 to index
          %get3A_650 = arith.constant 0 : index
          %get3A_651 = tpu.vector_load %arg6[%get3A_649, %get3A_650] {strides = array<i32>} : memref<240x16xf32, #tpu.memory_space<vmem>>, vector<16xf32>,
          %get3A_652 = arith.constant 71 : i32
          %get3A_653 = arith.index_cast %get3A_652 : i32 to index
          %get3A_654 = arith.constant 0 : index
          %get3A_655 = tpu.vector_load %arg6[%get3A_653, %get3A_654] {strides = array<i32>} : memref<240x16xf32, #tpu.memory_space<vmem>>, vector<16xf32>,
          %get3A_656 = arith.constant 72 : i32
          %get3A_657 = arith.index_cast %get3A_656 : i32 to index
          %get3A_658 = arith.constant 0 : index
          %get3A_659 = tpu.vector_load %arg6[%get3A_657, %get3A_658] {strides = array<i32>} : memref<240x16xf32, #tpu.memory_space<vmem>>, vector<16xf32>,
          %get3A_660 = arith.constant 73 : i32
          %get3A_661 = arith.index_cast %get3A_660 : i32 to index
          %get3A_662 = arith.constant 0 : index
          %get3A_663 = tpu.vector_load %arg6[%get3A_661, %get3A_662] {strides = array<i32>} : memref<240x16xf32, #tpu.memory_space<vmem>>, vector<16xf32>,
          %get3A_664 = arith.constant 74 : i32
          %get3A_665 = arith.index_cast %get3A_664 : i32 to index
          %get3A_666 = arith.constant 0 : index
          %get3A_667 = tpu.vector_load %arg6[%get3A_665, %get3A_666] {strides = array<i32>} : memref<240x16xf32, #tpu.memory_space<vmem>>, vector<16xf32>,
          %add3A_668 = arith.constant 4 : i32
          %add3A_669 = vector.broadcast %add3A_668 : i32 to vector<16xi32>
          %add3A_670 = arith.addi %sub3A_81, %add3A_669 : vector<16xi32>
          %lt3A_671 = arith.constant 128 : i32
          %lt3A_672 = vector.broadcast %lt3A_671 : i32 to vector<16xi32>
          %lt3A_673 = arith.cmpi ult, %add3A_670, %lt3A_672 : vector<16xi32>
          %select_n3A_674 = arith.select %lt3A_673, %add3A_670, %broadcast_in_dim3A_6 : vector<16xi1>, vector<16xi32>
          tpu.vector_store_idx %arg7[%select_n3A_674, %sub3A_84], %get3A_611 masked %lt3A_87 {add = true} : memref<129x512xf32, #tpu.memory_space<vmem>>[vector<16xi32>, vector<16xi32>], vector<16xf32>, vector<16xi1>
          %add3A_675 = arith.constant 1 : i32
          %add3A_676 = vector.broadcast %add3A_675 : i32 to vector<16xi32>
          %add3A_677 = arith.addi %sub3A_84, %add3A_676 : vector<16xi32>
          tpu.vector_store_idx %arg7[%select_n3A_674, %add3A_677], %get3A_615 masked %lt3A_93 {add = true} : memref<129x512xf32, #tpu.memory_space<vmem>>[vector<16xi32>, vector<16xi32>], vector<16xf32>, vector<16xi1>
          %add3A_678 = arith.constant 1 : i32
          %add3A_679 = vector.broadcast %add3A_678 : i32 to vector<16xi32>
          %add3A_680 = arith.addi %add3A_677, %add3A_679 : vector<16xi32>
          tpu.vector_store_idx %arg7[%select_n3A_674, %add3A_680], %get3A_619 masked %lt3A_99 {add = true} : memref<129x512xf32, #tpu.memory_space<vmem>>[vector<16xi32>, vector<16xi32>], vector<16xf32>, vector<16xi1>
          %add3A_681 = arith.constant 1 : i32
          %add3A_682 = vector.broadcast %add3A_681 : i32 to vector<16xi32>
          %add3A_683 = arith.addi %add3A_680, %add3A_682 : vector<16xi32>
          tpu.vector_store_idx %arg7[%select_n3A_674, %add3A_683], %get3A_623 masked %lt3A_105 {add = true} : memref<129x512xf32, #tpu.memory_space<vmem>>[vector<16xi32>, vector<16xi32>], vector<16xf32>, vector<16xi1>
          %add3A_684 = arith.constant 1 : i32
          %add3A_685 = vector.broadcast %add3A_684 : i32 to vector<16xi32>
          %add3A_686 = arith.addi %add3A_683, %add3A_685 : vector<16xi32>
          tpu.vector_store_idx %arg7[%select_n3A_674, %add3A_686], %get3A_627 masked %lt3A_111 {add = true} : memref<129x512xf32, #tpu.memory_space<vmem>>[vector<16xi32>, vector<16xi32>], vector<16xf32>, vector<16xi1>
          %add3A_687 = arith.constant 1 : i32
          %add3A_688 = vector.broadcast %add3A_687 : i32 to vector<16xi32>
          %add3A_689 = arith.addi %add3A_686, %add3A_688 : vector<16xi32>
          tpu.vector_store_idx %arg7[%select_n3A_674, %add3A_689], %get3A_631 masked %lt3A_117 {add = true} : memref<129x512xf32, #tpu.memory_space<vmem>>[vector<16xi32>, vector<16xi32>], vector<16xf32>, vector<16xi1>
          %add3A_690 = arith.constant 1 : i32
          %add3A_691 = vector.broadcast %add3A_690 : i32 to vector<16xi32>
          %add3A_692 = arith.addi %add3A_689, %add3A_691 : vector<16xi32>
          tpu.vector_store_idx %arg7[%select_n3A_674, %add3A_692], %get3A_635 masked %lt3A_123 {add = true} : memref<129x512xf32, #tpu.memory_space<vmem>>[vector<16xi32>, vector<16xi32>], vector<16xf32>, vector<16xi1>
          %add3A_693 = arith.constant 1 : i32
          %add3A_694 = vector.broadcast %add3A_693 : i32 to vector<16xi32>
          %add3A_695 = arith.addi %add3A_692, %add3A_694 : vector<16xi32>
          tpu.vector_store_idx %arg7[%select_n3A_674, %add3A_695], %get3A_639 masked %lt3A_129 {add = true} : memref<129x512xf32, #tpu.memory_space<vmem>>[vector<16xi32>, vector<16xi32>], vector<16xf32>, vector<16xi1>
          %add3A_696 = arith.constant 1 : i32
          %add3A_697 = vector.broadcast %add3A_696 : i32 to vector<16xi32>
          %add3A_698 = arith.addi %add3A_695, %add3A_697 : vector<16xi32>
          tpu.vector_store_idx %arg7[%select_n3A_674, %add3A_698], %get3A_643 masked %lt3A_135 {add = true} : memref<129x512xf32, #tpu.memory_space<vmem>>[vector<16xi32>, vector<16xi32>], vector<16xf32>, vector<16xi1>
          %add3A_699 = arith.constant 1 : i32
          %add3A_700 = vector.broadcast %add3A_699 : i32 to vector<16xi32>
          %add3A_701 = arith.addi %add3A_698, %add3A_700 : vector<16xi32>
          tpu.vector_store_idx %arg7[%select_n3A_674, %add3A_701], %get3A_647 masked %lt3A_141 {add = true} : memref<129x512xf32, #tpu.memory_space<vmem>>[vector<16xi32>, vector<16xi32>], vector<16xf32>, vector<16xi1>
          %add3A_702 = arith.constant 1 : i32
          %add3A_703 = vector.broadcast %add3A_702 : i32 to vector<16xi32>
          %add3A_704 = arith.addi %add3A_701, %add3A_703 : vector<16xi32>
          tpu.vector_store_idx %arg7[%select_n3A_674, %add3A_704], %get3A_651 masked %lt3A_147 {add = true} : memref<129x512xf32, #tpu.memory_space<vmem>>[vector<16xi32>, vector<16xi32>], vector<16xf32>, vector<16xi1>
          %add3A_705 = arith.constant 1 : i32
          %add3A_706 = vector.broadcast %add3A_705 : i32 to vector<16xi32>
          %add3A_707 = arith.addi %add3A_704, %add3A_706 : vector<16xi32>
          tpu.vector_store_idx %arg7[%select_n3A_674, %add3A_707], %get3A_655 masked %lt3A_153 {add = true} : memref<129x512xf32, #tpu.memory_space<vmem>>[vector<16xi32>, vector<16xi32>], vector<16xf32>, vector<16xi1>
          %add3A_708 = arith.constant 1 : i32
          %add3A_709 = vector.broadcast %add3A_708 : i32 to vector<16xi32>
          %add3A_710 = arith.addi %add3A_707, %add3A_709 : vector<16xi32>
          tpu.vector_store_idx %arg7[%select_n3A_674, %add3A_710], %get3A_659 masked %lt3A_159 {add = true} : memref<129x512xf32, #tpu.memory_space<vmem>>[vector<16xi32>, vector<16xi32>], vector<16xf32>, vector<16xi1>
          %add3A_711 = arith.constant 1 : i32
          %add3A_712 = vector.broadcast %add3A_711 : i32 to vector<16xi32>
          %add3A_713 = arith.addi %add3A_710, %add3A_712 : vector<16xi32>
          tpu.vector_store_idx %arg7[%select_n3A_674, %add3A_713], %get3A_663 masked %lt3A_165 {add = true} : memref<129x512xf32, #tpu.memory_space<vmem>>[vector<16xi32>, vector<16xi32>], vector<16xf32>, vector<16xi1>
          %add3A_714 = arith.constant 1 : i32
          %add3A_715 = vector.broadcast %add3A_714 : i32 to vector<16xi32>
          %add3A_716 = arith.addi %add3A_713, %add3A_715 : vector<16xi32>
          tpu.vector_store_idx %arg7[%select_n3A_674, %add3A_716], %get3A_667 masked %lt3A_171 {add = true} : memref<129x512xf32, #tpu.memory_space<vmem>>[vector<16xi32>, vector<16xi32>], vector<16xf32>, vector<16xi1>
          %get3A_717 = arith.constant 75 : i32
          %get3A_718 = arith.index_cast %get3A_717 : i32 to index
          %get3A_719 = arith.constant 0 : index
          %get3A_720 = tpu.vector_load %arg6[%get3A_718, %get3A_719] {strides = array<i32>} : memref<240x16xf32, #tpu.memory_space<vmem>>, vector<16xf32>,
          %get3A_721 = arith.constant 76 : i32
          %get3A_722 = arith.index_cast %get3A_721 : i32 to index
          %get3A_723 = arith.constant 0 : index
          %get3A_724 = tpu.vector_load %arg6[%get3A_722, %get3A_723] {strides = array<i32>} : memref<240x16xf32, #tpu.memory_space<vmem>>, vector<16xf32>,
          %get3A_725 = arith.constant 77 : i32
          %get3A_726 = arith.index_cast %get3A_725 : i32 to index
          %get3A_727 = arith.constant 0 : index
          %get3A_728 = tpu.vector_load %arg6[%get3A_726, %get3A_727] {strides = array<i32>} : memref<240x16xf32, #tpu.memory_space<vmem>>, vector<16xf32>,
          %get3A_729 = arith.constant 78 : i32
          %get3A_730 = arith.index_cast %get3A_729 : i32 to index
          %get3A_731 = arith.constant 0 : index
          %get3A_732 = tpu.vector_load %arg6[%get3A_730, %get3A_731] {strides = array<i32>} : memref<240x16xf32, #tpu.memory_space<vmem>>, vector<16xf32>,
          %get3A_733 = arith.constant 79 : i32
          %get3A_734 = arith.index_cast %get3A_733 : i32 to index
          %get3A_735 = arith.constant 0 : index
          %get3A_736 = tpu.vector_load %arg6[%get3A_734, %get3A_735] {strides = array<i32>} : memref<240x16xf32, #tpu.memory_space<vmem>>, vector<16xf32>,
          %get3A_737 = arith.constant 80 : i32
          %get3A_738 = arith.index_cast %get3A_737 : i32 to index
          %get3A_739 = arith.constant 0 : index
          %get3A_740 = tpu.vector_load %arg6[%get3A_738, %get3A_739] {strides = array<i32>} : memref<240x16xf32, #tpu.memory_space<vmem>>, vector<16xf32>,
          %get3A_741 = arith.constant 81 : i32
          %get3A_742 = arith.index_cast %get3A_741 : i32 to index
          %get3A_743 = arith.constant 0 : index
          %get3A_744 = tpu.vector_load %arg6[%get3A_742, %get3A_743] {strides = array<i32>} : memref<240x16xf32, #tpu.memory_space<vmem>>, vector<16xf32>,
          %get3A_745 = arith.constant 82 : i32
          %get3A_746 = arith.index_cast %get3A_745 : i32 to index
          %get3A_747 = arith.constant 0 : index
          %get3A_748 = tpu.vector_load %arg6[%get3A_746, %get3A_747] {strides = array<i32>} : memref<240x16xf32, #tpu.memory_space<vmem>>, vector<16xf32>,
          %get3A_749 = arith.constant 83 : i32
          %get3A_750 = arith.index_cast %get3A_749 : i32 to index
          %get3A_751 = arith.constant 0 : index
          %get3A_752 = tpu.vector_load %arg6[%get3A_750, %get3A_751] {strides = array<i32>} : memref<240x16xf32, #tpu.memory_space<vmem>>, vector<16xf32>,
          %get3A_753 = arith.constant 84 : i32
          %get3A_754 = arith.index_cast %get3A_753 : i32 to index
          %get3A_755 = arith.constant 0 : index
          %get3A_756 = tpu.vector_load %arg6[%get3A_754, %get3A_755] {strides = array<i32>} : memref<240x16xf32, #tpu.memory_space<vmem>>, vector<16xf32>,
          %get3A_757 = arith.constant 85 : i32
          %get3A_758 = arith.index_cast %get3A_757 : i32 to index
          %get3A_759 = arith.constant 0 : index
          %get3A_760 = tpu.vector_load %arg6[%get3A_758, %get3A_759] {strides = array<i32>} : memref<240x16xf32, #tpu.memory_space<vmem>>, vector<16xf32>,
          %get3A_761 = arith.constant 86 : i32
          %get3A_762 = arith.index_cast %get3A_761 : i32 to index
          %get3A_763 = arith.constant 0 : index
          %get3A_764 = tpu.vector_load %arg6[%get3A_762, %get3A_763] {strides = array<i32>} : memref<240x16xf32, #tpu.memory_space<vmem>>, vector<16xf32>,
          %get3A_765 = arith.constant 87 : i32
          %get3A_766 = arith.index_cast %get3A_765 : i32 to index
          %get3A_767 = arith.constant 0 : index
          %get3A_768 = tpu.vector_load %arg6[%get3A_766, %get3A_767] {strides = array<i32>} : memref<240x16xf32, #tpu.memory_space<vmem>>, vector<16xf32>,
          %get3A_769 = arith.constant 88 : i32
          %get3A_770 = arith.index_cast %get3A_769 : i32 to index
          %get3A_771 = arith.constant 0 : index
          %get3A_772 = tpu.vector_load %arg6[%get3A_770, %get3A_771] {strides = array<i32>} : memref<240x16xf32, #tpu.memory_space<vmem>>, vector<16xf32>,
          %get3A_773 = arith.constant 89 : i32
          %get3A_774 = arith.index_cast %get3A_773 : i32 to index
          %get3A_775 = arith.constant 0 : index
          %get3A_776 = tpu.vector_load %arg6[%get3A_774, %get3A_775] {strides = array<i32>} : memref<240x16xf32, #tpu.memory_space<vmem>>, vector<16xf32>,
          %add3A_777 = arith.constant 5 : i32
          %add3A_778 = vector.broadcast %add3A_777 : i32 to vector<16xi32>
          %add3A_779 = arith.addi %sub3A_81, %add3A_778 : vector<16xi32>
          %lt3A_780 = arith.constant 128 : i32
          %lt3A_781 = vector.broadcast %lt3A_780 : i32 to vector<16xi32>
          %lt3A_782 = arith.cmpi ult, %add3A_779, %lt3A_781 : vector<16xi32>
          %select_n3A_783 = arith.select %lt3A_782, %add3A_779, %broadcast_in_dim3A_6 : vector<16xi1>, vector<16xi32>
          tpu.vector_store_idx %arg7[%select_n3A_783, %sub3A_84], %get3A_720 masked %lt3A_87 {add = true} : memref<129x512xf32, #tpu.memory_space<vmem>>[vector<16xi32>, vector<16xi32>], vector<16xf32>, vector<16xi1>
          %add3A_784 = arith.constant 1 : i32
          %add3A_785 = vector.broadcast %add3A_784 : i32 to vector<16xi32>
          %add3A_786 = arith.addi %sub3A_84, %add3A_785 : vector<16xi32>
          tpu.vector_store_idx %arg7[%select_n3A_783, %add3A_786], %get3A_724 masked %lt3A_93 {add = true} : memref<129x512xf32, #tpu.memory_space<vmem>>[vector<16xi32>, vector<16xi32>], vector<16xf32>, vector<16xi1>
          %add3A_787 = arith.constant 1 : i32
          %add3A_788 = vector.broadcast %add3A_787 : i32 to vector<16xi32>
          %add3A_789 = arith.addi %add3A_786, %add3A_788 : vector<16xi32>
          tpu.vector_store_idx %arg7[%select_n3A_783, %add3A_789], %get3A_728 masked %lt3A_99 {add = true} : memref<129x512xf32, #tpu.memory_space<vmem>>[vector<16xi32>, vector<16xi32>], vector<16xf32>, vector<16xi1>
          %add3A_790 = arith.constant 1 : i32
          %add3A_791 = vector.broadcast %add3A_790 : i32 to vector<16xi32>
          %add3A_792 = arith.addi %add3A_789, %add3A_791 : vector<16xi32>
          tpu.vector_store_idx %arg7[%select_n3A_783, %add3A_792], %get3A_732 masked %lt3A_105 {add = true} : memref<129x512xf32, #tpu.memory_space<vmem>>[vector<16xi32>, vector<16xi32>], vector<16xf32>, vector<16xi1>
          %add3A_793 = arith.constant 1 : i32
          %add3A_794 = vector.broadcast %add3A_793 : i32 to vector<16xi32>
          %add3A_795 = arith.addi %add3A_792, %add3A_794 : vector<16xi32>
          tpu.vector_store_idx %arg7[%select_n3A_783, %add3A_795], %get3A_736 masked %lt3A_111 {add = true} : memref<129x512xf32, #tpu.memory_space<vmem>>[vector<16xi32>, vector<16xi32>], vector<16xf32>, vector<16xi1>
          %add3A_796 = arith.constant 1 : i32
          %add3A_797 = vector.broadcast %add3A_796 : i32 to vector<16xi32>
          %add3A_798 = arith.addi %add3A_795, %add3A_797 : vector<16xi32>
          tpu.vector_store_idx %arg7[%select_n3A_783, %add3A_798], %get3A_740 masked %lt3A_117 {add = true} : memref<129x512xf32, #tpu.memory_space<vmem>>[vector<16xi32>, vector<16xi32>], vector<16xf32>, vector<16xi1>
          %add3A_799 = arith.constant 1 : i32
          %add3A_800 = vector.broadcast %add3A_799 : i32 to vector<16xi32>
          %add3A_801 = arith.addi %add3A_798, %add3A_800 : vector<16xi32>
          tpu.vector_store_idx %arg7[%select_n3A_783, %add3A_801], %get3A_744 masked %lt3A_123 {add = true} : memref<129x512xf32, #tpu.memory_space<vmem>>[vector<16xi32>, vector<16xi32>], vector<16xf32>, vector<16xi1>
          %add3A_802 = arith.constant 1 : i32
          %add3A_803 = vector.broadcast %add3A_802 : i32 to vector<16xi32>
          %add3A_804 = arith.addi %add3A_801, %add3A_803 : vector<16xi32>
          tpu.vector_store_idx %arg7[%select_n3A_783, %add3A_804], %get3A_748 masked %lt3A_129 {add = true} : memref<129x512xf32, #tpu.memory_space<vmem>>[vector<16xi32>, vector<16xi32>], vector<16xf32>, vector<16xi1>
          %add3A_805 = arith.constant 1 : i32
          %add3A_806 = vector.broadcast %add3A_805 : i32 to vector<16xi32>
          %add3A_807 = arith.addi %add3A_804, %add3A_806 : vector<16xi32>
          tpu.vector_store_idx %arg7[%select_n3A_783, %add3A_807], %get3A_752 masked %lt3A_135 {add = true} : memref<129x512xf32, #tpu.memory_space<vmem>>[vector<16xi32>, vector<16xi32>], vector<16xf32>, vector<16xi1>
          %add3A_808 = arith.constant 1 : i32
          %add3A_809 = vector.broadcast %add3A_808 : i32 to vector<16xi32>
          %add3A_810 = arith.addi %add3A_807, %add3A_809 : vector<16xi32>
          tpu.vector_store_idx %arg7[%select_n3A_783, %add3A_810], %get3A_756 masked %lt3A_141 {add = true} : memref<129x512xf32, #tpu.memory_space<vmem>>[vector<16xi32>, vector<16xi32>], vector<16xf32>, vector<16xi1>
          %add3A_811 = arith.constant 1 : i32
          %add3A_812 = vector.broadcast %add3A_811 : i32 to vector<16xi32>
          %add3A_813 = arith.addi %add3A_810, %add3A_812 : vector<16xi32>
          tpu.vector_store_idx %arg7[%select_n3A_783, %add3A_813], %get3A_760 masked %lt3A_147 {add = true} : memref<129x512xf32, #tpu.memory_space<vmem>>[vector<16xi32>, vector<16xi32>], vector<16xf32>, vector<16xi1>
          %add3A_814 = arith.constant 1 : i32
          %add3A_815 = vector.broadcast %add3A_814 : i32 to vector<16xi32>
          %add3A_816 = arith.addi %add3A_813, %add3A_815 : vector<16xi32>
          tpu.vector_store_idx %arg7[%select_n3A_783, %add3A_816], %get3A_764 masked %lt3A_153 {add = true} : memref<129x512xf32, #tpu.memory_space<vmem>>[vector<16xi32>, vector<16xi32>], vector<16xf32>, vector<16xi1>
          %add3A_817 = arith.constant 1 : i32
          %add3A_818 = vector.broadcast %add3A_817 : i32 to vector<16xi32>
          %add3A_819 = arith.addi %add3A_816, %add3A_818 : vector<16xi32>
          tpu.vector_store_idx %arg7[%select_n3A_783, %add3A_819], %get3A_768 masked %lt3A_159 {add = true} : memref<129x512xf32, #tpu.memory_space<vmem>>[vector<16xi32>, vector<16xi32>], vector<16xf32>, vector<16xi1>
          %add3A_820 = arith.constant 1 : i32
          %add3A_821 = vector.broadcast %add3A_820 : i32 to vector<16xi32>
          %add3A_822 = arith.addi %add3A_819, %add3A_821 : vector<16xi32>
          tpu.vector_store_idx %arg7[%select_n3A_783, %add3A_822], %get3A_772 masked %lt3A_165 {add = true} : memref<129x512xf32, #tpu.memory_space<vmem>>[vector<16xi32>, vector<16xi32>], vector<16xf32>, vector<16xi1>
          %add3A_823 = arith.constant 1 : i32
          %add3A_824 = vector.broadcast %add3A_823 : i32 to vector<16xi32>
          %add3A_825 = arith.addi %add3A_822, %add3A_824 : vector<16xi32>
          tpu.vector_store_idx %arg7[%select_n3A_783, %add3A_825], %get3A_776 masked %lt3A_171 {add = true} : memref<129x512xf32, #tpu.memory_space<vmem>>[vector<16xi32>, vector<16xi32>], vector<16xf32>, vector<16xi1>
          %get3A_826 = arith.constant 90 : i32
          %get3A_827 = arith.index_cast %get3A_826 : i32 to index
          %get3A_828 = arith.constant 0 : index
          %get3A_829 = tpu.vector_load %arg6[%get3A_827, %get3A_828] {strides = array<i32>} : memref<240x16xf32, #tpu.memory_space<vmem>>, vector<16xf32>,
          %get3A_830 = arith.constant 91 : i32
          %get3A_831 = arith.index_cast %get3A_830 : i32 to index
          %get3A_832 = arith.constant 0 : index
          %get3A_833 = tpu.vector_load %arg6[%get3A_831, %get3A_832] {strides = array<i32>} : memref<240x16xf32, #tpu.memory_space<vmem>>, vector<16xf32>,
          %get3A_834 = arith.constant 92 : i32
          %get3A_835 = arith.index_cast %get3A_834 : i32 to index
          %get3A_836 = arith.constant 0 : index
          %get3A_837 = tpu.vector_load %arg6[%get3A_835, %get3A_836] {strides = array<i32>} : memref<240x16xf32, #tpu.memory_space<vmem>>, vector<16xf32>,
          %get3A_838 = arith.constant 93 : i32
          %get3A_839 = arith.index_cast %get3A_838 : i32 to index
          %get3A_840 = arith.constant 0 : index
          %get3A_841 = tpu.vector_load %arg6[%get3A_839, %get3A_840] {strides = array<i32>} : memref<240x16xf32, #tpu.memory_space<vmem>>, vector<16xf32>,
          %get3A_842 = arith.constant 94 : i32
          %get3A_843 = arith.index_cast %get3A_842 : i32 to index
          %get3A_844 = arith.constant 0 : index
          %get3A_845 = tpu.vector_load %arg6[%get3A_843, %get3A_844] {strides = array<i32>} : memref<240x16xf32, #tpu.memory_space<vmem>>, vector<16xf32>,
          %get3A_846 = arith.constant 95 : i32
          %get3A_847 = arith.index_cast %get3A_846 : i32 to index
          %get3A_848 = arith.constant 0 : index
          %get3A_849 = tpu.vector_load %arg6[%get3A_847, %get3A_848] {strides = array<i32>} : memref<240x16xf32, #tpu.memory_space<vmem>>, vector<16xf32>,
          %get3A_850 = arith.constant 96 : i32
          %get3A_851 = arith.index_cast %get3A_850 : i32 to index
          %get3A_852 = arith.constant 0 : index
          %get3A_853 = tpu.vector_load %arg6[%get3A_851, %get3A_852] {strides = array<i32>} : memref<240x16xf32, #tpu.memory_space<vmem>>, vector<16xf32>,
          %get3A_854 = arith.constant 97 : i32
          %get3A_855 = arith.index_cast %get3A_854 : i32 to index
          %get3A_856 = arith.constant 0 : index
          %get3A_857 = tpu.vector_load %arg6[%get3A_855, %get3A_856] {strides = array<i32>} : memref<240x16xf32, #tpu.memory_space<vmem>>, vector<16xf32>,
          %get3A_858 = arith.constant 98 : i32
          %get3A_859 = arith.index_cast %get3A_858 : i32 to index
          %get3A_860 = arith.constant 0 : index
          %get3A_861 = tpu.vector_load %arg6[%get3A_859, %get3A_860] {strides = array<i32>} : memref<240x16xf32, #tpu.memory_space<vmem>>, vector<16xf32>,
          %get3A_862 = arith.constant 99 : i32
          %get3A_863 = arith.index_cast %get3A_862 : i32 to index
          %get3A_864 = arith.constant 0 : index
          %get3A_865 = tpu.vector_load %arg6[%get3A_863, %get3A_864] {strides = array<i32>} : memref<240x16xf32, #tpu.memory_space<vmem>>, vector<16xf32>,
          %get3A_866 = arith.constant 100 : i32
          %get3A_867 = arith.index_cast %get3A_866 : i32 to index
          %get3A_868 = arith.constant 0 : index
          %get3A_869 = tpu.vector_load %arg6[%get3A_867, %get3A_868] {strides = array<i32>} : memref<240x16xf32, #tpu.memory_space<vmem>>, vector<16xf32>,
          %get3A_870 = arith.constant 101 : i32
          %get3A_871 = arith.index_cast %get3A_870 : i32 to index
          %get3A_872 = arith.constant 0 : index
          %get3A_873 = tpu.vector_load %arg6[%get3A_871, %get3A_872] {strides = array<i32>} : memref<240x16xf32, #tpu.memory_space<vmem>>, vector<16xf32>,
          %get3A_874 = arith.constant 102 : i32
          %get3A_875 = arith.index_cast %get3A_874 : i32 to index
          %get3A_876 = arith.constant 0 : index
          %get3A_877 = tpu.vector_load %arg6[%get3A_875, %get3A_876] {strides = array<i32>} : memref<240x16xf32, #tpu.memory_space<vmem>>, vector<16xf32>,
          %get3A_878 = arith.constant 103 : i32
          %get3A_879 = arith.index_cast %get3A_878 : i32 to index
          %get3A_880 = arith.constant 0 : index
          %get3A_881 = tpu.vector_load %arg6[%get3A_879, %get3A_880] {strides = array<i32>} : memref<240x16xf32, #tpu.memory_space<vmem>>, vector<16xf32>,
          %get3A_882 = arith.constant 104 : i32
          %get3A_883 = arith.index_cast %get3A_882 : i32 to index
          %get3A_884 = arith.constant 0 : index
          %get3A_885 = tpu.vector_load %arg6[%get3A_883, %get3A_884] {strides = array<i32>} : memref<240x16xf32, #tpu.memory_space<vmem>>, vector<16xf32>,
          %add3A_886 = arith.constant 6 : i32
          %add3A_887 = vector.broadcast %add3A_886 : i32 to vector<16xi32>
          %add3A_888 = arith.addi %sub3A_81, %add3A_887 : vector<16xi32>
          %lt3A_889 = arith.constant 128 : i32
          %lt3A_890 = vector.broadcast %lt3A_889 : i32 to vector<16xi32>
          %lt3A_891 = arith.cmpi ult, %add3A_888, %lt3A_890 : vector<16xi32>
          %select_n3A_892 = arith.select %lt3A_891, %add3A_888, %broadcast_in_dim3A_6 : vector<16xi1>, vector<16xi32>
          tpu.vector_store_idx %arg7[%select_n3A_892, %sub3A_84], %get3A_829 masked %lt3A_87 {add = true} : memref<129x512xf32, #tpu.memory_space<vmem>>[vector<16xi32>, vector<16xi32>], vector<16xf32>, vector<16xi1>
          %add3A_893 = arith.constant 1 : i32
          %add3A_894 = vector.broadcast %add3A_893 : i32 to vector<16xi32>
          %add3A_895 = arith.addi %sub3A_84, %add3A_894 : vector<16xi32>
          tpu.vector_store_idx %arg7[%select_n3A_892, %add3A_895], %get3A_833 masked %lt3A_93 {add = true} : memref<129x512xf32, #tpu.memory_space<vmem>>[vector<16xi32>, vector<16xi32>], vector<16xf32>, vector<16xi1>
          %add3A_896 = arith.constant 1 : i32
          %add3A_897 = vector.broadcast %add3A_896 : i32 to vector<16xi32>
          %add3A_898 = arith.addi %add3A_895, %add3A_897 : vector<16xi32>
          tpu.vector_store_idx %arg7[%select_n3A_892, %add3A_898], %get3A_837 masked %lt3A_99 {add = true} : memref<129x512xf32, #tpu.memory_space<vmem>>[vector<16xi32>, vector<16xi32>], vector<16xf32>, vector<16xi1>
          %add3A_899 = arith.constant 1 : i32
          %add3A_900 = vector.broadcast %add3A_899 : i32 to vector<16xi32>
          %add3A_901 = arith.addi %add3A_898, %add3A_900 : vector<16xi32>
          tpu.vector_store_idx %arg7[%select_n3A_892, %add3A_901], %get3A_841 masked %lt3A_105 {add = true} : memref<129x512xf32, #tpu.memory_space<vmem>>[vector<16xi32>, vector<16xi32>], vector<16xf32>, vector<16xi1>
          %add3A_902 = arith.constant 1 : i32
          %add3A_903 = vector.broadcast %add3A_902 : i32 to vector<16xi32>
          %add3A_904 = arith.addi %add3A_901, %add3A_903 : vector<16xi32>
          tpu.vector_store_idx %arg7[%select_n3A_892, %add3A_904], %get3A_845 masked %lt3A_111 {add = true} : memref<129x512xf32, #tpu.memory_space<vmem>>[vector<16xi32>, vector<16xi32>], vector<16xf32>, vector<16xi1>
          %add3A_905 = arith.constant 1 : i32
          %add3A_906 = vector.broadcast %add3A_905 : i32 to vector<16xi32>
          %add3A_907 = arith.addi %add3A_904, %add3A_906 : vector<16xi32>
          tpu.vector_store_idx %arg7[%select_n3A_892, %add3A_907], %get3A_849 masked %lt3A_117 {add = true} : memref<129x512xf32, #tpu.memory_space<vmem>>[vector<16xi32>, vector<16xi32>], vector<16xf32>, vector<16xi1>
          %add3A_908 = arith.constant 1 : i32
          %add3A_909 = vector.broadcast %add3A_908 : i32 to vector<16xi32>
          %add3A_910 = arith.addi %add3A_907, %add3A_909 : vector<16xi32>
          tpu.vector_store_idx %arg7[%select_n3A_892, %add3A_910], %get3A_853 masked %lt3A_123 {add = true} : memref<129x512xf32, #tpu.memory_space<vmem>>[vector<16xi32>, vector<16xi32>], vector<16xf32>, vector<16xi1>
          %add3A_911 = arith.constant 1 : i32
          %add3A_912 = vector.broadcast %add3A_911 : i32 to vector<16xi32>
          %add3A_913 = arith.addi %add3A_910, %add3A_912 : vector<16xi32>
          tpu.vector_store_idx %arg7[%select_n3A_892, %add3A_913], %get3A_857 masked %lt3A_129 {add = true} : memref<129x512xf32, #tpu.memory_space<vmem>>[vector<16xi32>, vector<16xi32>], vector<16xf32>, vector<16xi1>
          %add3A_914 = arith.constant 1 : i32
          %add3A_915 = vector.broadcast %add3A_914 : i32 to vector<16xi32>
          %add3A_916 = arith.addi %add3A_913, %add3A_915 : vector<16xi32>
          tpu.vector_store_idx %arg7[%select_n3A_892, %add3A_916], %get3A_861 masked %lt3A_135 {add = true} : memref<129x512xf32, #tpu.memory_space<vmem>>[vector<16xi32>, vector<16xi32>], vector<16xf32>, vector<16xi1>
          %add3A_917 = arith.constant 1 : i32
          %add3A_918 = vector.broadcast %add3A_917 : i32 to vector<16xi32>
          %add3A_919 = arith.addi %add3A_916, %add3A_918 : vector<16xi32>
          tpu.vector_store_idx %arg7[%select_n3A_892, %add3A_919], %get3A_865 masked %lt3A_141 {add = true} : memref<129x512xf32, #tpu.memory_space<vmem>>[vector<16xi32>, vector<16xi32>], vector<16xf32>, vector<16xi1>
          %add3A_920 = arith.constant 1 : i32
          %add3A_921 = vector.broadcast %add3A_920 : i32 to vector<16xi32>
          %add3A_922 = arith.addi %add3A_919, %add3A_921 : vector<16xi32>
          tpu.vector_store_idx %arg7[%select_n3A_892, %add3A_922], %get3A_869 masked %lt3A_147 {add = true} : memref<129x512xf32, #tpu.memory_space<vmem>>[vector<16xi32>, vector<16xi32>], vector<16xf32>, vector<16xi1>
          %add3A_923 = arith.constant 1 : i32
          %add3A_924 = vector.broadcast %add3A_923 : i32 to vector<16xi32>
          %add3A_925 = arith.addi %add3A_922, %add3A_924 : vector<16xi32>
          tpu.vector_store_idx %arg7[%select_n3A_892, %add3A_925], %get3A_873 masked %lt3A_153 {add = true} : memref<129x512xf32, #tpu.memory_space<vmem>>[vector<16xi32>, vector<16xi32>], vector<16xf32>, vector<16xi1>
          %add3A_926 = arith.constant 1 : i32
          %add3A_927 = vector.broadcast %add3A_926 : i32 to vector<16xi32>
          %add3A_928 = arith.addi %add3A_925, %add3A_927 : vector<16xi32>
          tpu.vector_store_idx %arg7[%select_n3A_892, %add3A_928], %get3A_877 masked %lt3A_159 {add = true} : memref<129x512xf32, #tpu.memory_space<vmem>>[vector<16xi32>, vector<16xi32>], vector<16xf32>, vector<16xi1>
          %add3A_929 = arith.constant 1 : i32
          %add3A_930 = vector.broadcast %add3A_929 : i32 to vector<16xi32>
          %add3A_931 = arith.addi %add3A_928, %add3A_930 : vector<16xi32>
          tpu.vector_store_idx %arg7[%select_n3A_892, %add3A_931], %get3A_881 masked %lt3A_165 {add = true} : memref<129x512xf32, #tpu.memory_space<vmem>>[vector<16xi32>, vector<16xi32>], vector<16xf32>, vector<16xi1>
          %add3A_932 = arith.constant 1 : i32
          %add3A_933 = vector.broadcast %add3A_932 : i32 to vector<16xi32>
          %add3A_934 = arith.addi %add3A_931, %add3A_933 : vector<16xi32>
          tpu.vector_store_idx %arg7[%select_n3A_892, %add3A_934], %get3A_885 masked %lt3A_171 {add = true} : memref<129x512xf32, #tpu.memory_space<vmem>>[vector<16xi32>, vector<16xi32>], vector<16xf32>, vector<16xi1>
          %get3A_935 = arith.constant 105 : i32
          %get3A_936 = arith.index_cast %get3A_935 : i32 to index
          %get3A_937 = arith.constant 0 : index
          %get3A_938 = tpu.vector_load %arg6[%get3A_936, %get3A_937] {strides = array<i32>} : memref<240x16xf32, #tpu.memory_space<vmem>>, vector<16xf32>,
          %get3A_939 = arith.constant 106 : i32
          %get3A_940 = arith.index_cast %get3A_939 : i32 to index
          %get3A_941 = arith.constant 0 : index
          %get3A_942 = tpu.vector_load %arg6[%get3A_940, %get3A_941] {strides = array<i32>} : memref<240x16xf32, #tpu.memory_space<vmem>>, vector<16xf32>,
          %get3A_943 = arith.constant 107 : i32
          %get3A_944 = arith.index_cast %get3A_943 : i32 to index
          %get3A_945 = arith.constant 0 : index
          %get3A_946 = tpu.vector_load %arg6[%get3A_944, %get3A_945] {strides = array<i32>} : memref<240x16xf32, #tpu.memory_space<vmem>>, vector<16xf32>,
          %get3A_947 = arith.constant 108 : i32
          %get3A_948 = arith.index_cast %get3A_947 : i32 to index
          %get3A_949 = arith.constant 0 : index
          %get3A_950 = tpu.vector_load %arg6[%get3A_948, %get3A_949] {strides = array<i32>} : memref<240x16xf32, #tpu.memory_space<vmem>>, vector<16xf32>,
          %get3A_951 = arith.constant 109 : i32
          %get3A_952 = arith.index_cast %get3A_951 : i32 to index
          %get3A_953 = arith.constant 0 : index
          %get3A_954 = tpu.vector_load %arg6[%get3A_952, %get3A_953] {strides = array<i32>} : memref<240x16xf32, #tpu.memory_space<vmem>>, vector<16xf32>,
          %get3A_955 = arith.constant 110 : i32
          %get3A_956 = arith.index_cast %get3A_955 : i32 to index
          %get3A_957 = arith.constant 0 : index
          %get3A_958 = tpu.vector_load %arg6[%get3A_956, %get3A_957] {strides = array<i32>} : memref<240x16xf32, #tpu.memory_space<vmem>>, vector<16xf32>,
          %get3A_959 = arith.constant 111 : i32
          %get3A_960 = arith.index_cast %get3A_959 : i32 to index
          %get3A_961 = arith.constant 0 : index
          %get3A_962 = tpu.vector_load %arg6[%get3A_960, %get3A_961] {strides = array<i32>} : memref<240x16xf32, #tpu.memory_space<vmem>>, vector<16xf32>,
          %get3A_963 = arith.constant 112 : i32
          %get3A_964 = arith.index_cast %get3A_963 : i32 to index
          %get3A_965 = arith.constant 0 : index
          %get3A_966 = tpu.vector_load %arg6[%get3A_964, %get3A_965] {strides = array<i32>} : memref<240x16xf32, #tpu.memory_space<vmem>>, vector<16xf32>,
          %get3A_967 = arith.constant 113 : i32
          %get3A_968 = arith.index_cast %get3A_967 : i32 to index
          %get3A_969 = arith.constant 0 : index
          %get3A_970 = tpu.vector_load %arg6[%get3A_968, %get3A_969] {strides = array<i32>} : memref<240x16xf32, #tpu.memory_space<vmem>>, vector<16xf32>,
          %get3A_971 = arith.constant 114 : i32
          %get3A_972 = arith.index_cast %get3A_971 : i32 to index
          %get3A_973 = arith.constant 0 : index
          %get3A_974 = tpu.vector_load %arg6[%get3A_972, %get3A_973] {strides = array<i32>} : memref<240x16xf32, #tpu.memory_space<vmem>>, vector<16xf32>,
          %get3A_975 = arith.constant 115 : i32
          %get3A_976 = arith.index_cast %get3A_975 : i32 to index
          %get3A_977 = arith.constant 0 : index
          %get3A_978 = tpu.vector_load %arg6[%get3A_976, %get3A_977] {strides = array<i32>} : memref<240x16xf32, #tpu.memory_space<vmem>>, vector<16xf32>,
          %get3A_979 = arith.constant 116 : i32
          %get3A_980 = arith.index_cast %get3A_979 : i32 to index
          %get3A_981 = arith.constant 0 : index
          %get3A_982 = tpu.vector_load %arg6[%get3A_980, %get3A_981] {strides = array<i32>} : memref<240x16xf32, #tpu.memory_space<vmem>>, vector<16xf32>,
          %get3A_983 = arith.constant 117 : i32
          %get3A_984 = arith.index_cast %get3A_983 : i32 to index
          %get3A_985 = arith.constant 0 : index
          %get3A_986 = tpu.vector_load %arg6[%get3A_984, %get3A_985] {strides = array<i32>} : memref<240x16xf32, #tpu.memory_space<vmem>>, vector<16xf32>,
          %get3A_987 = arith.constant 118 : i32
          %get3A_988 = arith.index_cast %get3A_987 : i32 to index
          %get3A_989 = arith.constant 0 : index
          %get3A_990 = tpu.vector_load %arg6[%get3A_988, %get3A_989] {strides = array<i32>} : memref<240x16xf32, #tpu.memory_space<vmem>>, vector<16xf32>,
          %get3A_991 = arith.constant 119 : i32
          %get3A_992 = arith.index_cast %get3A_991 : i32 to index
          %get3A_993 = arith.constant 0 : index
          %get3A_994 = tpu.vector_load %arg6[%get3A_992, %get3A_993] {strides = array<i32>} : memref<240x16xf32, #tpu.memory_space<vmem>>, vector<16xf32>,
          %add3A_995 = arith.constant 7 : i32
          %add3A_996 = vector.broadcast %add3A_995 : i32 to vector<16xi32>
          %add3A_997 = arith.addi %sub3A_81, %add3A_996 : vector<16xi32>
          %lt3A_998 = arith.constant 128 : i32
          %lt3A_999 = vector.broadcast %lt3A_998 : i32 to vector<16xi32>
          %lt3A_1000 = arith.cmpi ult, %add3A_997, %lt3A_999 : vector<16xi32>
          %select_n3A_1001 = arith.select %lt3A_1000, %add3A_997, %broadcast_in_dim3A_6 : vector<16xi1>, vector<16xi32>
          tpu.vector_store_idx %arg7[%select_n3A_1001, %sub3A_84], %get3A_938 masked %lt3A_87 {add = true} : memref<129x512xf32, #tpu.memory_space<vmem>>[vector<16xi32>, vector<16xi32>], vector<16xf32>, vector<16xi1>
          %add3A_1002 = arith.constant 1 : i32
          %add3A_1003 = vector.broadcast %add3A_1002 : i32 to vector<16xi32>
          %add3A_1004 = arith.addi %sub3A_84, %add3A_1003 : vector<16xi32>
          tpu.vector_store_idx %arg7[%select_n3A_1001, %add3A_1004], %get3A_942 masked %lt3A_93 {add = true} : memref<129x512xf32, #tpu.memory_space<vmem>>[vector<16xi32>, vector<16xi32>], vector<16xf32>, vector<16xi1>
          %add3A_1005 = arith.constant 1 : i32
          %add3A_1006 = vector.broadcast %add3A_1005 : i32 to vector<16xi32>
          %add3A_1007 = arith.addi %add3A_1004, %add3A_1006 : vector<16xi32>
          tpu.vector_store_idx %arg7[%select_n3A_1001, %add3A_1007], %get3A_946 masked %lt3A_99 {add = true} : memref<129x512xf32, #tpu.memory_space<vmem>>[vector<16xi32>, vector<16xi32>], vector<16xf32>, vector<16xi1>
          %add3A_1008 = arith.constant 1 : i32
          %add3A_1009 = vector.broadcast %add3A_1008 : i32 to vector<16xi32>
          %add3A_1010 = arith.addi %add3A_1007, %add3A_1009 : vector<16xi32>
          tpu.vector_store_idx %arg7[%select_n3A_1001, %add3A_1010], %get3A_950 masked %lt3A_105 {add = true} : memref<129x512xf32, #tpu.memory_space<vmem>>[vector<16xi32>, vector<16xi32>], vector<16xf32>, vector<16xi1>
          %add3A_1011 = arith.constant 1 : i32
          %add3A_1012 = vector.broadcast %add3A_1011 : i32 to vector<16xi32>
          %add3A_1013 = arith.addi %add3A_1010, %add3A_1012 : vector<16xi32>
          tpu.vector_store_idx %arg7[%select_n3A_1001, %add3A_1013], %get3A_954 masked %lt3A_111 {add = true} : memref<129x512xf32, #tpu.memory_space<vmem>>[vector<16xi32>, vector<16xi32>], vector<16xf32>, vector<16xi1>
          %add3A_1014 = arith.constant 1 : i32
          %add3A_1015 = vector.broadcast %add3A_1014 : i32 to vector<16xi32>
          %add3A_1016 = arith.addi %add3A_1013, %add3A_1015 : vector<16xi32>
          tpu.vector_store_idx %arg7[%select_n3A_1001, %add3A_1016], %get3A_958 masked %lt3A_117 {add = true} : memref<129x512xf32, #tpu.memory_space<vmem>>[vector<16xi32>, vector<16xi32>], vector<16xf32>, vector<16xi1>
          %add3A_1017 = arith.constant 1 : i32
          %add3A_1018 = vector.broadcast %add3A_1017 : i32 to vector<16xi32>
          %add3A_1019 = arith.addi %add3A_1016, %add3A_1018 : vector<16xi32>
          tpu.vector_store_idx %arg7[%select_n3A_1001, %add3A_1019], %get3A_962 masked %lt3A_123 {add = true} : memref<129x512xf32, #tpu.memory_space<vmem>>[vector<16xi32>, vector<16xi32>], vector<16xf32>, vector<16xi1>
          %add3A_1020 = arith.constant 1 : i32
          %add3A_1021 = vector.broadcast %add3A_1020 : i32 to vector<16xi32>
          %add3A_1022 = arith.addi %add3A_1019, %add3A_1021 : vector<16xi32>
          tpu.vector_store_idx %arg7[%select_n3A_1001, %add3A_1022], %get3A_966 masked %lt3A_129 {add = true} : memref<129x512xf32, #tpu.memory_space<vmem>>[vector<16xi32>, vector<16xi32>], vector<16xf32>, vector<16xi1>
          %add3A_1023 = arith.constant 1 : i32
          %add3A_1024 = vector.broadcast %add3A_1023 : i32 to vector<16xi32>
          %add3A_1025 = arith.addi %add3A_1022, %add3A_1024 : vector<16xi32>
          tpu.vector_store_idx %arg7[%select_n3A_1001, %add3A_1025], %get3A_970 masked %lt3A_135 {add = true} : memref<129x512xf32, #tpu.memory_space<vmem>>[vector<16xi32>, vector<16xi32>], vector<16xf32>, vector<16xi1>
          %add3A_1026 = arith.constant 1 : i32
          %add3A_1027 = vector.broadcast %add3A_1026 : i32 to vector<16xi32>
          %add3A_1028 = arith.addi %add3A_1025, %add3A_1027 : vector<16xi32>
          tpu.vector_store_idx %arg7[%select_n3A_1001, %add3A_1028], %get3A_974 masked %lt3A_141 {add = true} : memref<129x512xf32, #tpu.memory_space<vmem>>[vector<16xi32>, vector<16xi32>], vector<16xf32>, vector<16xi1>
          %add3A_1029 = arith.constant 1 : i32
          %add3A_1030 = vector.broadcast %add3A_1029 : i32 to vector<16xi32>
          %add3A_1031 = arith.addi %add3A_1028, %add3A_1030 : vector<16xi32>
          tpu.vector_store_idx %arg7[%select_n3A_1001, %add3A_1031], %get3A_978 masked %lt3A_147 {add = true} : memref<129x512xf32, #tpu.memory_space<vmem>>[vector<16xi32>, vector<16xi32>], vector<16xf32>, vector<16xi1>
          %add3A_1032 = arith.constant 1 : i32
          %add3A_1033 = vector.broadcast %add3A_1032 : i32 to vector<16xi32>
          %add3A_1034 = arith.addi %add3A_1031, %add3A_1033 : vector<16xi32>
          tpu.vector_store_idx %arg7[%select_n3A_1001, %add3A_1034], %get3A_982 masked %lt3A_153 {add = true} : memref<129x512xf32, #tpu.memory_space<vmem>>[vector<16xi32>, vector<16xi32>], vector<16xf32>, vector<16xi1>
          %add3A_1035 = arith.constant 1 : i32
          %add3A_1036 = vector.broadcast %add3A_1035 : i32 to vector<16xi32>
          %add3A_1037 = arith.addi %add3A_1034, %add3A_1036 : vector<16xi32>
          tpu.vector_store_idx %arg7[%select_n3A_1001, %add3A_1037], %get3A_986 masked %lt3A_159 {add = true} : memref<129x512xf32, #tpu.memory_space<vmem>>[vector<16xi32>, vector<16xi32>], vector<16xf32>, vector<16xi1>
          %add3A_1038 = arith.constant 1 : i32
          %add3A_1039 = vector.broadcast %add3A_1038 : i32 to vector<16xi32>
          %add3A_1040 = arith.addi %add3A_1037, %add3A_1039 : vector<16xi32>
          tpu.vector_store_idx %arg7[%select_n3A_1001, %add3A_1040], %get3A_990 masked %lt3A_165 {add = true} : memref<129x512xf32, #tpu.memory_space<vmem>>[vector<16xi32>, vector<16xi32>], vector<16xf32>, vector<16xi1>
          %add3A_1041 = arith.constant 1 : i32
          %add3A_1042 = vector.broadcast %add3A_1041 : i32 to vector<16xi32>
          %add3A_1043 = arith.addi %add3A_1040, %add3A_1042 : vector<16xi32>
          tpu.vector_store_idx %arg7[%select_n3A_1001, %add3A_1043], %get3A_994 masked %lt3A_171 {add = true} : memref<129x512xf32, #tpu.memory_space<vmem>>[vector<16xi32>, vector<16xi32>], vector<16xf32>, vector<16xi1>
          %get3A_1044 = arith.constant 120 : i32
          %get3A_1045 = arith.index_cast %get3A_1044 : i32 to index
          %get3A_1046 = arith.constant 0 : index
          %get3A_1047 = tpu.vector_load %arg6[%get3A_1045, %get3A_1046] {strides = array<i32>} : memref<240x16xf32, #tpu.memory_space<vmem>>, vector<16xf32>,
          %get3A_1048 = arith.constant 121 : i32
          %get3A_1049 = arith.index_cast %get3A_1048 : i32 to index
          %get3A_1050 = arith.constant 0 : index
          %get3A_1051 = tpu.vector_load %arg6[%get3A_1049, %get3A_1050] {strides = array<i32>} : memref<240x16xf32, #tpu.memory_space<vmem>>, vector<16xf32>,
          %get3A_1052 = arith.constant 122 : i32
          %get3A_1053 = arith.index_cast %get3A_1052 : i32 to index
          %get3A_1054 = arith.constant 0 : index
          %get3A_1055 = tpu.vector_load %arg6[%get3A_1053, %get3A_1054] {strides = array<i32>} : memref<240x16xf32, #tpu.memory_space<vmem>>, vector<16xf32>,
          %get3A_1056 = arith.constant 123 : i32
          %get3A_1057 = arith.index_cast %get3A_1056 : i32 to index
          %get3A_1058 = arith.constant 0 : index
          %get3A_1059 = tpu.vector_load %arg6[%get3A_1057, %get3A_1058] {strides = array<i32>} : memref<240x16xf32, #tpu.memory_space<vmem>>, vector<16xf32>,
          %get3A_1060 = arith.constant 124 : i32
          %get3A_1061 = arith.index_cast %get3A_1060 : i32 to index
          %get3A_1062 = arith.constant 0 : index
          %get3A_1063 = tpu.vector_load %arg6[%get3A_1061, %get3A_1062] {strides = array<i32>} : memref<240x16xf32, #tpu.memory_space<vmem>>, vector<16xf32>,
          %get3A_1064 = arith.constant 125 : i32
          %get3A_1065 = arith.index_cast %get3A_1064 : i32 to index
          %get3A_1066 = arith.constant 0 : index
          %get3A_1067 = tpu.vector_load %arg6[%get3A_1065, %get3A_1066] {strides = array<i32>} : memref<240x16xf32, #tpu.memory_space<vmem>>, vector<16xf32>,
          %get3A_1068 = arith.constant 126 : i32
          %get3A_1069 = arith.index_cast %get3A_1068 : i32 to index
          %get3A_1070 = arith.constant 0 : index
          %get3A_1071 = tpu.vector_load %arg6[%get3A_1069, %get3A_1070] {strides = array<i32>} : memref<240x16xf32, #tpu.memory_space<vmem>>, vector<16xf32>,
          %get3A_1072 = arith.constant 127 : i32
          %get3A_1073 = arith.index_cast %get3A_1072 : i32 to index
          %get3A_1074 = arith.constant 0 : index
          %get3A_1075 = tpu.vector_load %arg6[%get3A_1073, %get3A_1074] {strides = array<i32>} : memref<240x16xf32, #tpu.memory_space<vmem>>, vector<16xf32>,
          %get3A_1076 = arith.constant 128 : i32
          %get3A_1077 = arith.index_cast %get3A_1076 : i32 to index
          %get3A_1078 = arith.constant 0 : index
          %get3A_1079 = tpu.vector_load %arg6[%get3A_1077, %get3A_1078] {strides = array<i32>} : memref<240x16xf32, #tpu.memory_space<vmem>>, vector<16xf32>,
          %get3A_1080 = arith.constant 129 : i32
          %get3A_1081 = arith.index_cast %get3A_1080 : i32 to index
          %get3A_1082 = arith.constant 0 : index
          %get3A_1083 = tpu.vector_load %arg6[%get3A_1081, %get3A_1082] {strides = array<i32>} : memref<240x16xf32, #tpu.memory_space<vmem>>, vector<16xf32>,
          %get3A_1084 = arith.constant 130 : i32
          %get3A_1085 = arith.index_cast %get3A_1084 : i32 to index
          %get3A_1086 = arith.constant 0 : index
          %get3A_1087 = tpu.vector_load %arg6[%get3A_1085, %get3A_1086] {strides = array<i32>} : memref<240x16xf32, #tpu.memory_space<vmem>>, vector<16xf32>,
          %get3A_1088 = arith.constant 131 : i32
          %get3A_1089 = arith.index_cast %get3A_1088 : i32 to index
          %get3A_1090 = arith.constant 0 : index
          %get3A_1091 = tpu.vector_load %arg6[%get3A_1089, %get3A_1090] {strides = array<i32>} : memref<240x16xf32, #tpu.memory_space<vmem>>, vector<16xf32>,
          %get3A_1092 = arith.constant 132 : i32
          %get3A_1093 = arith.index_cast %get3A_1092 : i32 to index
          %get3A_1094 = arith.constant 0 : index
          %get3A_1095 = tpu.vector_load %arg6[%get3A_1093, %get3A_1094] {strides = array<i32>} : memref<240x16xf32, #tpu.memory_space<vmem>>, vector<16xf32>,
          %get3A_1096 = arith.constant 133 : i32
          %get3A_1097 = arith.index_cast %get3A_1096 : i32 to index
          %get3A_1098 = arith.constant 0 : index
          %get3A_1099 = tpu.vector_load %arg6[%get3A_1097, %get3A_1098] {strides = array<i32>} : memref<240x16xf32, #tpu.memory_space<vmem>>, vector<16xf32>,
          %get3A_1100 = arith.constant 134 : i32
          %get3A_1101 = arith.index_cast %get3A_1100 : i32 to index
          %get3A_1102 = arith.constant 0 : index
          %get3A_1103 = tpu.vector_load %arg6[%get3A_1101, %get3A_1102] {strides = array<i32>} : memref<240x16xf32, #tpu.memory_space<vmem>>, vector<16xf32>,
          %add3A_1104 = arith.constant 8 : i32
          %add3A_1105 = vector.broadcast %add3A_1104 : i32 to vector<16xi32>
          %add3A_1106 = arith.addi %sub3A_81, %add3A_1105 : vector<16xi32>
          %lt3A_1107 = arith.constant 128 : i32
          %lt3A_1108 = vector.broadcast %lt3A_1107 : i32 to vector<16xi32>
          %lt3A_1109 = arith.cmpi ult, %add3A_1106, %lt3A_1108 : vector<16xi32>
          %select_n3A_1110 = arith.select %lt3A_1109, %add3A_1106, %broadcast_in_dim3A_6 : vector<16xi1>, vector<16xi32>
          tpu.vector_store_idx %arg7[%select_n3A_1110, %sub3A_84], %get3A_1047 masked %lt3A_87 {add = true} : memref<129x512xf32, #tpu.memory_space<vmem>>[vector<16xi32>, vector<16xi32>], vector<16xf32>, vector<16xi1>
          %add3A_1111 = arith.constant 1 : i32
          %add3A_1112 = vector.broadcast %add3A_1111 : i32 to vector<16xi32>
          %add3A_1113 = arith.addi %sub3A_84, %add3A_1112 : vector<16xi32>
          tpu.vector_store_idx %arg7[%select_n3A_1110, %add3A_1113], %get3A_1051 masked %lt3A_93 {add = true} : memref<129x512xf32, #tpu.memory_space<vmem>>[vector<16xi32>, vector<16xi32>], vector<16xf32>, vector<16xi1>
          %add3A_1114 = arith.constant 1 : i32
          %add3A_1115 = vector.broadcast %add3A_1114 : i32 to vector<16xi32>
          %add3A_1116 = arith.addi %add3A_1113, %add3A_1115 : vector<16xi32>
          tpu.vector_store_idx %arg7[%select_n3A_1110, %add3A_1116], %get3A_1055 masked %lt3A_99 {add = true} : memref<129x512xf32, #tpu.memory_space<vmem>>[vector<16xi32>, vector<16xi32>], vector<16xf32>, vector<16xi1>
          %add3A_1117 = arith.constant 1 : i32
          %add3A_1118 = vector.broadcast %add3A_1117 : i32 to vector<16xi32>
          %add3A_1119 = arith.addi %add3A_1116, %add3A_1118 : vector<16xi32>
          tpu.vector_store_idx %arg7[%select_n3A_1110, %add3A_1119], %get3A_1059 masked %lt3A_105 {add = true} : memref<129x512xf32, #tpu.memory_space<vmem>>[vector<16xi32>, vector<16xi32>], vector<16xf32>, vector<16xi1>
          %add3A_1120 = arith.constant 1 : i32
          %add3A_1121 = vector.broadcast %add3A_1120 : i32 to vector<16xi32>
          %add3A_1122 = arith.addi %add3A_1119, %add3A_1121 : vector<16xi32>
          tpu.vector_store_idx %arg7[%select_n3A_1110, %add3A_1122], %get3A_1063 masked %lt3A_111 {add = true} : memref<129x512xf32, #tpu.memory_space<vmem>>[vector<16xi32>, vector<16xi32>], vector<16xf32>, vector<16xi1>
          %add3A_1123 = arith.constant 1 : i32
          %add3A_1124 = vector.broadcast %add3A_1123 : i32 to vector<16xi32>
          %add3A_1125 = arith.addi %add3A_1122, %add3A_1124 : vector<16xi32>
          tpu.vector_store_idx %arg7[%select_n3A_1110, %add3A_1125], %get3A_1067 masked %lt3A_117 {add = true} : memref<129x512xf32, #tpu.memory_space<vmem>>[vector<16xi32>, vector<16xi32>], vector<16xf32>, vector<16xi1>
          %add3A_1126 = arith.constant 1 : i32
          %add3A_1127 = vector.broadcast %add3A_1126 : i32 to vector<16xi32>
          %add3A_1128 = arith.addi %add3A_1125, %add3A_1127 : vector<16xi32>
          tpu.vector_store_idx %arg7[%select_n3A_1110, %add3A_1128], %get3A_1071 masked %lt3A_123 {add = true} : memref<129x512xf32, #tpu.memory_space<vmem>>[vector<16xi32>, vector<16xi32>], vector<16xf32>, vector<16xi1>
          %add3A_1129 = arith.constant 1 : i32
          %add3A_1130 = vector.broadcast %add3A_1129 : i32 to vector<16xi32>
          %add3A_1131 = arith.addi %add3A_1128, %add3A_1130 : vector<16xi32>
          tpu.vector_store_idx %arg7[%select_n3A_1110, %add3A_1131], %get3A_1075 masked %lt3A_129 {add = true} : memref<129x512xf32, #tpu.memory_space<vmem>>[vector<16xi32>, vector<16xi32>], vector<16xf32>, vector<16xi1>
          %add3A_1132 = arith.constant 1 : i32
          %add3A_1133 = vector.broadcast %add3A_1132 : i32 to vector<16xi32>
          %add3A_1134 = arith.addi %add3A_1131, %add3A_1133 : vector<16xi32>
          tpu.vector_store_idx %arg7[%select_n3A_1110, %add3A_1134], %get3A_1079 masked %lt3A_135 {add = true} : memref<129x512xf32, #tpu.memory_space<vmem>>[vector<16xi32>, vector<16xi32>], vector<16xf32>, vector<16xi1>
          %add3A_1135 = arith.constant 1 : i32
          %add3A_1136 = vector.broadcast %add3A_1135 : i32 to vector<16xi32>
          %add3A_1137 = arith.addi %add3A_1134, %add3A_1136 : vector<16xi32>
          tpu.vector_store_idx %arg7[%select_n3A_1110, %add3A_1137], %get3A_1083 masked %lt3A_141 {add = true} : memref<129x512xf32, #tpu.memory_space<vmem>>[vector<16xi32>, vector<16xi32>], vector<16xf32>, vector<16xi1>
          %add3A_1138 = arith.constant 1 : i32
          %add3A_1139 = vector.broadcast %add3A_1138 : i32 to vector<16xi32>
          %add3A_1140 = arith.addi %add3A_1137, %add3A_1139 : vector<16xi32>
          tpu.vector_store_idx %arg7[%select_n3A_1110, %add3A_1140], %get3A_1087 masked %lt3A_147 {add = true} : memref<129x512xf32, #tpu.memory_space<vmem>>[vector<16xi32>, vector<16xi32>], vector<16xf32>, vector<16xi1>
          %add3A_1141 = arith.constant 1 : i32
          %add3A_1142 = vector.broadcast %add3A_1141 : i32 to vector<16xi32>
          %add3A_1143 = arith.addi %add3A_1140, %add3A_1142 : vector<16xi32>
          tpu.vector_store_idx %arg7[%select_n3A_1110, %add3A_1143], %get3A_1091 masked %lt3A_153 {add = true} : memref<129x512xf32, #tpu.memory_space<vmem>>[vector<16xi32>, vector<16xi32>], vector<16xf32>, vector<16xi1>
          %add3A_1144 = arith.constant 1 : i32
          %add3A_1145 = vector.broadcast %add3A_1144 : i32 to vector<16xi32>
          %add3A_1146 = arith.addi %add3A_1143, %add3A_1145 : vector<16xi32>
          tpu.vector_store_idx %arg7[%select_n3A_1110, %add3A_1146], %get3A_1095 masked %lt3A_159 {add = true} : memref<129x512xf32, #tpu.memory_space<vmem>>[vector<16xi32>, vector<16xi32>], vector<16xf32>, vector<16xi1>
          %add3A_1147 = arith.constant 1 : i32
          %add3A_1148 = vector.broadcast %add3A_1147 : i32 to vector<16xi32>
          %add3A_1149 = arith.addi %add3A_1146, %add3A_1148 : vector<16xi32>
          tpu.vector_store_idx %arg7[%select_n3A_1110, %add3A_1149], %get3A_1099 masked %lt3A_165 {add = true} : memref<129x512xf32, #tpu.memory_space<vmem>>[vector<16xi32>, vector<16xi32>], vector<16xf32>, vector<16xi1>
          %add3A_1150 = arith.constant 1 : i32
          %add3A_1151 = vector.broadcast %add3A_1150 : i32 to vector<16xi32>
          %add3A_1152 = arith.addi %add3A_1149, %add3A_1151 : vector<16xi32>
          tpu.vector_store_idx %arg7[%select_n3A_1110, %add3A_1152], %get3A_1103 masked %lt3A_171 {add = true} : memref<129x512xf32, #tpu.memory_space<vmem>>[vector<16xi32>, vector<16xi32>], vector<16xf32>, vector<16xi1>
          %get3A_1153 = arith.constant 135 : i32
          %get3A_1154 = arith.index_cast %get3A_1153 : i32 to index
          %get3A_1155 = arith.constant 0 : index
          %get3A_1156 = tpu.vector_load %arg6[%get3A_1154, %get3A_1155] {strides = array<i32>} : memref<240x16xf32, #tpu.memory_space<vmem>>, vector<16xf32>,
          %get3A_1157 = arith.constant 136 : i32
          %get3A_1158 = arith.index_cast %get3A_1157 : i32 to index
          %get3A_1159 = arith.constant 0 : index
          %get3A_1160 = tpu.vector_load %arg6[%get3A_1158, %get3A_1159] {strides = array<i32>} : memref<240x16xf32, #tpu.memory_space<vmem>>, vector<16xf32>,
          %get3A_1161 = arith.constant 137 : i32
          %get3A_1162 = arith.index_cast %get3A_1161 : i32 to index
          %get3A_1163 = arith.constant 0 : index
          %get3A_1164 = tpu.vector_load %arg6[%get3A_1162, %get3A_1163] {strides = array<i32>} : memref<240x16xf32, #tpu.memory_space<vmem>>, vector<16xf32>,
          %get3A_1165 = arith.constant 138 : i32
          %get3A_1166 = arith.index_cast %get3A_1165 : i32 to index
          %get3A_1167 = arith.constant 0 : index
          %get3A_1168 = tpu.vector_load %arg6[%get3A_1166, %get3A_1167] {strides = array<i32>} : memref<240x16xf32, #tpu.memory_space<vmem>>, vector<16xf32>,
          %get3A_1169 = arith.constant 139 : i32
          %get3A_1170 = arith.index_cast %get3A_1169 : i32 to index
          %get3A_1171 = arith.constant 0 : index
          %get3A_1172 = tpu.vector_load %arg6[%get3A_1170, %get3A_1171] {strides = array<i32>} : memref<240x16xf32, #tpu.memory_space<vmem>>, vector<16xf32>,
          %get3A_1173 = arith.constant 140 : i32
          %get3A_1174 = arith.index_cast %get3A_1173 : i32 to index
          %get3A_1175 = arith.constant 0 : index
          %get3A_1176 = tpu.vector_load %arg6[%get3A_1174, %get3A_1175] {strides = array<i32>} : memref<240x16xf32, #tpu.memory_space<vmem>>, vector<16xf32>,
          %get3A_1177 = arith.constant 141 : i32
          %get3A_1178 = arith.index_cast %get3A_1177 : i32 to index
          %get3A_1179 = arith.constant 0 : index
          %get3A_1180 = tpu.vector_load %arg6[%get3A_1178, %get3A_1179] {strides = array<i32>} : memref<240x16xf32, #tpu.memory_space<vmem>>, vector<16xf32>,
          %get3A_1181 = arith.constant 142 : i32
          %get3A_1182 = arith.index_cast %get3A_1181 : i32 to index
          %get3A_1183 = arith.constant 0 : index
          %get3A_1184 = tpu.vector_load %arg6[%get3A_1182, %get3A_1183] {strides = array<i32>} : memref<240x16xf32, #tpu.memory_space<vmem>>, vector<16xf32>,
          %get3A_1185 = arith.constant 143 : i32
          %get3A_1186 = arith.index_cast %get3A_1185 : i32 to index
          %get3A_1187 = arith.constant 0 : index
          %get3A_1188 = tpu.vector_load %arg6[%get3A_1186, %get3A_1187] {strides = array<i32>} : memref<240x16xf32, #tpu.memory_space<vmem>>, vector<16xf32>,
          %get3A_1189 = arith.constant 144 : i32
          %get3A_1190 = arith.index_cast %get3A_1189 : i32 to index
          %get3A_1191 = arith.constant 0 : index
          %get3A_1192 = tpu.vector_load %arg6[%get3A_1190, %get3A_1191] {strides = array<i32>} : memref<240x16xf32, #tpu.memory_space<vmem>>, vector<16xf32>,
          %get3A_1193 = arith.constant 145 : i32
          %get3A_1194 = arith.index_cast %get3A_1193 : i32 to index
          %get3A_1195 = arith.constant 0 : index
          %get3A_1196 = tpu.vector_load %arg6[%get3A_1194, %get3A_1195] {strides = array<i32>} : memref<240x16xf32, #tpu.memory_space<vmem>>, vector<16xf32>,
          %get3A_1197 = arith.constant 146 : i32
          %get3A_1198 = arith.index_cast %get3A_1197 : i32 to index
          %get3A_1199 = arith.constant 0 : index
          %get3A_1200 = tpu.vector_load %arg6[%get3A_1198, %get3A_1199] {strides = array<i32>} : memref<240x16xf32, #tpu.memory_space<vmem>>, vector<16xf32>,
          %get3A_1201 = arith.constant 147 : i32
          %get3A_1202 = arith.index_cast %get3A_1201 : i32 to index
          %get3A_1203 = arith.constant 0 : index
          %get3A_1204 = tpu.vector_load %arg6[%get3A_1202, %get3A_1203] {strides = array<i32>} : memref<240x16xf32, #tpu.memory_space<vmem>>, vector<16xf32>,
          %get3A_1205 = arith.constant 148 : i32
          %get3A_1206 = arith.index_cast %get3A_1205 : i32 to index
          %get3A_1207 = arith.constant 0 : index
          %get3A_1208 = tpu.vector_load %arg6[%get3A_1206, %get3A_1207] {strides = array<i32>} : memref<240x16xf32, #tpu.memory_space<vmem>>, vector<16xf32>,
          %get3A_1209 = arith.constant 149 : i32
          %get3A_1210 = arith.index_cast %get3A_1209 : i32 to index
          %get3A_1211 = arith.constant 0 : index
          %get3A_1212 = tpu.vector_load %arg6[%get3A_1210, %get3A_1211] {strides = array<i32>} : memref<240x16xf32, #tpu.memory_space<vmem>>, vector<16xf32>,
          %add3A_1213 = arith.constant 9 : i32
          %add3A_1214 = vector.broadcast %add3A_1213 : i32 to vector<16xi32>
          %add3A_1215 = arith.addi %sub3A_81, %add3A_1214 : vector<16xi32>
          %lt3A_1216 = arith.constant 128 : i32
          %lt3A_1217 = vector.broadcast %lt3A_1216 : i32 to vector<16xi32>
          %lt3A_1218 = arith.cmpi ult, %add3A_1215, %lt3A_1217 : vector<16xi32>
          %select_n3A_1219 = arith.select %lt3A_1218, %add3A_1215, %broadcast_in_dim3A_6 : vector<16xi1>, vector<16xi32>
          tpu.vector_store_idx %arg7[%select_n3A_1219, %sub3A_84], %get3A_1156 masked %lt3A_87 {add = true} : memref<129x512xf32, #tpu.memory_space<vmem>>[vector<16xi32>, vector<16xi32>], vector<16xf32>, vector<16xi1>
          %add3A_1220 = arith.constant 1 : i32
          %add3A_1221 = vector.broadcast %add3A_1220 : i32 to vector<16xi32>
          %add3A_1222 = arith.addi %sub3A_84, %add3A_1221 : vector<16xi32>
          tpu.vector_store_idx %arg7[%select_n3A_1219, %add3A_1222], %get3A_1160 masked %lt3A_93 {add = true} : memref<129x512xf32, #tpu.memory_space<vmem>>[vector<16xi32>, vector<16xi32>], vector<16xf32>, vector<16xi1>
          %add3A_1223 = arith.constant 1 : i32
          %add3A_1224 = vector.broadcast %add3A_1223 : i32 to vector<16xi32>
          %add3A_1225 = arith.addi %add3A_1222, %add3A_1224 : vector<16xi32>
          tpu.vector_store_idx %arg7[%select_n3A_1219, %add3A_1225], %get3A_1164 masked %lt3A_99 {add = true} : memref<129x512xf32, #tpu.memory_space<vmem>>[vector<16xi32>, vector<16xi32>], vector<16xf32>, vector<16xi1>
          %add3A_1226 = arith.constant 1 : i32
          %add3A_1227 = vector.broadcast %add3A_1226 : i32 to vector<16xi32>
          %add3A_1228 = arith.addi %add3A_1225, %add3A_1227 : vector<16xi32>
          tpu.vector_store_idx %arg7[%select_n3A_1219, %add3A_1228], %get3A_1168 masked %lt3A_105 {add = true} : memref<129x512xf32, #tpu.memory_space<vmem>>[vector<16xi32>, vector<16xi32>], vector<16xf32>, vector<16xi1>
          %add3A_1229 = arith.constant 1 : i32
          %add3A_1230 = vector.broadcast %add3A_1229 : i32 to vector<16xi32>
          %add3A_1231 = arith.addi %add3A_1228, %add3A_1230 : vector<16xi32>
          tpu.vector_store_idx %arg7[%select_n3A_1219, %add3A_1231], %get3A_1172 masked %lt3A_111 {add = true} : memref<129x512xf32, #tpu.memory_space<vmem>>[vector<16xi32>, vector<16xi32>], vector<16xf32>, vector<16xi1>
          %add3A_1232 = arith.constant 1 : i32
          %add3A_1233 = vector.broadcast %add3A_1232 : i32 to vector<16xi32>
          %add3A_1234 = arith.addi %add3A_1231, %add3A_1233 : vector<16xi32>
          tpu.vector_store_idx %arg7[%select_n3A_1219, %add3A_1234], %get3A_1176 masked %lt3A_117 {add = true} : memref<129x512xf32, #tpu.memory_space<vmem>>[vector<16xi32>, vector<16xi32>], vector<16xf32>, vector<16xi1>
          %add3A_1235 = arith.constant 1 : i32
          %add3A_1236 = vector.broadcast %add3A_1235 : i32 to vector<16xi32>
          %add3A_1237 = arith.addi %add3A_1234, %add3A_1236 : vector<16xi32>
          tpu.vector_store_idx %arg7[%select_n3A_1219, %add3A_1237], %get3A_1180 masked %lt3A_123 {add = true} : memref<129x512xf32, #tpu.memory_space<vmem>>[vector<16xi32>, vector<16xi32>], vector<16xf32>, vector<16xi1>
          %add3A_1238 = arith.constant 1 : i32
          %add3A_1239 = vector.broadcast %add3A_1238 : i32 to vector<16xi32>
          %add3A_1240 = arith.addi %add3A_1237, %add3A_1239 : vector<16xi32>
          tpu.vector_store_idx %arg7[%select_n3A_1219, %add3A_1240], %get3A_1184 masked %lt3A_129 {add = true} : memref<129x512xf32, #tpu.memory_space<vmem>>[vector<16xi32>, vector<16xi32>], vector<16xf32>, vector<16xi1>
          %add3A_1241 = arith.constant 1 : i32
          %add3A_1242 = vector.broadcast %add3A_1241 : i32 to vector<16xi32>
          %add3A_1243 = arith.addi %add3A_1240, %add3A_1242 : vector<16xi32>
          tpu.vector_store_idx %arg7[%select_n3A_1219, %add3A_1243], %get3A_1188 masked %lt3A_135 {add = true} : memref<129x512xf32, #tpu.memory_space<vmem>>[vector<16xi32>, vector<16xi32>], vector<16xf32>, vector<16xi1>
          %add3A_1244 = arith.constant 1 : i32
          %add3A_1245 = vector.broadcast %add3A_1244 : i32 to vector<16xi32>
          %add3A_1246 = arith.addi %add3A_1243, %add3A_1245 : vector<16xi32>
          tpu.vector_store_idx %arg7[%select_n3A_1219, %add3A_1246], %get3A_1192 masked %lt3A_141 {add = true} : memref<129x512xf32, #tpu.memory_space<vmem>>[vector<16xi32>, vector<16xi32>], vector<16xf32>, vector<16xi1>
          %add3A_1247 = arith.constant 1 : i32
          %add3A_1248 = vector.broadcast %add3A_1247 : i32 to vector<16xi32>
          %add3A_1249 = arith.addi %add3A_1246, %add3A_1248 : vector<16xi32>
          tpu.vector_store_idx %arg7[%select_n3A_1219, %add3A_1249], %get3A_1196 masked %lt3A_147 {add = true} : memref<129x512xf32, #tpu.memory_space<vmem>>[vector<16xi32>, vector<16xi32>], vector<16xf32>, vector<16xi1>
          %add3A_1250 = arith.constant 1 : i32
          %add3A_1251 = vector.broadcast %add3A_1250 : i32 to vector<16xi32>
          %add3A_1252 = arith.addi %add3A_1249, %add3A_1251 : vector<16xi32>
          tpu.vector_store_idx %arg7[%select_n3A_1219, %add3A_1252], %get3A_1200 masked %lt3A_153 {add = true} : memref<129x512xf32, #tpu.memory_space<vmem>>[vector<16xi32>, vector<16xi32>], vector<16xf32>, vector<16xi1>
          %add3A_1253 = arith.constant 1 : i32
          %add3A_1254 = vector.broadcast %add3A_1253 : i32 to vector<16xi32>
          %add3A_1255 = arith.addi %add3A_1252, %add3A_1254 : vector<16xi32>
          tpu.vector_store_idx %arg7[%select_n3A_1219, %add3A_1255], %get3A_1204 masked %lt3A_159 {add = true} : memref<129x512xf32, #tpu.memory_space<vmem>>[vector<16xi32>, vector<16xi32>], vector<16xf32>, vector<16xi1>
          %add3A_1256 = arith.constant 1 : i32
          %add3A_1257 = vector.broadcast %add3A_1256 : i32 to vector<16xi32>
          %add3A_1258 = arith.addi %add3A_1255, %add3A_1257 : vector<16xi32>
          tpu.vector_store_idx %arg7[%select_n3A_1219, %add3A_1258], %get3A_1208 masked %lt3A_165 {add = true} : memref<129x512xf32, #tpu.memory_space<vmem>>[vector<16xi32>, vector<16xi32>], vector<16xf32>, vector<16xi1>
          %add3A_1259 = arith.constant 1 : i32
          %add3A_1260 = vector.broadcast %add3A_1259 : i32 to vector<16xi32>
          %add3A_1261 = arith.addi %add3A_1258, %add3A_1260 : vector<16xi32>
          tpu.vector_store_idx %arg7[%select_n3A_1219, %add3A_1261], %get3A_1212 masked %lt3A_171 {add = true} : memref<129x512xf32, #tpu.memory_space<vmem>>[vector<16xi32>, vector<16xi32>], vector<16xf32>, vector<16xi1>
          %get3A_1262 = arith.constant 150 : i32
          %get3A_1263 = arith.index_cast %get3A_1262 : i32 to index
          %get3A_1264 = arith.constant 0 : index
          %get3A_1265 = tpu.vector_load %arg6[%get3A_1263, %get3A_1264] {strides = array<i32>} : memref<240x16xf32, #tpu.memory_space<vmem>>, vector<16xf32>,
          %get3A_1266 = arith.constant 151 : i32
          %get3A_1267 = arith.index_cast %get3A_1266 : i32 to index
          %get3A_1268 = arith.constant 0 : index
          %get3A_1269 = tpu.vector_load %arg6[%get3A_1267, %get3A_1268] {strides = array<i32>} : memref<240x16xf32, #tpu.memory_space<vmem>>, vector<16xf32>,
          %get3A_1270 = arith.constant 152 : i32
          %get3A_1271 = arith.index_cast %get3A_1270 : i32 to index
          %get3A_1272 = arith.constant 0 : index
          %get3A_1273 = tpu.vector_load %arg6[%get3A_1271, %get3A_1272] {strides = array<i32>} : memref<240x16xf32, #tpu.memory_space<vmem>>, vector<16xf32>,
          %get3A_1274 = arith.constant 153 : i32
          %get3A_1275 = arith.index_cast %get3A_1274 : i32 to index
          %get3A_1276 = arith.constant 0 : index
          %get3A_1277 = tpu.vector_load %arg6[%get3A_1275, %get3A_1276] {strides = array<i32>} : memref<240x16xf32, #tpu.memory_space<vmem>>, vector<16xf32>,
          %get3A_1278 = arith.constant 154 : i32
          %get3A_1279 = arith.index_cast %get3A_1278 : i32 to index
          %get3A_1280 = arith.constant 0 : index
          %get3A_1281 = tpu.vector_load %arg6[%get3A_1279, %get3A_1280] {strides = array<i32>} : memref<240x16xf32, #tpu.memory_space<vmem>>, vector<16xf32>,
          %get3A_1282 = arith.constant 155 : i32
          %get3A_1283 = arith.index_cast %get3A_1282 : i32 to index
          %get3A_1284 = arith.constant 0 : index
          %get3A_1285 = tpu.vector_load %arg6[%get3A_1283, %get3A_1284] {strides = array<i32>} : memref<240x16xf32, #tpu.memory_space<vmem>>, vector<16xf32>,
          %get3A_1286 = arith.constant 156 : i32
          %get3A_1287 = arith.index_cast %get3A_1286 : i32 to index
          %get3A_1288 = arith.constant 0 : index
          %get3A_1289 = tpu.vector_load %arg6[%get3A_1287, %get3A_1288] {strides = array<i32>} : memref<240x16xf32, #tpu.memory_space<vmem>>, vector<16xf32>,
          %get3A_1290 = arith.constant 157 : i32
          %get3A_1291 = arith.index_cast %get3A_1290 : i32 to index
          %get3A_1292 = arith.constant 0 : index
          %get3A_1293 = tpu.vector_load %arg6[%get3A_1291, %get3A_1292] {strides = array<i32>} : memref<240x16xf32, #tpu.memory_space<vmem>>, vector<16xf32>,
          %get3A_1294 = arith.constant 158 : i32
          %get3A_1295 = arith.index_cast %get3A_1294 : i32 to index
          %get3A_1296 = arith.constant 0 : index
          %get3A_1297 = tpu.vector_load %arg6[%get3A_1295, %get3A_1296] {strides = array<i32>} : memref<240x16xf32, #tpu.memory_space<vmem>>, vector<16xf32>,
          %get3A_1298 = arith.constant 159 : i32
          %get3A_1299 = arith.index_cast %get3A_1298 : i32 to index
          %get3A_1300 = arith.constant 0 : index
          %get3A_1301 = tpu.vector_load %arg6[%get3A_1299, %get3A_1300] {strides = array<i32>} : memref<240x16xf32, #tpu.memory_space<vmem>>, vector<16xf32>,
          %get3A_1302 = arith.constant 160 : i32
          %get3A_1303 = arith.index_cast %get3A_1302 : i32 to index
          %get3A_1304 = arith.constant 0 : index
          %get3A_1305 = tpu.vector_load %arg6[%get3A_1303, %get3A_1304] {strides = array<i32>} : memref<240x16xf32, #tpu.memory_space<vmem>>, vector<16xf32>,
          %get3A_1306 = arith.constant 161 : i32
          %get3A_1307 = arith.index_cast %get3A_1306 : i32 to index
          %get3A_1308 = arith.constant 0 : index
          %get3A_1309 = tpu.vector_load %arg6[%get3A_1307, %get3A_1308] {strides = array<i32>} : memref<240x16xf32, #tpu.memory_space<vmem>>, vector<16xf32>,
          %get3A_1310 = arith.constant 162 : i32
          %get3A_1311 = arith.index_cast %get3A_1310 : i32 to index
          %get3A_1312 = arith.constant 0 : index
          %get3A_1313 = tpu.vector_load %arg6[%get3A_1311, %get3A_1312] {strides = array<i32>} : memref<240x16xf32, #tpu.memory_space<vmem>>, vector<16xf32>,
          %get3A_1314 = arith.constant 163 : i32
          %get3A_1315 = arith.index_cast %get3A_1314 : i32 to index
          %get3A_1316 = arith.constant 0 : index
          %get3A_1317 = tpu.vector_load %arg6[%get3A_1315, %get3A_1316] {strides = array<i32>} : memref<240x16xf32, #tpu.memory_space<vmem>>, vector<16xf32>,
          %get3A_1318 = arith.constant 164 : i32
          %get3A_1319 = arith.index_cast %get3A_1318 : i32 to index
          %get3A_1320 = arith.constant 0 : index
          %get3A_1321 = tpu.vector_load %arg6[%get3A_1319, %get3A_1320] {strides = array<i32>} : memref<240x16xf32, #tpu.memory_space<vmem>>, vector<16xf32>,
          %add3A_1322 = arith.constant 10 : i32
          %add3A_1323 = vector.broadcast %add3A_1322 : i32 to vector<16xi32>
          %add3A_1324 = arith.addi %sub3A_81, %add3A_1323 : vector<16xi32>
          %lt3A_1325 = arith.constant 128 : i32
          %lt3A_1326 = vector.broadcast %lt3A_1325 : i32 to vector<16xi32>
          %lt3A_1327 = arith.cmpi ult, %add3A_1324, %lt3A_1326 : vector<16xi32>
          %select_n3A_1328 = arith.select %lt3A_1327, %add3A_1324, %broadcast_in_dim3A_6 : vector<16xi1>, vector<16xi32>
          tpu.vector_store_idx %arg7[%select_n3A_1328, %sub3A_84], %get3A_1265 masked %lt3A_87 {add = true} : memref<129x512xf32, #tpu.memory_space<vmem>>[vector<16xi32>, vector<16xi32>], vector<16xf32>, vector<16xi1>
          %add3A_1329 = arith.constant 1 : i32
          %add3A_1330 = vector.broadcast %add3A_1329 : i32 to vector<16xi32>
          %add3A_1331 = arith.addi %sub3A_84, %add3A_1330 : vector<16xi32>
          tpu.vector_store_idx %arg7[%select_n3A_1328, %add3A_1331], %get3A_1269 masked %lt3A_93 {add = true} : memref<129x512xf32, #tpu.memory_space<vmem>>[vector<16xi32>, vector<16xi32>], vector<16xf32>, vector<16xi1>
          %add3A_1332 = arith.constant 1 : i32
          %add3A_1333 = vector.broadcast %add3A_1332 : i32 to vector<16xi32>
          %add3A_1334 = arith.addi %add3A_1331, %add3A_1333 : vector<16xi32>
          tpu.vector_store_idx %arg7[%select_n3A_1328, %add3A_1334], %get3A_1273 masked %lt3A_99 {add = true} : memref<129x512xf32, #tpu.memory_space<vmem>>[vector<16xi32>, vector<16xi32>], vector<16xf32>, vector<16xi1>
          %add3A_1335 = arith.constant 1 : i32
          %add3A_1336 = vector.broadcast %add3A_1335 : i32 to vector<16xi32>
          %add3A_1337 = arith.addi %add3A_1334, %add3A_1336 : vector<16xi32>
          tpu.vector_store_idx %arg7[%select_n3A_1328, %add3A_1337], %get3A_1277 masked %lt3A_105 {add = true} : memref<129x512xf32, #tpu.memory_space<vmem>>[vector<16xi32>, vector<16xi32>], vector<16xf32>, vector<16xi1>
          %add3A_1338 = arith.constant 1 : i32
          %add3A_1339 = vector.broadcast %add3A_1338 : i32 to vector<16xi32>
          %add3A_1340 = arith.addi %add3A_1337, %add3A_1339 : vector<16xi32>
          tpu.vector_store_idx %arg7[%select_n3A_1328, %add3A_1340], %get3A_1281 masked %lt3A_111 {add = true} : memref<129x512xf32, #tpu.memory_space<vmem>>[vector<16xi32>, vector<16xi32>], vector<16xf32>, vector<16xi1>
          %add3A_1341 = arith.constant 1 : i32
          %add3A_1342 = vector.broadcast %add3A_1341 : i32 to vector<16xi32>
          %add3A_1343 = arith.addi %add3A_1340, %add3A_1342 : vector<16xi32>
          tpu.vector_store_idx %arg7[%select_n3A_1328, %add3A_1343], %get3A_1285 masked %lt3A_117 {add = true} : memref<129x512xf32, #tpu.memory_space<vmem>>[vector<16xi32>, vector<16xi32>], vector<16xf32>, vector<16xi1>
          %add3A_1344 = arith.constant 1 : i32
          %add3A_1345 = vector.broadcast %add3A_1344 : i32 to vector<16xi32>
          %add3A_1346 = arith.addi %add3A_1343, %add3A_1345 : vector<16xi32>
          tpu.vector_store_idx %arg7[%select_n3A_1328, %add3A_1346], %get3A_1289 masked %lt3A_123 {add = true} : memref<129x512xf32, #tpu.memory_space<vmem>>[vector<16xi32>, vector<16xi32>], vector<16xf32>, vector<16xi1>
          %add3A_1347 = arith.constant 1 : i32
          %add3A_1348 = vector.broadcast %add3A_1347 : i32 to vector<16xi32>
          %add3A_1349 = arith.addi %add3A_1346, %add3A_1348 : vector<16xi32>
          tpu.vector_store_idx %arg7[%select_n3A_1328, %add3A_1349], %get3A_1293 masked %lt3A_129 {add = true} : memref<129x512xf32, #tpu.memory_space<vmem>>[vector<16xi32>, vector<16xi32>], vector<16xf32>, vector<16xi1>
          %add3A_1350 = arith.constant 1 : i32
          %add3A_1351 = vector.broadcast %add3A_1350 : i32 to vector<16xi32>
          %add3A_1352 = arith.addi %add3A_1349, %add3A_1351 : vector<16xi32>
          tpu.vector_store_idx %arg7[%select_n3A_1328, %add3A_1352], %get3A_1297 masked %lt3A_135 {add = true} : memref<129x512xf32, #tpu.memory_space<vmem>>[vector<16xi32>, vector<16xi32>], vector<16xf32>, vector<16xi1>
          %add3A_1353 = arith.constant 1 : i32
          %add3A_1354 = vector.broadcast %add3A_1353 : i32 to vector<16xi32>
          %add3A_1355 = arith.addi %add3A_1352, %add3A_1354 : vector<16xi32>
          tpu.vector_store_idx %arg7[%select_n3A_1328, %add3A_1355], %get3A_1301 masked %lt3A_141 {add = true} : memref<129x512xf32, #tpu.memory_space<vmem>>[vector<16xi32>, vector<16xi32>], vector<16xf32>, vector<16xi1>
          %add3A_1356 = arith.constant 1 : i32
          %add3A_1357 = vector.broadcast %add3A_1356 : i32 to vector<16xi32>
          %add3A_1358 = arith.addi %add3A_1355, %add3A_1357 : vector<16xi32>
          tpu.vector_store_idx %arg7[%select_n3A_1328, %add3A_1358], %get3A_1305 masked %lt3A_147 {add = true} : memref<129x512xf32, #tpu.memory_space<vmem>>[vector<16xi32>, vector<16xi32>], vector<16xf32>, vector<16xi1>
          %add3A_1359 = arith.constant 1 : i32
          %add3A_1360 = vector.broadcast %add3A_1359 : i32 to vector<16xi32>
          %add3A_1361 = arith.addi %add3A_1358, %add3A_1360 : vector<16xi32>
          tpu.vector_store_idx %arg7[%select_n3A_1328, %add3A_1361], %get3A_1309 masked %lt3A_153 {add = true} : memref<129x512xf32, #tpu.memory_space<vmem>>[vector<16xi32>, vector<16xi32>], vector<16xf32>, vector<16xi1>
          %add3A_1362 = arith.constant 1 : i32
          %add3A_1363 = vector.broadcast %add3A_1362 : i32 to vector<16xi32>
          %add3A_1364 = arith.addi %add3A_1361, %add3A_1363 : vector<16xi32>
          tpu.vector_store_idx %arg7[%select_n3A_1328, %add3A_1364], %get3A_1313 masked %lt3A_159 {add = true} : memref<129x512xf32, #tpu.memory_space<vmem>>[vector<16xi32>, vector<16xi32>], vector<16xf32>, vector<16xi1>
          %add3A_1365 = arith.constant 1 : i32
          %add3A_1366 = vector.broadcast %add3A_1365 : i32 to vector<16xi32>
          %add3A_1367 = arith.addi %add3A_1364, %add3A_1366 : vector<16xi32>
          tpu.vector_store_idx %arg7[%select_n3A_1328, %add3A_1367], %get3A_1317 masked %lt3A_165 {add = true} : memref<129x512xf32, #tpu.memory_space<vmem>>[vector<16xi32>, vector<16xi32>], vector<16xf32>, vector<16xi1>
          %add3A_1368 = arith.constant 1 : i32
          %add3A_1369 = vector.broadcast %add3A_1368 : i32 to vector<16xi32>
          %add3A_1370 = arith.addi %add3A_1367, %add3A_1369 : vector<16xi32>
          tpu.vector_store_idx %arg7[%select_n3A_1328, %add3A_1370], %get3A_1321 masked %lt3A_171 {add = true} : memref<129x512xf32, #tpu.memory_space<vmem>>[vector<16xi32>, vector<16xi32>], vector<16xf32>, vector<16xi1>
          %get3A_1371 = arith.constant 165 : i32
          %get3A_1372 = arith.index_cast %get3A_1371 : i32 to index
          %get3A_1373 = arith.constant 0 : index
          %get3A_1374 = tpu.vector_load %arg6[%get3A_1372, %get3A_1373] {strides = array<i32>} : memref<240x16xf32, #tpu.memory_space<vmem>>, vector<16xf32>,
          %get3A_1375 = arith.constant 166 : i32
          %get3A_1376 = arith.index_cast %get3A_1375 : i32 to index
          %get3A_1377 = arith.constant 0 : index
          %get3A_1378 = tpu.vector_load %arg6[%get3A_1376, %get3A_1377] {strides = array<i32>} : memref<240x16xf32, #tpu.memory_space<vmem>>, vector<16xf32>,
          %get3A_1379 = arith.constant 167 : i32
          %get3A_1380 = arith.index_cast %get3A_1379 : i32 to index
          %get3A_1381 = arith.constant 0 : index
          %get3A_1382 = tpu.vector_load %arg6[%get3A_1380, %get3A_1381] {strides = array<i32>} : memref<240x16xf32, #tpu.memory_space<vmem>>, vector<16xf32>,
          %get3A_1383 = arith.constant 168 : i32
          %get3A_1384 = arith.index_cast %get3A_1383 : i32 to index
          %get3A_1385 = arith.constant 0 : index
          %get3A_1386 = tpu.vector_load %arg6[%get3A_1384, %get3A_1385] {strides = array<i32>} : memref<240x16xf32, #tpu.memory_space<vmem>>, vector<16xf32>,
          %get3A_1387 = arith.constant 169 : i32
          %get3A_1388 = arith.index_cast %get3A_1387 : i32 to index
          %get3A_1389 = arith.constant 0 : index
          %get3A_1390 = tpu.vector_load %arg6[%get3A_1388, %get3A_1389] {strides = array<i32>} : memref<240x16xf32, #tpu.memory_space<vmem>>, vector<16xf32>,
          %get3A_1391 = arith.constant 170 : i32
          %get3A_1392 = arith.index_cast %get3A_1391 : i32 to index
          %get3A_1393 = arith.constant 0 : index
          %get3A_1394 = tpu.vector_load %arg6[%get3A_1392, %get3A_1393] {strides = array<i32>} : memref<240x16xf32, #tpu.memory_space<vmem>>, vector<16xf32>,
          %get3A_1395 = arith.constant 171 : i32
          %get3A_1396 = arith.index_cast %get3A_1395 : i32 to index
          %get3A_1397 = arith.constant 0 : index
          %get3A_1398 = tpu.vector_load %arg6[%get3A_1396, %get3A_1397] {strides = array<i32>} : memref<240x16xf32, #tpu.memory_space<vmem>>, vector<16xf32>,
          %get3A_1399 = arith.constant 172 : i32
          %get3A_1400 = arith.index_cast %get3A_1399 : i32 to index
          %get3A_1401 = arith.constant 0 : index
          %get3A_1402 = tpu.vector_load %arg6[%get3A_1400, %get3A_1401] {strides = array<i32>} : memref<240x16xf32, #tpu.memory_space<vmem>>, vector<16xf32>,
          %get3A_1403 = arith.constant 173 : i32
          %get3A_1404 = arith.index_cast %get3A_1403 : i32 to index
          %get3A_1405 = arith.constant 0 : index
          %get3A_1406 = tpu.vector_load %arg6[%get3A_1404, %get3A_1405] {strides = array<i32>} : memref<240x16xf32, #tpu.memory_space<vmem>>, vector<16xf32>,
          %get3A_1407 = arith.constant 174 : i32
          %get3A_1408 = arith.index_cast %get3A_1407 : i32 to index
          %get3A_1409 = arith.constant 0 : index
          %get3A_1410 = tpu.vector_load %arg6[%get3A_1408, %get3A_1409] {strides = array<i32>} : memref<240x16xf32, #tpu.memory_space<vmem>>, vector<16xf32>,
          %get3A_1411 = arith.constant 175 : i32
          %get3A_1412 = arith.index_cast %get3A_1411 : i32 to index
          %get3A_1413 = arith.constant 0 : index
          %get3A_1414 = tpu.vector_load %arg6[%get3A_1412, %get3A_1413] {strides = array<i32>} : memref<240x16xf32, #tpu.memory_space<vmem>>, vector<16xf32>,
          %get3A_1415 = arith.constant 176 : i32
          %get3A_1416 = arith.index_cast %get3A_1415 : i32 to index
          %get3A_1417 = arith.constant 0 : index
          %get3A_1418 = tpu.vector_load %arg6[%get3A_1416, %get3A_1417] {strides = array<i32>} : memref<240x16xf32, #tpu.memory_space<vmem>>, vector<16xf32>,
          %get3A_1419 = arith.constant 177 : i32
          %get3A_1420 = arith.index_cast %get3A_1419 : i32 to index
          %get3A_1421 = arith.constant 0 : index
          %get3A_1422 = tpu.vector_load %arg6[%get3A_1420, %get3A_1421] {strides = array<i32>} : memref<240x16xf32, #tpu.memory_space<vmem>>, vector<16xf32>,
          %get3A_1423 = arith.constant 178 : i32
          %get3A_1424 = arith.index_cast %get3A_1423 : i32 to index
          %get3A_1425 = arith.constant 0 : index
          %get3A_1426 = tpu.vector_load %arg6[%get3A_1424, %get3A_1425] {strides = array<i32>} : memref<240x16xf32, #tpu.memory_space<vmem>>, vector<16xf32>,
          %get3A_1427 = arith.constant 179 : i32
          %get3A_1428 = arith.index_cast %get3A_1427 : i32 to index
          %get3A_1429 = arith.constant 0 : index
          %get3A_1430 = tpu.vector_load %arg6[%get3A_1428, %get3A_1429] {strides = array<i32>} : memref<240x16xf32, #tpu.memory_space<vmem>>, vector<16xf32>,
          %add3A_1431 = arith.constant 11 : i32
          %add3A_1432 = vector.broadcast %add3A_1431 : i32 to vector<16xi32>
          %add3A_1433 = arith.addi %sub3A_81, %add3A_1432 : vector<16xi32>
          %lt3A_1434 = arith.constant 128 : i32
          %lt3A_1435 = vector.broadcast %lt3A_1434 : i32 to vector<16xi32>
          %lt3A_1436 = arith.cmpi ult, %add3A_1433, %lt3A_1435 : vector<16xi32>
          %select_n3A_1437 = arith.select %lt3A_1436, %add3A_1433, %broadcast_in_dim3A_6 : vector<16xi1>, vector<16xi32>
          tpu.vector_store_idx %arg7[%select_n3A_1437, %sub3A_84], %get3A_1374 masked %lt3A_87 {add = true} : memref<129x512xf32, #tpu.memory_space<vmem>>[vector<16xi32>, vector<16xi32>], vector<16xf32>, vector<16xi1>
          %add3A_1438 = arith.constant 1 : i32
          %add3A_1439 = vector.broadcast %add3A_1438 : i32 to vector<16xi32>
          %add3A_1440 = arith.addi %sub3A_84, %add3A_1439 : vector<16xi32>
          tpu.vector_store_idx %arg7[%select_n3A_1437, %add3A_1440], %get3A_1378 masked %lt3A_93 {add = true} : memref<129x512xf32, #tpu.memory_space<vmem>>[vector<16xi32>, vector<16xi32>], vector<16xf32>, vector<16xi1>
          %add3A_1441 = arith.constant 1 : i32
          %add3A_1442 = vector.broadcast %add3A_1441 : i32 to vector<16xi32>
          %add3A_1443 = arith.addi %add3A_1440, %add3A_1442 : vector<16xi32>
          tpu.vector_store_idx %arg7[%select_n3A_1437, %add3A_1443], %get3A_1382 masked %lt3A_99 {add = true} : memref<129x512xf32, #tpu.memory_space<vmem>>[vector<16xi32>, vector<16xi32>], vector<16xf32>, vector<16xi1>
          %add3A_1444 = arith.constant 1 : i32
          %add3A_1445 = vector.broadcast %add3A_1444 : i32 to vector<16xi32>
          %add3A_1446 = arith.addi %add3A_1443, %add3A_1445 : vector<16xi32>
          tpu.vector_store_idx %arg7[%select_n3A_1437, %add3A_1446], %get3A_1386 masked %lt3A_105 {add = true} : memref<129x512xf32, #tpu.memory_space<vmem>>[vector<16xi32>, vector<16xi32>], vector<16xf32>, vector<16xi1>
          %add3A_1447 = arith.constant 1 : i32
          %add3A_1448 = vector.broadcast %add3A_1447 : i32 to vector<16xi32>
          %add3A_1449 = arith.addi %add3A_1446, %add3A_1448 : vector<16xi32>
          tpu.vector_store_idx %arg7[%select_n3A_1437, %add3A_1449], %get3A_1390 masked %lt3A_111 {add = true} : memref<129x512xf32, #tpu.memory_space<vmem>>[vector<16xi32>, vector<16xi32>], vector<16xf32>, vector<16xi1>
          %add3A_1450 = arith.constant 1 : i32
          %add3A_1451 = vector.broadcast %add3A_1450 : i32 to vector<16xi32>
          %add3A_1452 = arith.addi %add3A_1449, %add3A_1451 : vector<16xi32>
          tpu.vector_store_idx %arg7[%select_n3A_1437, %add3A_1452], %get3A_1394 masked %lt3A_117 {add = true} : memref<129x512xf32, #tpu.memory_space<vmem>>[vector<16xi32>, vector<16xi32>], vector<16xf32>, vector<16xi1>
          %add3A_1453 = arith.constant 1 : i32
          %add3A_1454 = vector.broadcast %add3A_1453 : i32 to vector<16xi32>
          %add3A_1455 = arith.addi %add3A_1452, %add3A_1454 : vector<16xi32>
          tpu.vector_store_idx %arg7[%select_n3A_1437, %add3A_1455], %get3A_1398 masked %lt3A_123 {add = true} : memref<129x512xf32, #tpu.memory_space<vmem>>[vector<16xi32>, vector<16xi32>], vector<16xf32>, vector<16xi1>
          %add3A_1456 = arith.constant 1 : i32
          %add3A_1457 = vector.broadcast %add3A_1456 : i32 to vector<16xi32>
          %add3A_1458 = arith.addi %add3A_1455, %add3A_1457 : vector<16xi32>
          tpu.vector_store_idx %arg7[%select_n3A_1437, %add3A_1458], %get3A_1402 masked %lt3A_129 {add = true} : memref<129x512xf32, #tpu.memory_space<vmem>>[vector<16xi32>, vector<16xi32>], vector<16xf32>, vector<16xi1>
          %add3A_1459 = arith.constant 1 : i32
          %add3A_1460 = vector.broadcast %add3A_1459 : i32 to vector<16xi32>
          %add3A_1461 = arith.addi %add3A_1458, %add3A_1460 : vector<16xi32>
          tpu.vector_store_idx %arg7[%select_n3A_1437, %add3A_1461], %get3A_1406 masked %lt3A_135 {add = true} : memref<129x512xf32, #tpu.memory_space<vmem>>[vector<16xi32>, vector<16xi32>], vector<16xf32>, vector<16xi1>
          %add3A_1462 = arith.constant 1 : i32
          %add3A_1463 = vector.broadcast %add3A_1462 : i32 to vector<16xi32>
          %add3A_1464 = arith.addi %add3A_1461, %add3A_1463 : vector<16xi32>
          tpu.vector_store_idx %arg7[%select_n3A_1437, %add3A_1464], %get3A_1410 masked %lt3A_141 {add = true} : memref<129x512xf32, #tpu.memory_space<vmem>>[vector<16xi32>, vector<16xi32>], vector<16xf32>, vector<16xi1>
          %add3A_1465 = arith.constant 1 : i32
          %add3A_1466 = vector.broadcast %add3A_1465 : i32 to vector<16xi32>
          %add3A_1467 = arith.addi %add3A_1464, %add3A_1466 : vector<16xi32>
          tpu.vector_store_idx %arg7[%select_n3A_1437, %add3A_1467], %get3A_1414 masked %lt3A_147 {add = true} : memref<129x512xf32, #tpu.memory_space<vmem>>[vector<16xi32>, vector<16xi32>], vector<16xf32>, vector<16xi1>
          %add3A_1468 = arith.constant 1 : i32
          %add3A_1469 = vector.broadcast %add3A_1468 : i32 to vector<16xi32>
          %add3A_1470 = arith.addi %add3A_1467, %add3A_1469 : vector<16xi32>
          tpu.vector_store_idx %arg7[%select_n3A_1437, %add3A_1470], %get3A_1418 masked %lt3A_153 {add = true} : memref<129x512xf32, #tpu.memory_space<vmem>>[vector<16xi32>, vector<16xi32>], vector<16xf32>, vector<16xi1>
          %add3A_1471 = arith.constant 1 : i32
          %add3A_1472 = vector.broadcast %add3A_1471 : i32 to vector<16xi32>
          %add3A_1473 = arith.addi %add3A_1470, %add3A_1472 : vector<16xi32>
          tpu.vector_store_idx %arg7[%select_n3A_1437, %add3A_1473], %get3A_1422 masked %lt3A_159 {add = true} : memref<129x512xf32, #tpu.memory_space<vmem>>[vector<16xi32>, vector<16xi32>], vector<16xf32>, vector<16xi1>
          %add3A_1474 = arith.constant 1 : i32
          %add3A_1475 = vector.broadcast %add3A_1474 : i32 to vector<16xi32>
          %add3A_1476 = arith.addi %add3A_1473, %add3A_1475 : vector<16xi32>
          tpu.vector_store_idx %arg7[%select_n3A_1437, %add3A_1476], %get3A_1426 masked %lt3A_165 {add = true} : memref<129x512xf32, #tpu.memory_space<vmem>>[vector<16xi32>, vector<16xi32>], vector<16xf32>, vector<16xi1>
          %add3A_1477 = arith.constant 1 : i32
          %add3A_1478 = vector.broadcast %add3A_1477 : i32 to vector<16xi32>
          %add3A_1479 = arith.addi %add3A_1476, %add3A_1478 : vector<16xi32>
          tpu.vector_store_idx %arg7[%select_n3A_1437, %add3A_1479], %get3A_1430 masked %lt3A_171 {add = true} : memref<129x512xf32, #tpu.memory_space<vmem>>[vector<16xi32>, vector<16xi32>], vector<16xf32>, vector<16xi1>
          %get3A_1480 = arith.constant 180 : i32
          %get3A_1481 = arith.index_cast %get3A_1480 : i32 to index
          %get3A_1482 = arith.constant 0 : index
          %get3A_1483 = tpu.vector_load %arg6[%get3A_1481, %get3A_1482] {strides = array<i32>} : memref<240x16xf32, #tpu.memory_space<vmem>>, vector<16xf32>,
          %get3A_1484 = arith.constant 181 : i32
          %get3A_1485 = arith.index_cast %get3A_1484 : i32 to index
          %get3A_1486 = arith.constant 0 : index
          %get3A_1487 = tpu.vector_load %arg6[%get3A_1485, %get3A_1486] {strides = array<i32>} : memref<240x16xf32, #tpu.memory_space<vmem>>, vector<16xf32>,
          %get3A_1488 = arith.constant 182 : i32
          %get3A_1489 = arith.index_cast %get3A_1488 : i32 to index
          %get3A_1490 = arith.constant 0 : index
          %get3A_1491 = tpu.vector_load %arg6[%get3A_1489, %get3A_1490] {strides = array<i32>} : memref<240x16xf32, #tpu.memory_space<vmem>>, vector<16xf32>,
          %get3A_1492 = arith.constant 183 : i32
          %get3A_1493 = arith.index_cast %get3A_1492 : i32 to index
          %get3A_1494 = arith.constant 0 : index
          %get3A_1495 = tpu.vector_load %arg6[%get3A_1493, %get3A_1494] {strides = array<i32>} : memref<240x16xf32, #tpu.memory_space<vmem>>, vector<16xf32>,
          %get3A_1496 = arith.constant 184 : i32
          %get3A_1497 = arith.index_cast %get3A_1496 : i32 to index
          %get3A_1498 = arith.constant 0 : index
          %get3A_1499 = tpu.vector_load %arg6[%get3A_1497, %get3A_1498] {strides = array<i32>} : memref<240x16xf32, #tpu.memory_space<vmem>>, vector<16xf32>,
          %get3A_1500 = arith.constant 185 : i32
          %get3A_1501 = arith.index_cast %get3A_1500 : i32 to index
          %get3A_1502 = arith.constant 0 : index
          %get3A_1503 = tpu.vector_load %arg6[%get3A_1501, %get3A_1502] {strides = array<i32>} : memref<240x16xf32, #tpu.memory_space<vmem>>, vector<16xf32>,
          %get3A_1504 = arith.constant 186 : i32
          %get3A_1505 = arith.index_cast %get3A_1504 : i32 to index
          %get3A_1506 = arith.constant 0 : index
          %get3A_1507 = tpu.vector_load %arg6[%get3A_1505, %get3A_1506] {strides = array<i32>} : memref<240x16xf32, #tpu.memory_space<vmem>>, vector<16xf32>,
          %get3A_1508 = arith.constant 187 : i32
          %get3A_1509 = arith.index_cast %get3A_1508 : i32 to index
          %get3A_1510 = arith.constant 0 : index
          %get3A_1511 = tpu.vector_load %arg6[%get3A_1509, %get3A_1510] {strides = array<i32>} : memref<240x16xf32, #tpu.memory_space<vmem>>, vector<16xf32>,
          %get3A_1512 = arith.constant 188 : i32
          %get3A_1513 = arith.index_cast %get3A_1512 : i32 to index
          %get3A_1514 = arith.constant 0 : index
          %get3A_1515 = tpu.vector_load %arg6[%get3A_1513, %get3A_1514] {strides = array<i32>} : memref<240x16xf32, #tpu.memory_space<vmem>>, vector<16xf32>,
          %get3A_1516 = arith.constant 189 : i32
          %get3A_1517 = arith.index_cast %get3A_1516 : i32 to index
          %get3A_1518 = arith.constant 0 : index
          %get3A_1519 = tpu.vector_load %arg6[%get3A_1517, %get3A_1518] {strides = array<i32>} : memref<240x16xf32, #tpu.memory_space<vmem>>, vector<16xf32>,
          %get3A_1520 = arith.constant 190 : i32
          %get3A_1521 = arith.index_cast %get3A_1520 : i32 to index
          %get3A_1522 = arith.constant 0 : index
          %get3A_1523 = tpu.vector_load %arg6[%get3A_1521, %get3A_1522] {strides = array<i32>} : memref<240x16xf32, #tpu.memory_space<vmem>>, vector<16xf32>,
          %get3A_1524 = arith.constant 191 : i32
          %get3A_1525 = arith.index_cast %get3A_1524 : i32 to index
          %get3A_1526 = arith.constant 0 : index
          %get3A_1527 = tpu.vector_load %arg6[%get3A_1525, %get3A_1526] {strides = array<i32>} : memref<240x16xf32, #tpu.memory_space<vmem>>, vector<16xf32>,
          %get3A_1528 = arith.constant 192 : i32
          %get3A_1529 = arith.index_cast %get3A_1528 : i32 to index
          %get3A_1530 = arith.constant 0 : index
          %get3A_1531 = tpu.vector_load %arg6[%get3A_1529, %get3A_1530] {strides = array<i32>} : memref<240x16xf32, #tpu.memory_space<vmem>>, vector<16xf32>,
          %get3A_1532 = arith.constant 193 : i32
          %get3A_1533 = arith.index_cast %get3A_1532 : i32 to index
          %get3A_1534 = arith.constant 0 : index
          %get3A_1535 = tpu.vector_load %arg6[%get3A_1533, %get3A_1534] {strides = array<i32>} : memref<240x16xf32, #tpu.memory_space<vmem>>, vector<16xf32>,
          %get3A_1536 = arith.constant 194 : i32
          %get3A_1537 = arith.index_cast %get3A_1536 : i32 to index
          %get3A_1538 = arith.constant 0 : index
          %get3A_1539 = tpu.vector_load %arg6[%get3A_1537, %get3A_1538] {strides = array<i32>} : memref<240x16xf32, #tpu.memory_space<vmem>>, vector<16xf32>,
          %add3A_1540 = arith.constant 12 : i32
          %add3A_1541 = vector.broadcast %add3A_1540 : i32 to vector<16xi32>
          %add3A_1542 = arith.addi %sub3A_81, %add3A_1541 : vector<16xi32>
          %lt3A_1543 = arith.constant 128 : i32
          %lt3A_1544 = vector.broadcast %lt3A_1543 : i32 to vector<16xi32>
          %lt3A_1545 = arith.cmpi ult, %add3A_1542, %lt3A_1544 : vector<16xi32>
          %select_n3A_1546 = arith.select %lt3A_1545, %add3A_1542, %broadcast_in_dim3A_6 : vector<16xi1>, vector<16xi32>
          tpu.vector_store_idx %arg7[%select_n3A_1546, %sub3A_84], %get3A_1483 masked %lt3A_87 {add = true} : memref<129x512xf32, #tpu.memory_space<vmem>>[vector<16xi32>, vector<16xi32>], vector<16xf32>, vector<16xi1>
          %add3A_1547 = arith.constant 1 : i32
          %add3A_1548 = vector.broadcast %add3A_1547 : i32 to vector<16xi32>
          %add3A_1549 = arith.addi %sub3A_84, %add3A_1548 : vector<16xi32>
          tpu.vector_store_idx %arg7[%select_n3A_1546, %add3A_1549], %get3A_1487 masked %lt3A_93 {add = true} : memref<129x512xf32, #tpu.memory_space<vmem>>[vector<16xi32>, vector<16xi32>], vector<16xf32>, vector<16xi1>
          %add3A_1550 = arith.constant 1 : i32
          %add3A_1551 = vector.broadcast %add3A_1550 : i32 to vector<16xi32>
          %add3A_1552 = arith.addi %add3A_1549, %add3A_1551 : vector<16xi32>
          tpu.vector_store_idx %arg7[%select_n3A_1546, %add3A_1552], %get3A_1491 masked %lt3A_99 {add = true} : memref<129x512xf32, #tpu.memory_space<vmem>>[vector<16xi32>, vector<16xi32>], vector<16xf32>, vector<16xi1>
          %add3A_1553 = arith.constant 1 : i32
          %add3A_1554 = vector.broadcast %add3A_1553 : i32 to vector<16xi32>
          %add3A_1555 = arith.addi %add3A_1552, %add3A_1554 : vector<16xi32>
          tpu.vector_store_idx %arg7[%select_n3A_1546, %add3A_1555], %get3A_1495 masked %lt3A_105 {add = true} : memref<129x512xf32, #tpu.memory_space<vmem>>[vector<16xi32>, vector<16xi32>], vector<16xf32>, vector<16xi1>
          %add3A_1556 = arith.constant 1 : i32
          %add3A_1557 = vector.broadcast %add3A_1556 : i32 to vector<16xi32>
          %add3A_1558 = arith.addi %add3A_1555, %add3A_1557 : vector<16xi32>
          tpu.vector_store_idx %arg7[%select_n3A_1546, %add3A_1558], %get3A_1499 masked %lt3A_111 {add = true} : memref<129x512xf32, #tpu.memory_space<vmem>>[vector<16xi32>, vector<16xi32>], vector<16xf32>, vector<16xi1>
          %add3A_1559 = arith.constant 1 : i32
          %add3A_1560 = vector.broadcast %add3A_1559 : i32 to vector<16xi32>
          %add3A_1561 = arith.addi %add3A_1558, %add3A_1560 : vector<16xi32>
          tpu.vector_store_idx %arg7[%select_n3A_1546, %add3A_1561], %get3A_1503 masked %lt3A_117 {add = true} : memref<129x512xf32, #tpu.memory_space<vmem>>[vector<16xi32>, vector<16xi32>], vector<16xf32>, vector<16xi1>
          %add3A_1562 = arith.constant 1 : i32
          %add3A_1563 = vector.broadcast %add3A_1562 : i32 to vector<16xi32>
          %add3A_1564 = arith.addi %add3A_1561, %add3A_1563 : vector<16xi32>
          tpu.vector_store_idx %arg7[%select_n3A_1546, %add3A_1564], %get3A_1507 masked %lt3A_123 {add = true} : memref<129x512xf32, #tpu.memory_space<vmem>>[vector<16xi32>, vector<16xi32>], vector<16xf32>, vector<16xi1>
          %add3A_1565 = arith.constant 1 : i32
          %add3A_1566 = vector.broadcast %add3A_1565 : i32 to vector<16xi32>
          %add3A_1567 = arith.addi %add3A_1564, %add3A_1566 : vector<16xi32>
          tpu.vector_store_idx %arg7[%select_n3A_1546, %add3A_1567], %get3A_1511 masked %lt3A_129 {add = true} : memref<129x512xf32, #tpu.memory_space<vmem>>[vector<16xi32>, vector<16xi32>], vector<16xf32>, vector<16xi1>
          %add3A_1568 = arith.constant 1 : i32
          %add3A_1569 = vector.broadcast %add3A_1568 : i32 to vector<16xi32>
          %add3A_1570 = arith.addi %add3A_1567, %add3A_1569 : vector<16xi32>
          tpu.vector_store_idx %arg7[%select_n3A_1546, %add3A_1570], %get3A_1515 masked %lt3A_135 {add = true} : memref<129x512xf32, #tpu.memory_space<vmem>>[vector<16xi32>, vector<16xi32>], vector<16xf32>, vector<16xi1>
          %add3A_1571 = arith.constant 1 : i32
          %add3A_1572 = vector.broadcast %add3A_1571 : i32 to vector<16xi32>
          %add3A_1573 = arith.addi %add3A_1570, %add3A_1572 : vector<16xi32>
          tpu.vector_store_idx %arg7[%select_n3A_1546, %add3A_1573], %get3A_1519 masked %lt3A_141 {add = true} : memref<129x512xf32, #tpu.memory_space<vmem>>[vector<16xi32>, vector<16xi32>], vector<16xf32>, vector<16xi1>
          %add3A_1574 = arith.constant 1 : i32
          %add3A_1575 = vector.broadcast %add3A_1574 : i32 to vector<16xi32>
          %add3A_1576 = arith.addi %add3A_1573, %add3A_1575 : vector<16xi32>
          tpu.vector_store_idx %arg7[%select_n3A_1546, %add3A_1576], %get3A_1523 masked %lt3A_147 {add = true} : memref<129x512xf32, #tpu.memory_space<vmem>>[vector<16xi32>, vector<16xi32>], vector<16xf32>, vector<16xi1>
          %add3A_1577 = arith.constant 1 : i32
          %add3A_1578 = vector.broadcast %add3A_1577 : i32 to vector<16xi32>
          %add3A_1579 = arith.addi %add3A_1576, %add3A_1578 : vector<16xi32>
          tpu.vector_store_idx %arg7[%select_n3A_1546, %add3A_1579], %get3A_1527 masked %lt3A_153 {add = true} : memref<129x512xf32, #tpu.memory_space<vmem>>[vector<16xi32>, vector<16xi32>], vector<16xf32>, vector<16xi1>
          %add3A_1580 = arith.constant 1 : i32
          %add3A_1581 = vector.broadcast %add3A_1580 : i32 to vector<16xi32>
          %add3A_1582 = arith.addi %add3A_1579, %add3A_1581 : vector<16xi32>
          tpu.vector_store_idx %arg7[%select_n3A_1546, %add3A_1582], %get3A_1531 masked %lt3A_159 {add = true} : memref<129x512xf32, #tpu.memory_space<vmem>>[vector<16xi32>, vector<16xi32>], vector<16xf32>, vector<16xi1>
          %add3A_1583 = arith.constant 1 : i32
          %add3A_1584 = vector.broadcast %add3A_1583 : i32 to vector<16xi32>
          %add3A_1585 = arith.addi %add3A_1582, %add3A_1584 : vector<16xi32>
          tpu.vector_store_idx %arg7[%select_n3A_1546, %add3A_1585], %get3A_1535 masked %lt3A_165 {add = true} : memref<129x512xf32, #tpu.memory_space<vmem>>[vector<16xi32>, vector<16xi32>], vector<16xf32>, vector<16xi1>
          %add3A_1586 = arith.constant 1 : i32
          %add3A_1587 = vector.broadcast %add3A_1586 : i32 to vector<16xi32>
          %add3A_1588 = arith.addi %add3A_1585, %add3A_1587 : vector<16xi32>
          tpu.vector_store_idx %arg7[%select_n3A_1546, %add3A_1588], %get3A_1539 masked %lt3A_171 {add = true} : memref<129x512xf32, #tpu.memory_space<vmem>>[vector<16xi32>, vector<16xi32>], vector<16xf32>, vector<16xi1>
          %get3A_1589 = arith.constant 195 : i32
          %get3A_1590 = arith.index_cast %get3A_1589 : i32 to index
          %get3A_1591 = arith.constant 0 : index
          %get3A_1592 = tpu.vector_load %arg6[%get3A_1590, %get3A_1591] {strides = array<i32>} : memref<240x16xf32, #tpu.memory_space<vmem>>, vector<16xf32>,
          %get3A_1593 = arith.constant 196 : i32
          %get3A_1594 = arith.index_cast %get3A_1593 : i32 to index
          %get3A_1595 = arith.constant 0 : index
          %get3A_1596 = tpu.vector_load %arg6[%get3A_1594, %get3A_1595] {strides = array<i32>} : memref<240x16xf32, #tpu.memory_space<vmem>>, vector<16xf32>,
          %get3A_1597 = arith.constant 197 : i32
          %get3A_1598 = arith.index_cast %get3A_1597 : i32 to index
          %get3A_1599 = arith.constant 0 : index
          %get3A_1600 = tpu.vector_load %arg6[%get3A_1598, %get3A_1599] {strides = array<i32>} : memref<240x16xf32, #tpu.memory_space<vmem>>, vector<16xf32>,
          %get3A_1601 = arith.constant 198 : i32
          %get3A_1602 = arith.index_cast %get3A_1601 : i32 to index
          %get3A_1603 = arith.constant 0 : index
          %get3A_1604 = tpu.vector_load %arg6[%get3A_1602, %get3A_1603] {strides = array<i32>} : memref<240x16xf32, #tpu.memory_space<vmem>>, vector<16xf32>,
          %get3A_1605 = arith.constant 199 : i32
          %get3A_1606 = arith.index_cast %get3A_1605 : i32 to index
          %get3A_1607 = arith.constant 0 : index
          %get3A_1608 = tpu.vector_load %arg6[%get3A_1606, %get3A_1607] {strides = array<i32>} : memref<240x16xf32, #tpu.memory_space<vmem>>, vector<16xf32>,
          %get3A_1609 = arith.constant 200 : i32
          %get3A_1610 = arith.index_cast %get3A_1609 : i32 to index
          %get3A_1611 = arith.constant 0 : index
          %get3A_1612 = tpu.vector_load %arg6[%get3A_1610, %get3A_1611] {strides = array<i32>} : memref<240x16xf32, #tpu.memory_space<vmem>>, vector<16xf32>,
          %get3A_1613 = arith.constant 201 : i32
          %get3A_1614 = arith.index_cast %get3A_1613 : i32 to index
          %get3A_1615 = arith.constant 0 : index
          %get3A_1616 = tpu.vector_load %arg6[%get3A_1614, %get3A_1615] {strides = array<i32>} : memref<240x16xf32, #tpu.memory_space<vmem>>, vector<16xf32>,
          %get3A_1617 = arith.constant 202 : i32
          %get3A_1618 = arith.index_cast %get3A_1617 : i32 to index
          %get3A_1619 = arith.constant 0 : index
          %get3A_1620 = tpu.vector_load %arg6[%get3A_1618, %get3A_1619] {strides = array<i32>} : memref<240x16xf32, #tpu.memory_space<vmem>>, vector<16xf32>,
          %get3A_1621 = arith.constant 203 : i32
          %get3A_1622 = arith.index_cast %get3A_1621 : i32 to index
          %get3A_1623 = arith.constant 0 : index
          %get3A_1624 = tpu.vector_load %arg6[%get3A_1622, %get3A_1623] {strides = array<i32>} : memref<240x16xf32, #tpu.memory_space<vmem>>, vector<16xf32>,
          %get3A_1625 = arith.constant 204 : i32
          %get3A_1626 = arith.index_cast %get3A_1625 : i32 to index
          %get3A_1627 = arith.constant 0 : index
          %get3A_1628 = tpu.vector_load %arg6[%get3A_1626, %get3A_1627] {strides = array<i32>} : memref<240x16xf32, #tpu.memory_space<vmem>>, vector<16xf32>,
          %get3A_1629 = arith.constant 205 : i32
          %get3A_1630 = arith.index_cast %get3A_1629 : i32 to index
          %get3A_1631 = arith.constant 0 : index
          %get3A_1632 = tpu.vector_load %arg6[%get3A_1630, %get3A_1631] {strides = array<i32>} : memref<240x16xf32, #tpu.memory_space<vmem>>, vector<16xf32>,
          %get3A_1633 = arith.constant 206 : i32
          %get3A_1634 = arith.index_cast %get3A_1633 : i32 to index
          %get3A_1635 = arith.constant 0 : index
          %get3A_1636 = tpu.vector_load %arg6[%get3A_1634, %get3A_1635] {strides = array<i32>} : memref<240x16xf32, #tpu.memory_space<vmem>>, vector<16xf32>,
          %get3A_1637 = arith.constant 207 : i32
          %get3A_1638 = arith.index_cast %get3A_1637 : i32 to index
          %get3A_1639 = arith.constant 0 : index
          %get3A_1640 = tpu.vector_load %arg6[%get3A_1638, %get3A_1639] {strides = array<i32>} : memref<240x16xf32, #tpu.memory_space<vmem>>, vector<16xf32>,
          %get3A_1641 = arith.constant 208 : i32
          %get3A_1642 = arith.index_cast %get3A_1641 : i32 to index
          %get3A_1643 = arith.constant 0 : index
          %get3A_1644 = tpu.vector_load %arg6[%get3A_1642, %get3A_1643] {strides = array<i32>} : memref<240x16xf32, #tpu.memory_space<vmem>>, vector<16xf32>,
          %get3A_1645 = arith.constant 209 : i32
          %get3A_1646 = arith.index_cast %get3A_1645 : i32 to index
          %get3A_1647 = arith.constant 0 : index
          %get3A_1648 = tpu.vector_load %arg6[%get3A_1646, %get3A_1647] {strides = array<i32>} : memref<240x16xf32, #tpu.memory_space<vmem>>, vector<16xf32>,
          %add3A_1649 = arith.constant 13 : i32
          %add3A_1650 = vector.broadcast %add3A_1649 : i32 to vector<16xi32>
          %add3A_1651 = arith.addi %sub3A_81, %add3A_1650 : vector<16xi32>
          %lt3A_1652 = arith.constant 128 : i32
          %lt3A_1653 = vector.broadcast %lt3A_1652 : i32 to vector<16xi32>
          %lt3A_1654 = arith.cmpi ult, %add3A_1651, %lt3A_1653 : vector<16xi32>
          %select_n3A_1655 = arith.select %lt3A_1654, %add3A_1651, %broadcast_in_dim3A_6 : vector<16xi1>, vector<16xi32>
          tpu.vector_store_idx %arg7[%select_n3A_1655, %sub3A_84], %get3A_1592 masked %lt3A_87 {add = true} : memref<129x512xf32, #tpu.memory_space<vmem>>[vector<16xi32>, vector<16xi32>], vector<16xf32>, vector<16xi1>
          %add3A_1656 = arith.constant 1 : i32
          %add3A_1657 = vector.broadcast %add3A_1656 : i32 to vector<16xi32>
          %add3A_1658 = arith.addi %sub3A_84, %add3A_1657 : vector<16xi32>
          tpu.vector_store_idx %arg7[%select_n3A_1655, %add3A_1658], %get3A_1596 masked %lt3A_93 {add = true} : memref<129x512xf32, #tpu.memory_space<vmem>>[vector<16xi32>, vector<16xi32>], vector<16xf32>, vector<16xi1>
          %add3A_1659 = arith.constant 1 : i32
          %add3A_1660 = vector.broadcast %add3A_1659 : i32 to vector<16xi32>
          %add3A_1661 = arith.addi %add3A_1658, %add3A_1660 : vector<16xi32>
          tpu.vector_store_idx %arg7[%select_n3A_1655, %add3A_1661], %get3A_1600 masked %lt3A_99 {add = true} : memref<129x512xf32, #tpu.memory_space<vmem>>[vector<16xi32>, vector<16xi32>], vector<16xf32>, vector<16xi1>
          %add3A_1662 = arith.constant 1 : i32
          %add3A_1663 = vector.broadcast %add3A_1662 : i32 to vector<16xi32>
          %add3A_1664 = arith.addi %add3A_1661, %add3A_1663 : vector<16xi32>
          tpu.vector_store_idx %arg7[%select_n3A_1655, %add3A_1664], %get3A_1604 masked %lt3A_105 {add = true} : memref<129x512xf32, #tpu.memory_space<vmem>>[vector<16xi32>, vector<16xi32>], vector<16xf32>, vector<16xi1>
          %add3A_1665 = arith.constant 1 : i32
          %add3A_1666 = vector.broadcast %add3A_1665 : i32 to vector<16xi32>
          %add3A_1667 = arith.addi %add3A_1664, %add3A_1666 : vector<16xi32>
          tpu.vector_store_idx %arg7[%select_n3A_1655, %add3A_1667], %get3A_1608 masked %lt3A_111 {add = true} : memref<129x512xf32, #tpu.memory_space<vmem>>[vector<16xi32>, vector<16xi32>], vector<16xf32>, vector<16xi1>
          %add3A_1668 = arith.constant 1 : i32
          %add3A_1669 = vector.broadcast %add3A_1668 : i32 to vector<16xi32>
          %add3A_1670 = arith.addi %add3A_1667, %add3A_1669 : vector<16xi32>
          tpu.vector_store_idx %arg7[%select_n3A_1655, %add3A_1670], %get3A_1612 masked %lt3A_117 {add = true} : memref<129x512xf32, #tpu.memory_space<vmem>>[vector<16xi32>, vector<16xi32>], vector<16xf32>, vector<16xi1>
          %add3A_1671 = arith.constant 1 : i32
          %add3A_1672 = vector.broadcast %add3A_1671 : i32 to vector<16xi32>
          %add3A_1673 = arith.addi %add3A_1670, %add3A_1672 : vector<16xi32>
          tpu.vector_store_idx %arg7[%select_n3A_1655, %add3A_1673], %get3A_1616 masked %lt3A_123 {add = true} : memref<129x512xf32, #tpu.memory_space<vmem>>[vector<16xi32>, vector<16xi32>], vector<16xf32>, vector<16xi1>
          %add3A_1674 = arith.constant 1 : i32
          %add3A_1675 = vector.broadcast %add3A_1674 : i32 to vector<16xi32>
          %add3A_1676 = arith.addi %add3A_1673, %add3A_1675 : vector<16xi32>
          tpu.vector_store_idx %arg7[%select_n3A_1655, %add3A_1676], %get3A_1620 masked %lt3A_129 {add = true} : memref<129x512xf32, #tpu.memory_space<vmem>>[vector<16xi32>, vector<16xi32>], vector<16xf32>, vector<16xi1>
          %add3A_1677 = arith.constant 1 : i32
          %add3A_1678 = vector.broadcast %add3A_1677 : i32 to vector<16xi32>
          %add3A_1679 = arith.addi %add3A_1676, %add3A_1678 : vector<16xi32>
          tpu.vector_store_idx %arg7[%select_n3A_1655, %add3A_1679], %get3A_1624 masked %lt3A_135 {add = true} : memref<129x512xf32, #tpu.memory_space<vmem>>[vector<16xi32>, vector<16xi32>], vector<16xf32>, vector<16xi1>
          %add3A_1680 = arith.constant 1 : i32
          %add3A_1681 = vector.broadcast %add3A_1680 : i32 to vector<16xi32>
          %add3A_1682 = arith.addi %add3A_1679, %add3A_1681 : vector<16xi32>
          tpu.vector_store_idx %arg7[%select_n3A_1655, %add3A_1682], %get3A_1628 masked %lt3A_141 {add = true} : memref<129x512xf32, #tpu.memory_space<vmem>>[vector<16xi32>, vector<16xi32>], vector<16xf32>, vector<16xi1>
          %add3A_1683 = arith.constant 1 : i32
          %add3A_1684 = vector.broadcast %add3A_1683 : i32 to vector<16xi32>
          %add3A_1685 = arith.addi %add3A_1682, %add3A_1684 : vector<16xi32>
          tpu.vector_store_idx %arg7[%select_n3A_1655, %add3A_1685], %get3A_1632 masked %lt3A_147 {add = true} : memref<129x512xf32, #tpu.memory_space<vmem>>[vector<16xi32>, vector<16xi32>], vector<16xf32>, vector<16xi1>
          %add3A_1686 = arith.constant 1 : i32
          %add3A_1687 = vector.broadcast %add3A_1686 : i32 to vector<16xi32>
          %add3A_1688 = arith.addi %add3A_1685, %add3A_1687 : vector<16xi32>
          tpu.vector_store_idx %arg7[%select_n3A_1655, %add3A_1688], %get3A_1636 masked %lt3A_153 {add = true} : memref<129x512xf32, #tpu.memory_space<vmem>>[vector<16xi32>, vector<16xi32>], vector<16xf32>, vector<16xi1>
          %add3A_1689 = arith.constant 1 : i32
          %add3A_1690 = vector.broadcast %add3A_1689 : i32 to vector<16xi32>
          %add3A_1691 = arith.addi %add3A_1688, %add3A_1690 : vector<16xi32>
          tpu.vector_store_idx %arg7[%select_n3A_1655, %add3A_1691], %get3A_1640 masked %lt3A_159 {add = true} : memref<129x512xf32, #tpu.memory_space<vmem>>[vector<16xi32>, vector<16xi32>], vector<16xf32>, vector<16xi1>
          %add3A_1692 = arith.constant 1 : i32
          %add3A_1693 = vector.broadcast %add3A_1692 : i32 to vector<16xi32>
          %add3A_1694 = arith.addi %add3A_1691, %add3A_1693 : vector<16xi32>
          tpu.vector_store_idx %arg7[%select_n3A_1655, %add3A_1694], %get3A_1644 masked %lt3A_165 {add = true} : memref<129x512xf32, #tpu.memory_space<vmem>>[vector<16xi32>, vector<16xi32>], vector<16xf32>, vector<16xi1>
          %add3A_1695 = arith.constant 1 : i32
          %add3A_1696 = vector.broadcast %add3A_1695 : i32 to vector<16xi32>
          %add3A_1697 = arith.addi %add3A_1694, %add3A_1696 : vector<16xi32>
          tpu.vector_store_idx %arg7[%select_n3A_1655, %add3A_1697], %get3A_1648 masked %lt3A_171 {add = true} : memref<129x512xf32, #tpu.memory_space<vmem>>[vector<16xi32>, vector<16xi32>], vector<16xf32>, vector<16xi1>
          %get3A_1698 = arith.constant 210 : i32
          %get3A_1699 = arith.index_cast %get3A_1698 : i32 to index
          %get3A_1700 = arith.constant 0 : index
          %get3A_1701 = tpu.vector_load %arg6[%get3A_1699, %get3A_1700] {strides = array<i32>} : memref<240x16xf32, #tpu.memory_space<vmem>>, vector<16xf32>,
          %get3A_1702 = arith.constant 211 : i32
          %get3A_1703 = arith.index_cast %get3A_1702 : i32 to index
          %get3A_1704 = arith.constant 0 : index
          %get3A_1705 = tpu.vector_load %arg6[%get3A_1703, %get3A_1704] {strides = array<i32>} : memref<240x16xf32, #tpu.memory_space<vmem>>, vector<16xf32>,
          %get3A_1706 = arith.constant 212 : i32
          %get3A_1707 = arith.index_cast %get3A_1706 : i32 to index
          %get3A_1708 = arith.constant 0 : index
          %get3A_1709 = tpu.vector_load %arg6[%get3A_1707, %get3A_1708] {strides = array<i32>} : memref<240x16xf32, #tpu.memory_space<vmem>>, vector<16xf32>,
          %get3A_1710 = arith.constant 213 : i32
          %get3A_1711 = arith.index_cast %get3A_1710 : i32 to index
          %get3A_1712 = arith.constant 0 : index
          %get3A_1713 = tpu.vector_load %arg6[%get3A_1711, %get3A_1712] {strides = array<i32>} : memref<240x16xf32, #tpu.memory_space<vmem>>, vector<16xf32>,
          %get3A_1714 = arith.constant 214 : i32
          %get3A_1715 = arith.index_cast %get3A_1714 : i32 to index
          %get3A_1716 = arith.constant 0 : index
          %get3A_1717 = tpu.vector_load %arg6[%get3A_1715, %get3A_1716] {strides = array<i32>} : memref<240x16xf32, #tpu.memory_space<vmem>>, vector<16xf32>,
          %get3A_1718 = arith.constant 215 : i32
          %get3A_1719 = arith.index_cast %get3A_1718 : i32 to index
          %get3A_1720 = arith.constant 0 : index
          %get3A_1721 = tpu.vector_load %arg6[%get3A_1719, %get3A_1720] {strides = array<i32>} : memref<240x16xf32, #tpu.memory_space<vmem>>, vector<16xf32>,
          %get3A_1722 = arith.constant 216 : i32
          %get3A_1723 = arith.index_cast %get3A_1722 : i32 to index
          %get3A_1724 = arith.constant 0 : index
          %get3A_1725 = tpu.vector_load %arg6[%get3A_1723, %get3A_1724] {strides = array<i32>} : memref<240x16xf32, #tpu.memory_space<vmem>>, vector<16xf32>,
          %get3A_1726 = arith.constant 217 : i32
          %get3A_1727 = arith.index_cast %get3A_1726 : i32 to index
          %get3A_1728 = arith.constant 0 : index
          %get3A_1729 = tpu.vector_load %arg6[%get3A_1727, %get3A_1728] {strides = array<i32>} : memref<240x16xf32, #tpu.memory_space<vmem>>, vector<16xf32>,
          %get3A_1730 = arith.constant 218 : i32
          %get3A_1731 = arith.index_cast %get3A_1730 : i32 to index
          %get3A_1732 = arith.constant 0 : index
          %get3A_1733 = tpu.vector_load %arg6[%get3A_1731, %get3A_1732] {strides = array<i32>} : memref<240x16xf32, #tpu.memory_space<vmem>>, vector<16xf32>,
          %get3A_1734 = arith.constant 219 : i32
          %get3A_1735 = arith.index_cast %get3A_1734 : i32 to index
          %get3A_1736 = arith.constant 0 : index
          %get3A_1737 = tpu.vector_load %arg6[%get3A_1735, %get3A_1736] {strides = array<i32>} : memref<240x16xf32, #tpu.memory_space<vmem>>, vector<16xf32>,
          %get3A_1738 = arith.constant 220 : i32
          %get3A_1739 = arith.index_cast %get3A_1738 : i32 to index
          %get3A_1740 = arith.constant 0 : index
          %get3A_1741 = tpu.vector_load %arg6[%get3A_1739, %get3A_1740] {strides = array<i32>} : memref<240x16xf32, #tpu.memory_space<vmem>>, vector<16xf32>,
          %get3A_1742 = arith.constant 221 : i32
          %get3A_1743 = arith.index_cast %get3A_1742 : i32 to index
          %get3A_1744 = arith.constant 0 : index
          %get3A_1745 = tpu.vector_load %arg6[%get3A_1743, %get3A_1744] {strides = array<i32>} : memref<240x16xf32, #tpu.memory_space<vmem>>, vector<16xf32>,
          %get3A_1746 = arith.constant 222 : i32
          %get3A_1747 = arith.index_cast %get3A_1746 : i32 to index
          %get3A_1748 = arith.constant 0 : index
          %get3A_1749 = tpu.vector_load %arg6[%get3A_1747, %get3A_1748] {strides = array<i32>} : memref<240x16xf32, #tpu.memory_space<vmem>>, vector<16xf32>,
          %get3A_1750 = arith.constant 223 : i32
          %get3A_1751 = arith.index_cast %get3A_1750 : i32 to index
          %get3A_1752 = arith.constant 0 : index
          %get3A_1753 = tpu.vector_load %arg6[%get3A_1751, %get3A_1752] {strides = array<i32>} : memref<240x16xf32, #tpu.memory_space<vmem>>, vector<16xf32>,
          %get3A_1754 = arith.constant 224 : i32
          %get3A_1755 = arith.index_cast %get3A_1754 : i32 to index
          %get3A_1756 = arith.constant 0 : index
          %get3A_1757 = tpu.vector_load %arg6[%get3A_1755, %get3A_1756] {strides = array<i32>} : memref<240x16xf32, #tpu.memory_space<vmem>>, vector<16xf32>,
          %add3A_1758 = arith.constant 14 : i32
          %add3A_1759 = vector.broadcast %add3A_1758 : i32 to vector<16xi32>
          %add3A_1760 = arith.addi %sub3A_81, %add3A_1759 : vector<16xi32>
          %lt3A_1761 = arith.constant 128 : i32
          %lt3A_1762 = vector.broadcast %lt3A_1761 : i32 to vector<16xi32>
          %lt3A_1763 = arith.cmpi ult, %add3A_1760, %lt3A_1762 : vector<16xi32>
          %select_n3A_1764 = arith.select %lt3A_1763, %add3A_1760, %broadcast_in_dim3A_6 : vector<16xi1>, vector<16xi32>
          tpu.vector_store_idx %arg7[%select_n3A_1764, %sub3A_84], %get3A_1701 masked %lt3A_87 {add = true} : memref<129x512xf32, #tpu.memory_space<vmem>>[vector<16xi32>, vector<16xi32>], vector<16xf32>, vector<16xi1>
          %add3A_1765 = arith.constant 1 : i32
          %add3A_1766 = vector.broadcast %add3A_1765 : i32 to vector<16xi32>
          %add3A_1767 = arith.addi %sub3A_84, %add3A_1766 : vector<16xi32>
          tpu.vector_store_idx %arg7[%select_n3A_1764, %add3A_1767], %get3A_1705 masked %lt3A_93 {add = true} : memref<129x512xf32, #tpu.memory_space<vmem>>[vector<16xi32>, vector<16xi32>], vector<16xf32>, vector<16xi1>
          %add3A_1768 = arith.constant 1 : i32
          %add3A_1769 = vector.broadcast %add3A_1768 : i32 to vector<16xi32>
          %add3A_1770 = arith.addi %add3A_1767, %add3A_1769 : vector<16xi32>
          tpu.vector_store_idx %arg7[%select_n3A_1764, %add3A_1770], %get3A_1709 masked %lt3A_99 {add = true} : memref<129x512xf32, #tpu.memory_space<vmem>>[vector<16xi32>, vector<16xi32>], vector<16xf32>, vector<16xi1>
          %add3A_1771 = arith.constant 1 : i32
          %add3A_1772 = vector.broadcast %add3A_1771 : i32 to vector<16xi32>
          %add3A_1773 = arith.addi %add3A_1770, %add3A_1772 : vector<16xi32>
          tpu.vector_store_idx %arg7[%select_n3A_1764, %add3A_1773], %get3A_1713 masked %lt3A_105 {add = true} : memref<129x512xf32, #tpu.memory_space<vmem>>[vector<16xi32>, vector<16xi32>], vector<16xf32>, vector<16xi1>
          %add3A_1774 = arith.constant 1 : i32
          %add3A_1775 = vector.broadcast %add3A_1774 : i32 to vector<16xi32>
          %add3A_1776 = arith.addi %add3A_1773, %add3A_1775 : vector<16xi32>
          tpu.vector_store_idx %arg7[%select_n3A_1764, %add3A_1776], %get3A_1717 masked %lt3A_111 {add = true} : memref<129x512xf32, #tpu.memory_space<vmem>>[vector<16xi32>, vector<16xi32>], vector<16xf32>, vector<16xi1>
          %add3A_1777 = arith.constant 1 : i32
          %add3A_1778 = vector.broadcast %add3A_1777 : i32 to vector<16xi32>
          %add3A_1779 = arith.addi %add3A_1776, %add3A_1778 : vector<16xi32>
          tpu.vector_store_idx %arg7[%select_n3A_1764, %add3A_1779], %get3A_1721 masked %lt3A_117 {add = true} : memref<129x512xf32, #tpu.memory_space<vmem>>[vector<16xi32>, vector<16xi32>], vector<16xf32>, vector<16xi1>
          %add3A_1780 = arith.constant 1 : i32
          %add3A_1781 = vector.broadcast %add3A_1780 : i32 to vector<16xi32>
          %add3A_1782 = arith.addi %add3A_1779, %add3A_1781 : vector<16xi32>
          tpu.vector_store_idx %arg7[%select_n3A_1764, %add3A_1782], %get3A_1725 masked %lt3A_123 {add = true} : memref<129x512xf32, #tpu.memory_space<vmem>>[vector<16xi32>, vector<16xi32>], vector<16xf32>, vector<16xi1>
          %add3A_1783 = arith.constant 1 : i32
          %add3A_1784 = vector.broadcast %add3A_1783 : i32 to vector<16xi32>
          %add3A_1785 = arith.addi %add3A_1782, %add3A_1784 : vector<16xi32>
          tpu.vector_store_idx %arg7[%select_n3A_1764, %add3A_1785], %get3A_1729 masked %lt3A_129 {add = true} : memref<129x512xf32, #tpu.memory_space<vmem>>[vector<16xi32>, vector<16xi32>], vector<16xf32>, vector<16xi1>
          %add3A_1786 = arith.constant 1 : i32
          %add3A_1787 = vector.broadcast %add3A_1786 : i32 to vector<16xi32>
          %add3A_1788 = arith.addi %add3A_1785, %add3A_1787 : vector<16xi32>
          tpu.vector_store_idx %arg7[%select_n3A_1764, %add3A_1788], %get3A_1733 masked %lt3A_135 {add = true} : memref<129x512xf32, #tpu.memory_space<vmem>>[vector<16xi32>, vector<16xi32>], vector<16xf32>, vector<16xi1>
          %add3A_1789 = arith.constant 1 : i32
          %add3A_1790 = vector.broadcast %add3A_1789 : i32 to vector<16xi32>
          %add3A_1791 = arith.addi %add3A_1788, %add3A_1790 : vector<16xi32>
          tpu.vector_store_idx %arg7[%select_n3A_1764, %add3A_1791], %get3A_1737 masked %lt3A_141 {add = true} : memref<129x512xf32, #tpu.memory_space<vmem>>[vector<16xi32>, vector<16xi32>], vector<16xf32>, vector<16xi1>
          %add3A_1792 = arith.constant 1 : i32
          %add3A_1793 = vector.broadcast %add3A_1792 : i32 to vector<16xi32>
          %add3A_1794 = arith.addi %add3A_1791, %add3A_1793 : vector<16xi32>
          tpu.vector_store_idx %arg7[%select_n3A_1764, %add3A_1794], %get3A_1741 masked %lt3A_147 {add = true} : memref<129x512xf32, #tpu.memory_space<vmem>>[vector<16xi32>, vector<16xi32>], vector<16xf32>, vector<16xi1>
          %add3A_1795 = arith.constant 1 : i32
          %add3A_1796 = vector.broadcast %add3A_1795 : i32 to vector<16xi32>
          %add3A_1797 = arith.addi %add3A_1794, %add3A_1796 : vector<16xi32>
          tpu.vector_store_idx %arg7[%select_n3A_1764, %add3A_1797], %get3A_1745 masked %lt3A_153 {add = true} : memref<129x512xf32, #tpu.memory_space<vmem>>[vector<16xi32>, vector<16xi32>], vector<16xf32>, vector<16xi1>
          %add3A_1798 = arith.constant 1 : i32
          %add3A_1799 = vector.broadcast %add3A_1798 : i32 to vector<16xi32>
          %add3A_1800 = arith.addi %add3A_1797, %add3A_1799 : vector<16xi32>
          tpu.vector_store_idx %arg7[%select_n3A_1764, %add3A_1800], %get3A_1749 masked %lt3A_159 {add = true} : memref<129x512xf32, #tpu.memory_space<vmem>>[vector<16xi32>, vector<16xi32>], vector<16xf32>, vector<16xi1>
          %add3A_1801 = arith.constant 1 : i32
          %add3A_1802 = vector.broadcast %add3A_1801 : i32 to vector<16xi32>
          %add3A_1803 = arith.addi %add3A_1800, %add3A_1802 : vector<16xi32>
          tpu.vector_store_idx %arg7[%select_n3A_1764, %add3A_1803], %get3A_1753 masked %lt3A_165 {add = true} : memref<129x512xf32, #tpu.memory_space<vmem>>[vector<16xi32>, vector<16xi32>], vector<16xf32>, vector<16xi1>
          %add3A_1804 = arith.constant 1 : i32
          %add3A_1805 = vector.broadcast %add3A_1804 : i32 to vector<16xi32>
          %add3A_1806 = arith.addi %add3A_1803, %add3A_1805 : vector<16xi32>
          tpu.vector_store_idx %arg7[%select_n3A_1764, %add3A_1806], %get3A_1757 masked %lt3A_171 {add = true} : memref<129x512xf32, #tpu.memory_space<vmem>>[vector<16xi32>, vector<16xi32>], vector<16xf32>, vector<16xi1>
        } else {
        }
      }
      %scan3A_64 = arith.constant 65 : i32
      %run_scoped3A = arith.constant 0 : i32
      "tpu.region"() ({
        %run_scoped3A_65 = tpu.sem_alloc : memref<!tpu.dma_semaphore, #tpu.memory_space<semaphore_mem>>
        %dma_start3A = arith.constant 0 : i32
        %dma_start3A_66 = arith.constant 0 : i32
        %dma_start3A_67 = tpu.memref_slice %arg7[%dma_start3A, %dma_start3A_66] : memref<129x512xf32, #tpu.memory_space<vmem>> -> memref<128x512xf32, #tpu.memory_space<vmem>>
        %dma_start3A_68 = arith.constant 0 : i32
        %dma_start3A_69 = tpu.memref_slice %arg4[%select_n3A, %run_scoped3A, %mul3A_46, %dma_start3A_68] : memref<16x1x512x512xf32, #tpu.memory_space<hbm>> -> memref<1x1x128x512xf32, #tpu.memory_space<hbm>>
        %dma_start3A_70 = tpu.memref_squeeze %dma_start3A_69 : memref<1x1x128x512xf32, #tpu.memory_space<hbm>> -> memref<128x512xf32, #tpu.memory_space<hbm>>
        %dma_start3A_71 = arith.constant 0 : i32
        %dma_start3A_72 = tpu.memref_slice %arg4[%select_n3A, %run_scoped3A, %mul3A_46, %dma_start3A_71] : memref<16x1x512x512xf32, #tpu.memory_space<hbm>> -> memref<1x1x128x512xf32, #tpu.memory_space<hbm>>
        %dma_start3A_73 = tpu.memref_squeeze %dma_start3A_72 : memref<1x1x128x512xf32, #tpu.memory_space<hbm>> -> memref<128x512xf32, #tpu.memory_space<hbm>>
        %dma_start3A_74 = arith.constant 0 : i32
        %dma_start3A_75 = arith.constant 0 : i32
        %dma_start3A_76 = tpu.memref_slice %arg7[%dma_start3A_74, %dma_start3A_75] : memref<129x512xf32, #tpu.memory_space<vmem>> -> memref<128x512xf32, #tpu.memory_space<vmem>>
        tpu.enqueue_dma source(%dma_start3A_76 : memref<128x512xf32, #tpu.memory_space<vmem>>) target(%dma_start3A_73 : memref<128x512xf32, #tpu.memory_space<hbm>>) target_semaphore(%run_scoped3A_65 : memref<!tpu.dma_semaphore, #tpu.memory_space<semaphore_mem>>)
        %dma_wait3A = arith.constant 0 : i32
        %dma_wait3A_77 = arith.constant 0 : i32
        %dma_wait3A_78 = tpu.memref_slice %arg7[%dma_wait3A, %dma_wait3A_77] : memref<129x512xf32, #tpu.memory_space<vmem>> -> memref<128x512xf32, #tpu.memory_space<vmem>>
        %dma_wait3A_79 = arith.constant 0 : i32
        %dma_wait3A_80 = tpu.memref_slice %arg4[%select_n3A, %run_scoped3A, %mul3A_46, %dma_wait3A_79] : memref<16x1x512x512xf32, #tpu.memory_space<hbm>> -> memref<1x1x128x512xf32, #tpu.memory_space<hbm>>
        %dma_wait3A_81 = tpu.memref_squeeze %dma_wait3A_80 : memref<1x1x128x512xf32, #tpu.memory_space<hbm>> -> memref<128x512xf32, #tpu.memory_space<hbm>>
        %dma_wait3A_82 = arith.constant 0 : i32
        %dma_wait3A_83 = tpu.memref_slice %arg4[%select_n3A, %run_scoped3A, %mul3A_46, %dma_wait3A_82] : memref<16x1x512x512xf32, #tpu.memory_space<hbm>> -> memref<1x1x128x512xf32, #tpu.memory_space<hbm>>
        %dma_wait3A_84 = tpu.memref_squeeze %dma_wait3A_83 : memref<1x1x128x512xf32, #tpu.memory_space<hbm>> -> memref<128x512xf32, #tpu.memory_space<hbm>>
        %dma_wait3A_85 = arith.constant 0 : i32
        %dma_wait3A_86 = arith.constant 0 : i32
        %dma_wait3A_87 = tpu.memref_slice %arg7[%dma_wait3A_85, %dma_wait3A_86] : memref<129x512xf32, #tpu.memory_space<vmem>> -> memref<128x512xf32, #tpu.memory_space<vmem>>
        tpu.wait_dma2 semaphore(%run_scoped3A_65 : memref<!tpu.dma_semaphore, #tpu.memory_space<semaphore_mem>>) src(%dma_wait3A_87 : memref<128x512xf32, #tpu.memory_space<vmem>>) dst(%dma_wait3A_84 : memref<128x512xf32, #tpu.memory_space<hbm>>)
        tpu.yield
      }) : () -> ()
    }
    %scan3A_10 = arith.constant 2 : i32
    return
  }
}

</mosaic_0001>

<sc_bundles>
// kernel: kernel.3.cloned.1.call-start
scs
__scs_entry_jumppad:
0x0: {  	(pc) =	sbr.rel $0x88, $3  }
0x1: {  	(tag) =	ssettag $0x0;
	lr =	simm.s32 $0x1  }
0x2: {  	[smem:$0x3F9F] =	sst lr;
	_ =	strace $0xD0000000  }
0x3: {  	_ = 	snop  }
0x4: {  	_ = 	snop  }
0x5: {  	_ = 	snop  }
0x6: {  	_ = 	snop  }
0x7: {  	_ = 	snop  }
__scs_overlays_trampoline_lowered:
0x8: {  	[smem:$0x3FAE] =	sst s0  }
0x9: {  	[smem:$0x3FAF] =	sst s1  }
0xa: {  	[smem:$0x3FB0] =	sst s2  }
0xb: {  	[smem:$0x3FB1] =	sst s3  }
0xc: {  	[smem:$0x3FB2] =	sst s4  }
0xd: {  	[smem:$0x3FB3] =	sst s5  }
0xe: {  	[smem:$0x3FB4] =	sst s6  }
0xf: {  	[smem:$0x3FB5] =	sst s7  }
0x10: {  	[smem:$0x3FB6] =	sst s8  }
0x11: {  	[smem:$0x3FB7] =	sst s9;
	s0 =	simm.s32 @!p0 $0x0  }
0x12: {  	s1 =	sld [smem:$0x3F9D];
	s0 =	simm.s32 @p0 $0x1  }
0x13: {  	[smem:$0x3FB8] =	sst s0;
	s0 =	simm.s32 @!p1 $0x0  }
0x14: {  	s2 =	sld [smem:$0x3F9C];
	s0 =	simm.s32 @p1 $0x1  }
0x15: {  	[smem:$0x3FB9] =	sst s0;
	s0 =	simm.s32 @!p2 $0x0  }
0x16: {  	s3 =	sld [smem:$0x3FDB];
	s0 =	simm.s32 @p2 $0x1  }
0x17: {  	s4 =	simm.s32 $0x1BF5;
	[smem:$0x3FBB] =	sst s0  }
0x18: {  	s0 =	sld [smem:$0x3F9E];
	_ =	swait.ge [sflag:s4], $0x0  }
0x19: {  	s7 =	sld [smem:$0x3F9F]  }
0x1a: {  	s8 =	sadd.s32 $0xFFFFE003, lr  }
0x1b: {  	s9 =	sadd.s32 $0xFFFFFEF7, lr;
	s5 =	simm.s32 $0xFFFFFFFF;
	p2 =	slt.u32 s8, $0xFFFFF086  }
0x1c: {  	p1 =	slt.u32 s9, $0xF7A;
	s5 =	simm.s32 @!p2 $0x0  }
0x1d: {  	s5 =	simm.s32 @p1 $0x1;
	p0 =	seq.s32 s7, s2  }
0x1e: {  	s7 =	smul.u32 @!p0 $0xF7A, s2;
	p2 =	seq.s32 @!p0 s5, $0x0  }
0x1f: {  	s9 =	smul.u32 $0xF7A, s1;
	s8 =	simm.s32 @!p0 $0x1BF5;
	p2 =	por !p2, p0  }
0x20: {  	[sflag:s8] =	ssyncset.s32 @!p0 $0xFFFFF086;
	s6 =	sadd.s32 @!p0 s3, s7;
	s7 =	simm.s32 @!p0 $0x108  }
0x21: {  	s3 =	sadd.s32 s3, s9;
	s6 =	sadd.s32 @!p0 $0x88, s6;
	s7 =	simm.s32 @p2 $0x1082  }
0x22: {  	[simem:s7], [sflag:s8] =	dma.local @!p0 [hbm:s6], $0xF7A  }
0x23: {  	s9 =	sor.u32 $0xD0000000, s2;
	s6 =	simm.s32 $0x108;
	_ =	swait.ge @!p0 [sflag:s8], $0x0  }
0x24: {  	s3 =	sadd.s32 $0x88, s3;
	s6 =	simm.s32 @!p1 $0x1082;
	[sflag:s4] =	ssyncset.s32 $0xFFFFF086  }
0x25: {  	[simem:s6], [sflag:s4] =	dma.local [hbm:s3], $0xF7A  }
0x26: {  	[smem:$0x3F9F] =	sst s1;
	(tag) =	ssettag s2;
	_ =	strace s9  }
0x27: {  	s1 =	sld [smem:$0x3FAF]  }
0x28: {  	s2 =	sld [smem:$0x3FB0]  }
0x29: {  	s4 =	sld [smem:$0x3FB2]  }
0x2a: {  	p0 =	seq.s32 s5, $0x0;
	s5 =	sld [smem:$0x3FB3]  }
0x2b: {  	s6 =	sld [smem:$0x3FB4]  }
0x2c: {  	s7 =	sld [smem:$0x3FB5]  }
0x2d: {  	s3 =	simm.s32 $0x108;
	s8 =	sld [smem:$0x3FB6]  }
0x2e: {  	s3 =	simm.s32 @!p0 $0x1082;
	s9 =	sld [smem:$0x3FB7]  }
0x2f: {  	lr =	sadd.s32 s0, s3;
	s0 =	sld [smem:$0x3FAE]  }
0x30: {  	s3 =	sld [smem:$0x3FB1]  }
0x31: {  	[smem:$0x3FBA] =	sst s10  }
0x32: {  	s10 =	sld [smem:$0x3FB8];
	_ =	sdelay $0x3  }
0x33: {  	p0 =	seq.s32 s10, $0x1;
	s10 =	sld [smem:$0x3FBA];
	_ =	sdelay $0x3  }
0x34: {  	[smem:$0x3FBA] =	sst s10  }
0x35: {  	s10 =	sld [smem:$0x3FB9];
	_ =	sdelay $0x3  }
0x36: {  	p1 =	seq.s32 s10, $0x1;
	s10 =	sld [smem:$0x3FBA];
	_ =	sdelay $0x3  }
0x37: {  	[smem:$0x3FBA] =	sst s10  }
0x38: {  	s10 =	sld [smem:$0x3FBB]  }
0x39: {  	_ = 	snop;
	(pc) =	sbr.ind lr, $3  }
0x3a: {  	_ = 	snop  }
0x3b: {  	_ = 	snop  }
0x3c: {  	p2 =	seq.s32 s10, $0x1;
	s10 =	sld [smem:$0x3FBA]  }
0x3d: {  	_ =	shalt  }
0x3e: {  	_ =	shalt  }
0x3f: {  	_ =	shalt  }
0x40: {  	_ =	shalt  }
0x41: {  	_ =	shalt  }
0x42: {  	_ =	shalt  }
0x43: {  	_ =	shalt  }
0x44: {  	_ =	shalt  }
0x45: {  	_ =	shalt  }
0x46: {  	_ =	shalt  }
0x47: {  	_ =	shalt  }
0x48: {  	_ =	shalt  }
0x49: {  	_ =	shalt  }
0x4a: {  	_ =	shalt  }
0x4b: {  	_ =	shalt  }
0x4c: {  	_ =	shalt  }
0x4d: {  	_ =	shalt  }
0x4e: {  	_ =	shalt  }
0x4f: {  	_ =	shalt  }
0x50: {  	_ =	shalt  }
0x51: {  	_ =	shalt  }
0x52: {  	_ =	shalt  }
0x53: {  	_ =	shalt  }
0x54: {  	_ =	shalt  }
0x55: {  	_ =	shalt  }
0x56: {  	_ =	shalt  }
0x57: {  	_ =	shalt  }
0x58: {  	_ =	shalt  }
0x59: {  	_ =	shalt  }
0x5a: {  	_ =	shalt  }
0x5b: {  	_ =	shalt  }
0x5c: {  	_ =	shalt  }
0x5d: {  	_ =	shalt  }
0x5e: {  	_ =	shalt  }
0x5f: {  	_ =	shalt  }
0x60: {  	_ =	shalt  }
0x61: {  	_ =	shalt  }
0x62: {  	_ =	shalt  }
0x63: {  	_ =	shalt  }
0x64: {  	_ =	shalt  }
0x65: {  	_ =	shalt  }
0x66: {  	_ =	shalt  }
0x67: {  	_ =	shalt  }
0x68: {  	_ =	shalt  }
0x69: {  	_ =	shalt  }
0x6a: {  	_ =	shalt  }
0x6b: {  	_ =	shalt  }
0x6c: {  	_ =	shalt  }
0x6d: {  	_ =	shalt  }
0x6e: {  	_ =	shalt  }
0x6f: {  	_ =	shalt  }
0x70: {  	_ =	shalt  }
0x71: {  	_ =	shalt  }
0x72: {  	_ =	shalt  }
0x73: {  	_ =	shalt  }
0x74: {  	_ =	shalt  }
0x75: {  	_ =	shalt  }
0x76: {  	_ =	shalt  }
0x77: {  	_ =	shalt  }
0x78: {  	_ =	shalt  }
0x79: {  	_ =	shalt  }
0x7a: {  	_ =	shalt  }
0x7b: {  	_ =	shalt  }
0x7c: {  	_ =	shalt  }
0x7d: {  	_ =	shalt  }
0x7e: {  	_ =	shalt  }
0x7f: {  	_ =	shalt  }
0x80: {  	_ =	shalt  }
0x81: {  	_ =	shalt  }
0x82: {  	_ =	shalt  }
0x83: {  	_ =	shalt  }
0x84: {  	_ =	shalt  }
0x85: {  	_ =	shalt  }
0x86: {  	_ =	shalt  }
0x87: {  	_ =	shalt  }
.Lfunc_end0:
.L_simem_size_0:
called_computation_lowered:
.L_overlay_start_0:
0x88: {  	s2 =	sld [smem:$0x3FD9]  }
0x89: {  	s3 =	sld [smem:$0x3FFE];
	_ =	sdelay $0x1  }
0x8a: {  	s1 =	srdreg.scid  }
0x8b: {  	s0 =	sand.u32 $0x1, s1  }
0x8c: {  	s17 =	sshll.u32 s0, $0xA;
	s2 =	sadd.s32 s3, s2  }
0x8d: {  	s2 =	sadd.s32 s2, s17  }
0x8e: {  	[smem:$0x3FC6] =	sst s2  }
0x8f: {  	_ = 	snop  }
0x90: {  	s2 =	sld [smem:$0x3FD0];
	(tm) =	ssettm $0x1  }
0x91: {  	s18 =	sld [smem:$0x3FFB];
	_ =	sdelay $0x3  }
0x92: {  	_ =	strace s18  }
0x93: {  	s3 =	sld [smem:$0x3FFC];
	_ =	sdelay $0x3  }
0x94: {  	_ =	strace s3  }
0x95: {  	s3 =	sld [smem:$0x3FFD];
	_ =	sdelay $0x3  }
0x96: {  	_ =	strace s3  }
0x97: {  	_ =	strace $0x8FFFFFFF  }
0x98: {  	s19 =	sld [smem:$0x3FDB];
	_ =	sdelay $0x1  }
0x99: {  	s4 =	simm.s32 $_scs_section_size  }
0x9a: {  	s5 =	simm.s32 $_size__tile_overlayer_lowered;
	s6 =	simm.s32 $_tile_overlayer_lowered  }
0x9b: {  	s22 =	simm.s32 $0x1BFF;
	s21 =	sshll.u32 s6, $0x1;
	s3 =	sadd.s32 s4, s19  }
0x9c: {  	s7 =	simm.s32 $0x0;
	s20 =	sshll.u32 s5, $0x1;
	s5 =	sadd.s32 s21, s3  }
0x9d: {  	[timem:s7], [sflag:s22] =	dma.local [hbm:s5], s20  }
0x9e: {  	_ =	swait.ge [sflag:s22], s20  }
0x9f: {  	s4 =	ssub.s32 $0x0, s20;
	[sflag:s22] =	ssyncset.done $0x0  }
0xa0: {  	[sflag:s22] =	ssyncadd.s32 s4;
	_ =	sdelay $0x1  }
0xa1: {  	s23 =	simm.s32 $0x1B8B  }
0xa2: {  	_ =	swait.ge [sflag:s23], $0x1  }
0xa3: {  	[sflag:s23] =	ssyncset.done $0x0  }
0xa4: {  	s25 =	simm.s32 $0x1B8E;
	s24 =	sld [smem:$0x3FFE];
	[sflag:s23] =	ssyncadd.s32 $0xFFFFFFFF  }
0xa5: {  	s26 =	simm.s32 $execute0_lowered;
	[smem:$0x3FD2] =	sst s25  }
0xa6: {  	s5 =	sshll.u32 s26, $0x1;
	_ =	strace $0x80000046;
	[dreg:$0x1] =	wrdreg $0xFFFFFFFF  }
0xa7: {  	s28 =	simm.s32 $_size_execute0_lowered;
	s3 =	sadd.s32 s3, s5;
	[dreg:$0x0] =	wrdreg $0x0  }
0xa8: {  	s5 =	sshll.u32 s28, $0x1;
	[dreg:$0x2] =	wrdreg s3  }
0xa9: {  	[dreg:$0x3] =	wrdreg s5  }
0xaa: {  	[dreg:$0x4] =	wrdreg $0xC0  }
0xab: {  	_ =	task [dreg:s7], $0x5FFFF  }
0xac: {  	[dreg:$0x1] =	wrdreg $0xFFFFFFFF  }
0xad: {  	[dreg:$0x0] =	wrdreg $0x60  }
0xae: {  	[dreg:$0x2] =	wrdreg s24  }
0xaf: {  	[dreg:$0x3] =	wrdreg s2  }
0xb0: {  	[dreg:$0x4] =	wrdreg $0x9  }
0xb1: {  	_ =	task.clear_ibuf [dreg:s7], $0x5FFFF;
	_ =	strace $0x90000046  }
0xb2: {  	s29 =	simm.s32 $0x9;
	_ =	strace $0x80000048  }
0xb3: {  	_ =	swait.ge [sflag:s29], $0x1  }
0xb4: {  	[sflag:s29] =	ssyncadd.s32 $0xFFFFFFFF  }
0xb5: {  	_ =	strace $0x90000048  }
0xb6: {  	_ =	sfence  }
0xb7: {  	s30 =	sld [smem:$0x0];
	_ =	sdelay $0x2  }
0xb8: {  	s31 =	sshll.u32 s1, $0xD;
	s1 =	sshrl.u32 s1, $0x2  }
0xb9: {  	s3 =	sand.u32 $0x4000, s31;
	s1 =	sadd.s32 s1, s30  }
0xba: {  	s0 =	sor.u32 s3, s0;
	s1 =	sshll.u32 s1, $0x11  }
0xbb: {  	s0 =	sor.u32 s1, s0  }
0xbc: {  	s0 =	sadd.s32 $0x8F2B, s0  }
0xbd: {  	[sflag:s0] =	ssyncadd.remote.s32 $0x1  }
0xbe: {  	_ =	sfence.sel $0xFFFF  }
0xbf: {  	[dreg:$0x0] =	wrdreg $0xFFFFFFFF;
	(pc) =	sbr.abs _section_cstart, $3  }
0xc0: {  	[dreg:$0x1] =	wrdreg $0xFFFFFFFF  }
0xc1: {  	_ =	task.clear_ibuf [dreg:s7], $0x2FFFF;
	_ =	strace $0x9FFFFFFF  }
0xc2: {  	(tm) =	ssettm $0x7FFFFFFF  }
0xc3: {  	_ =	shalt  }
tec
execute0_lowered:
.L_overlay_start_1:
0x0: {  	(tag) =	ssettag $0x1  }
0x1: {  	s7 =	rddreg [dreg:$0x0];
	s1 =	srdreg.scid  }
0x2: {  	s0 =	stileid.u32;
	s5 =	rddreg [dreg:$0x1]  }
0x3: {  	s3 =	simm.s32 $0x0;
	s4 =	sand.u32 $0x1, s1;
	s1 =	rddreg [dreg:$0x2]  }
0x4: {  	s12 =	simm.s32 $0x0;
	s2 =	sshll.u32 s0, $0x1;
	[smem:$0x7FF] =	sst s3  }
0x5: {  	s11 =	sshll.u32 s0, $0x3;
	s6 =	sor.u32 s4, s2;
	s8 =	ssub.s32 $0x2, s4  }
0x6: {  	_ =	strace $0x80000047;
	s4 =	sadd.s32 $0x800, s7;
	s28 =	sshll.u32 s6, $0x7  }
.Ltmp0:
0x7: {  	s31 =	sand.u32 $0x70, s11;
	s9 =	sand.u32 $0x180, s28;
	(pc) =	sbr.rel .LBB2_1-.Ltmp0, $4  }
0x8: {  	s11 =	simm.s32 $0x7C00;
	s29 =	sshrl.u32 s8, $0x1;
	s30 =	sxor.u32 $0xFFFFFFF9, s9  }
0x9: {  	s7 =	sadd.s32 s7, s31;
	s6 =	ssub.s32 s8, s29;
	s8 =	simm.s32 $0x400;
	v0 =	vmov s30  }
0xa: {  	s10 =	sor.u32 $0x7, s9;
	s9 =	sshll.u32 s9, $0x6;
	s6 =	smax.u32 s6, $0x1;
	v0 =	vadd.s32 $0xE, v0  }
0xb: {  	v2 =	vimm.s32 $0x100000;
	s5 =	sadd.s32 s5, s9;
	s9 =	simm.s32 $0x1;
	v1 =	vmov s10;
	s10 =	simm.s32 $0x80;
	v0 =	vbroadcast v0, $0x0  }
.LBB2_11:
0xc: {  	s12 =	sadd.s32 $0x1, s12  }
0xd: {  	p0 =	sne.s32 s12, s6  }
.Ltmp1:
0xe: {  	_ = 	snop;
	(pc) =	sbr.rel @!p0 .LBB2_12-.Ltmp1, $1  }
0xf: {  	_ =	sdelay $0x3  }
.LBB2_1:
0x10: {  	[tilespmem:s8], [sflag:$0x1] =	stream.linear.gather [hbm4b:s4+s3], $0x7800, $0x38;
	[tilespmem:$0x19080] =	vst v63  }
0x11: {  	_ =	swait.ge [sflag:s9], $0x7800  }
0x12: {  	[sflag:s9] =	ssyncset.done $0x0  }
0x13: {  	[sflag:s9] =	ssyncadd.s32 $0xFFFF8800  }
.Ltmp2:
0x14: {  	v3 =	vld [tilespmem:$0x7480];
	(pc) =	sbr.rel .LBB2_2-.Ltmp2, $2  }
0x15: {  	_ =	sdelay $0x2  }
0x16: {  	p1 =	por $0x1, $0x1;
	s13 =	simm.s32 $0x0  }
.LBB2_10:
0x17: {  	s13 =	sshll.u32 s13, $0xF  }
.Ltmp3:
0x18: {  	s13 =	sadd.s32 s13, s5;
	(pc) =	sbr.rel @!p0 .LBB2_11-.Ltmp3, $4  }
0x19: {  	[hbm4b:s13+s3] =	stream.linear.scatter [tilespmem:s11], [sflag:$0x1], $0x10000, $0x38;
	[tilespmem:$0x19080] =	vst v63  }
0x1a: {  	_ =	swait.ge [sflag:s9], $0x10000  }
0x1b: {  	[sflag:s9] =	ssyncset.done $0x0  }
0x1c: {  	p1 =	por $0x0, $0x0;
	s13 =	simm.s32 $0x20;
	[sflag:s9] =	ssyncadd.s32 $0xFFFF0000  }
.LBB2_2:
0x1d: {  	s14 =	sshll.u32 s13, $0x5  }
0x1e: {  	s14 =	sand.u32 $0x400, s14  }
0x1f: {  	s15 =	sadd.s32 s14, s7;
	s14 =	simm.s32 $0x0  }
0x20: {  	[tilespmem:s14], [sflag:$0x1] =	stream.strided.gather [hbm4b:s15+s10], $0x400, s8, s10, $0x38;
	[tilespmem:$0x19080] =	vst v63  }
0x21: {  	_ =	swait.ge [sflag:s9], $0x400  }
0x22: {  	s30 =	sand.u32 $0xF000, s14;
	s16 =	sand.u32 $0x380, s14;
	[sflag:s9] =	ssyncset.done $0x0  }
0x23: {  	s15 =	sor.u32 s16, s30;
	[sflag:s9] =	ssyncadd.s32 $0xFFFFFC00  }
0x24: {  	[tilespmem:s15+$0x8870] =	vst v3  }
0x25: {  	[tilespmem:s15+$0x7C00] =	vst v3  }
0x26: {  	[tilespmem:s15+$0x7C10] =	vst v3  }
0x27: {  	[tilespmem:s15+$0x7C20] =	vst v3  }
0x28: {  	[tilespmem:s15+$0x7C30] =	vst v3  }
0x29: {  	[tilespmem:s15+$0x7C40] =	vst v3  }
0x2a: {  	[tilespmem:s15+$0x7C50] =	vst v3  }
0x2b: {  	[tilespmem:s15+$0x7C60] =	vst v3  }
0x2c: {  	[tilespmem:s15+$0x7C70] =	vst v3  }
0x2d: {  	[tilespmem:s15+$0x8000] =	vst v3  }
0x2e: {  	[tilespmem:s15+$0x8010] =	vst v3  }
0x2f: {  	[tilespmem:s15+$0x8020] =	vst v3  }
0x30: {  	[tilespmem:s15+$0x8030] =	vst v3  }
0x31: {  	[tilespmem:s15+$0x8040] =	vst v3  }
0x32: {  	[tilespmem:s15+$0x8050] =	vst v3  }
0x33: {  	[tilespmem:s15+$0x8060] =	vst v3  }
0x34: {  	[tilespmem:s15+$0x8070] =	vst v3  }
0x35: {  	[tilespmem:s15+$0x8400] =	vst v3  }
0x36: {  	[tilespmem:s15+$0x8410] =	vst v3  }
0x37: {  	[tilespmem:s15+$0x8420] =	vst v3  }
0x38: {  	[tilespmem:s15+$0x8430] =	vst v3  }
0x39: {  	[tilespmem:s15+$0x8440] =	vst v3  }
0x3a: {  	[tilespmem:s15+$0x8450] =	vst v3  }
0x3b: {  	[tilespmem:s15+$0x8460] =	vst v3  }
0x3c: {  	[tilespmem:s15+$0x8470] =	vst v3  }
0x3d: {  	[tilespmem:s15+$0x8800] =	vst v3  }
0x3e: {  	[tilespmem:s15+$0x8810] =	vst v3  }
0x3f: {  	[tilespmem:s15+$0x8820] =	vst v3  }
0x40: {  	s31 =	sor.u32 s2, s13;
	s17 =	simm.s32 $0x200;
	[tilespmem:s15+$0x8830] =	vst v3  }
0x41: {  	p0 =	por p1, p1;
	s13 =	sshrl.u32 s31, $0x2;
	s16 =	simm.s32 $0x80;
	[tilespmem:s15+$0x8840] =	vst v3  }
0x42: {  	s18 =	sand.u32 $0xF000, s17;
	s17 =	simm.s32 $0x400;
	s19 =	sand.u32 $0x380, s16;
	[tilespmem:s15+$0x8850] =	vst v3  }
.LBB2_3:
0x43: {  	p1 =	sne.s32 s17, $0xFE00;
	[tilespmem:s15+$0x8860] =	vst v3;
	s15 =	sor.u32 s19, s18  }
0x44: {  	[tilespmem:s15+$0x8870] =	vst v3  }
0x45: {  	[tilespmem:s15+$0x7C00] =	vst v3  }
0x46: {  	[tilespmem:s15+$0x7C10] =	vst v3  }
0x47: {  	[tilespmem:s15+$0x7C20] =	vst v3  }
0x48: {  	[tilespmem:s15+$0x7C30] =	vst v3  }
0x49: {  	[tilespmem:s15+$0x7C40] =	vst v3  }
0x4a: {  	[tilespmem:s15+$0x7C50] =	vst v3  }
0x4b: {  	[tilespmem:s15+$0x7C60] =	vst v3  }
0x4c: {  	[tilespmem:s15+$0x7C70] =	vst v3  }
0x4d: {  	[tilespmem:s15+$0x8000] =	vst v3  }
0x4e: {  	[tilespmem:s15+$0x8010] =	vst v3  }
0x4f: {  	[tilespmem:s15+$0x8020] =	vst v3  }
0x50: {  	[tilespmem:s15+$0x8030] =	vst v3  }
0x51: {  	[tilespmem:s15+$0x8040] =	vst v3  }
0x52: {  	[tilespmem:s15+$0x8050] =	vst v3  }
0x53: {  	[tilespmem:s15+$0x8060] =	vst v3  }
0x54: {  	[tilespmem:s15+$0x8070] =	vst v3  }
0x55: {  	[tilespmem:s15+$0x8400] =	vst v3  }
0x56: {  	[tilespmem:s15+$0x8410] =	vst v3  }
0x57: {  	[tilespmem:s15+$0x8420] =	vst v3  }
0x58: {  	[tilespmem:s15+$0x8430] =	vst v3  }
0x59: {  	[tilespmem:s15+$0x8440] =	vst v3  }
0x5a: {  	[tilespmem:s15+$0x8450] =	vst v3  }
0x5b: {  	[tilespmem:s15+$0x8460] =	vst v3  }
0x5c: {  	[tilespmem:s15+$0x8470] =	vst v3  }
0x5d: {  	[tilespmem:s15+$0x8800] =	vst v3  }
.Ltmp4:
0x5e: {  	[tilespmem:s15+$0x8810] =	vst v3;
	(pc) =	sbr.rel @p1 .LBB2_3-.Ltmp4, $4  }
0x5f: {  	[tilespmem:s15+$0x8820] =	vst v3  }
0x60: {  	[tilespmem:s15+$0x8830] =	vst v3  }
0x61: {  	s16 =	sadd.s32 $0x80, s16;
	[tilespmem:s15+$0x8840] =	vst v3  }
0x62: {  	s18 =	sand.u32 $0xF000, s17;
	s17 =	sadd.s32 $0x200, s17;
	s19 =	sand.u32 $0x380, s16;
	[tilespmem:s15+$0x8850] =	vst v3  }
0x63: {  	s16 =	sor.u32 s19, s18;
	[tilespmem:s15+$0x8860] =	vst v3  }
0x64: {  	[tilespmem:s16+$0x8870] =	vst v3  }
0x65: {  	[tilespmem:s16+$0x7C00] =	vst v3  }
0x66: {  	[tilespmem:s16+$0x7C10] =	vst v3  }
0x67: {  	[tilespmem:s16+$0x7C20] =	vst v3  }
0x68: {  	[tilespmem:s16+$0x7C30] =	vst v3  }
0x69: {  	[tilespmem:s16+$0x7C40] =	vst v3  }
0x6a: {  	[tilespmem:s16+$0x7C50] =	vst v3  }
0x6b: {  	[tilespmem:s16+$0x7C60] =	vst v3  }
0x6c: {  	[tilespmem:s16+$0x7C70] =	vst v3  }
0x6d: {  	[tilespmem:s16+$0x8000] =	vst v3  }
0x6e: {  	[tilespmem:s16+$0x8010] =	vst v3  }
0x6f: {  	[tilespmem:s16+$0x8020] =	vst v3  }
0x70: {  	[tilespmem:s16+$0x8030] =	vst v3  }
0x71: {  	[tilespmem:s16+$0x8040] =	vst v3  }
0x72: {  	[tilespmem:s16+$0x8050] =	vst v3  }
0x73: {  	[tilespmem:s16+$0x8060] =	vst v3  }
0x74: {  	[tilespmem:s16+$0x8070] =	vst v3  }
0x75: {  	[tilespmem:s16+$0x8400] =	vst v3  }
0x76: {  	[tilespmem:s16+$0x8410] =	vst v3  }
0x77: {  	[tilespmem:s16+$0x8420] =	vst v3  }
0x78: {  	[tilespmem:s16+$0x8430] =	vst v3  }
0x79: {  	[tilespmem:s16+$0x8440] =	vst v3  }
0x7a: {  	[tilespmem:s16+$0x8450] =	vst v3  }
0x7b: {  	[tilespmem:s16+$0x8460] =	vst v3  }
0x7c: {  	[tilespmem:s16+$0x8470] =	vst v3  }
0x7d: {  	[tilespmem:s16+$0x8800] =	vst v3  }
0x7e: {  	[tilespmem:s16+$0x8810] =	vst v3  }
0x7f: {  	[tilespmem:s16+$0x8820] =	vst v3  }
0x80: {  	[tilespmem:s16+$0x8830] =	vst v3  }
0x81: {  	[tilespmem:s16+$0x8840] =	vst v3  }
0x82: {  	[tilespmem:s16+$0x8850] =	vst v3  }
0x83: {  	s31 =	simm.s32 $0x0;
	[tilespmem:s16+$0x8860] =	vst v3  }
0x84: {  	v4 =	vld [tilespmem:s31+$0x0];
	_ =	sdelay $0x4  }
0x85: {  	v5 =	vshrl.u32 v4, $0xA  }
0x86: {  	v5 =	vadd.s32 v5, v0  }
0x87: {  	vm0 =	vlt.u32 v5, $0x8E  }
0x88: {  	v5 =	vmpcnt.ones.xlane vm0;
	_ =	sdelay $0x1  }
0x89: {  	(v2sf) =	vpush v5, $0x0;
	_ =	sdelay $0x4  }
0x8a: {  	s15 =	simm.s32 $0x80;
	s16 =	simm.s32 $0x10;
	[tilespmem:s14+$0x18C00] =	vst.msk vm0, v4  }
.LBB2_5:
0x8b: {  	p1 =	sne.s32 s15, $0xFC0;
	v4 =	vld [tilespmem:s16+$0x0];
	_ =	sdelay $0x4  }
0x8c: {  	v5 =	vshrl.u32 v4, $0xA  }
0x8d: {  	v5 =	vadd.s32 v5, v0  }
0x8e: {  	vm0 =	vlt.u32 v5, $0x8E  }
0x8f: {  	v5 =	vmpcnt.ones.xlane vm0  }
0x90: {  	s16 =	spop (v2sf)  }
0x91: {  	(v2sf) =	vpush v5, $0x0;
	s14 =	sadd.s32 s14, s16  }
.Ltmp5:
0x92: {  	[tilespmem:s14+$0x18C00] =	vst.msk vm0, v4;
	(pc) =	sbr.rel @p1 .LBB2_5-.Ltmp5, $2  }
0x93: {  	_ =	sdelay $0x2  }
0x94: {  	s16 =	sshra.s32 s15, $0x2;
	s15 =	sadd.s32 $0x40, s15  }
0x95: {  	v4 =	vld [tilespmem:s16+$0x0];
	_ =	sdelay $0x4  }
0x96: {  	v5 =	vshrl.u32 v4, $0xA  }
0x97: {  	v5 =	vadd.s32 v5, v0  }
0x98: {  	vm0 =	vlt.u32 v5, $0x8E  }
0x99: {  	v5 =	vmpcnt.ones.xlane vm0;
	_ =	sdelay $0x1  }
0x9a: {  	(v2sf) =	vpush v5, $0x0;
	_ =	sdelay $0xc  }
.Ltmp6:
0x9b: {  	_ = 	snop;
	(pc) =	sbr.rel .LBB2_7-.Ltmp6, $4  }
0x9c: {  	s15 =	spop (v2sf)  }
0x9d: {  	s14 =	sadd.s32 s14, s15;
	s31 =	spop (v2sf)  }
0x9e: {  	[tilespmem:s14+$0x18C00] =	vst.msk vm0, v4;
	s14 =	sadd.s32 s14, s31  }
0x9f: {  	s16 =	simm.s32 $0x18C00;
	s15 =	simm.s32 $0x0;
	[tilespmem:s14+$0x18C00] =	vst v2  }
.LBB2_9:
0xa0: {  	s15 =	sadd.s32 $0x10, s15  }
0xa1: {  	p1 =	sne.s32 s15, $0x410  }
.Ltmp7:
0xa2: {  	_ = 	snop;
	(pc) =	sbr.rel @!p1 .LBB2_10-.Ltmp7, $2  }
0xa3: {  	_ =	sdelay $0x2  }
0xa4: {  	s16 =	sadd.s32 $0x10, s16  }
.LBB2_7:
0xa5: {  	p1 =	sgt.s32 s15, s14  }
.Ltmp8:
0xa6: {  	_ = 	snop;
	(pc) =	sbr.rel @p1 .LBB2_9-.Ltmp8, $1  }
0xa7: {  	_ =	sdelay $0x3  }
0xa8: {  	v20 =	vld [tilespmem:s16+$0x0];
	_ =	sdelay $0x4  }
0xa9: {  	v5 =	vand.u32 $0x3FF, v20;
	v4 =	vshrl.u32 v20, $0xA;
	v59 =	vshll.u32 v20, $0x3  }
0xaa: {  	v6 =	vadd.s32 $0xFFFFFFF9, v5;
	v4 =	vsub.s32 v4, v1;
	v7 =	vadd.s32 $0xFFFFFFFA, v5  }
0xab: {  	v8 =	vadd.s32 $0xFFFFFFFB, v5;
	v11 =	vadd.s32 $0xFFFFFFFC, v5;
	v15 =	vadd.s32 $0xFFFFFFFD, v5  }
0xac: {  	v16 =	vadd.s32 $0xFFFFFFFE, v5;
	v17 =	vadd.s32 $0xFFFFFFFF, v5;
	vm11 =	vlt.u32 v5, $0x200  }
0xad: {  	v23 =	vadd.s32 $0x1, v5;
	vm2 =	vlt.u32 v5, $0x1FF;
	v25 =	vadd.s32 $0x2, v5  }
0xae: {  	vm0 =	vlt.u32 v5, $0x1FE;
	v27 =	vadd.s32 $0x3, v5;
	vm1 =	vlt.u32 v5, $0x1FD  }
0xaf: {  	v28 =	vadd.s32 $0x4, v5;
	vm3 =	vlt.u32 v5, $0x1FC;
	v29 =	vadd.s32 $0x5, v5  }
0xb0: {  	vm4 =	vlt.u32 v5, $0x1FB;
	v32 =	vadd.s32 $0x6, v5;
	vm5 =	vlt.u32 v5, $0x1FA  }
0xb1: {  	v34 =	vadd.s32 $0x7, v5;
	vm6 =	vlt.u32 v5, $0x1F9;
	vm14 =	vlt.u32 v6, $0x200  }
0xb2: {  	vm8 =	vlt.u32 v7, $0x200;
	vm9 =	vlt.u32 v8, $0x200;
	vm7 =	vlt.u32 v11, $0x200  }
0xb3: {  	vm10 =	vlt.u32 v15, $0x200;
	vm12 =	vlt.u32 v16, $0x200;
	vm13 =	vlt.u32 v17, $0x200  }
0xb4: {  	v9 =	vmin.u32 v4, $0x80;
	v5 =	vand.u32 $0x7F, v6;
	v6 =	vshll.u32 v6, $0x3  }
0xb5: {  	v51 =	vshll.u32 v7, $0x3;
	v12 =	vshll.u32 v8, $0x3;
	v7 =	vand.u32 $0x7F, v7  }
0xb6: {  	v8 =	vand.u32 $0x7F, v8;
	v14 =	vshll.u32 v11, $0x3;
	v11 =	vand.u32 $0x7F, v11  }
0xb7: {  	v55 =	vshll.u32 v15, $0x3;
	v56 =	vshll.u32 v16, $0x3;
	v15 =	vand.u32 $0x7F, v15  }
0xb8: {  	v16 =	vand.u32 $0x7F, v16;
	v21 =	vshll.u32 v17, $0x3;
	v17 =	vand.u32 $0x7F, v17  }
0xb9: {  	v22 =	vshll.u32 v23, $0x3;
	v61 =	vshll.u32 v25, $0x3;
	v10 =	vshll.u32 v9, $0x9  }
0xba: {  	v49 =	vshll.u32 v9, $0x7;
	v35 =	vand.u32 $0x1F000, v10;
	v10 =	vand.u32 $0xFFFFFC00, v6  }
0xbb: {  	v30 =	vld [tilespmem:$0x400];
	v36 =	vand.u32 $0x380, v49;
	v6 =	vand.u32 $0xFFFFFC00, v51;
	v50 =	vadd.s32 v10, v35  }
0xbc: {  	v37 =	vld [tilespmem:$0x480];
	v63 =	vshll.u32 v28, $0x3;
	v13 =	vadd.s32 v6, v35;
	v9 =	vor.u32 v36, v50  }
0xbd: {  	v38 =	vld [tilespmem:$0x500];
	v28 =	vand.u32 $0x7F, v28;
	v52 =	vor.u32 v36, v13;
	v26 =	vor.u32 v5, v9  }
0xbe: {  	v39 =	vld [tilespmem:$0x580];
	v9 =	vand.u32 $0xFFFFFC00, v12;
	v31 =	vor.u32 v7, v52;
	v12 =	vand.u32 $0xFFFFFC00, v14  }
0xbf: {  	v41 =	vld [tilespmem:$0x600];
	v14 =	vand.u32 $0xFFFFFC00, v56;
	v56 =	vshll.u32 v27, $0x3;
	v27 =	vand.u32 $0x7F, v27  }
0xc0: {  	v42 =	vld [tilespmem:$0x680];
	v53 =	vadd.s32 v9, v35;
	v54 =	vadd.s32 v12, v35;
	v19 =	vadd.s32 v14, v35  }
0xc1: {  	v43 =	vld [tilespmem:$0x700];
	v13 =	vor.u32 v36, v53;
	v18 =	vor.u32 v36, v54;
	v19 =	vor.u32 v36, v19  }
0xc2: {  	v46 =	vld [tilespmem:$0x780];
	v33 =	vor.u32 v8, v13;
	v13 =	vand.u32 $0xFFFFFC00, v55;
	v40 =	vor.u32 v11, v18  }
0xc3: {  	v47 =	vld [tilespmem:$0x800];
	v45 =	vor.u32 v16, v19;
	v19 =	vand.u32 $0xFFFFFC00, v21;
	v57 =	vadd.s32 v13, v35  }
0xc4: {  	v48 =	vld [tilespmem:$0x880];
	v21 =	vand.u32 $0x1C00, v59;
	v58 =	vadd.s32 v19, v35;
	v18 =	vor.u32 v36, v57  }
0xc5: {  	v50 =	vld [tilespmem:$0x900];
	v24 =	vadd.s32 v21, v35;
	v44 =	vor.u32 v15, v18;
	v18 =	vor.u32 v36, v58  }
0xc6: {  	v52 =	vld [tilespmem:$0x980];
	v24 =	vor.u32 v36, v24;
	v49 =	vor.u32 v17, v18;
	v18 =	vand.u32 $0x3C00, v22  }
0xc7: {  	v53 =	vld [tilespmem:$0xA00];
	v22 =	vand.u32 $0x7F, v20;
	v20 =	vand.u32 $0x7F, v23;
	v23 =	vand.u32 $0x7F, v25  }
0xc8: {  	v57 =	vld [tilespmem:$0xB00];
	v25 =	vand.u32 $0x3C00, v56;
	v56 =	vshll.u32 v34, $0x3;
	v51 =	vadd.s32 v18, v35  }
0xc9: {  	v54 =	vor.u32 v22, v24;
	v24 =	vand.u32 $0x3C00, v61;
	v60 =	vor.u32 v36, v51;
	v51 =	vld [tilespmem:$0xA80]  }
0xca: {  	v59 =	vadd.s32 v25, v35;
	v61 =	vshll.u32 v29, $0x3;
	v62 =	vadd.s32 v24, v35;
	[tilespmem:v26+s11+$0x0] =	vst.idx.add.f32.msk vm14, v30  }
0xcb: {  	v26 =	vand.u32 $0x3C00, v63;
	v30 =	vor.u32 v36, v59;
	v55 =	vor.u32 v20, v60;
	[tilespmem:v31+s11+$0x0] =	vst.idx.add.f32.msk vm8, v37  }
0xcc: {  	v29 =	vand.u32 $0x7F, v29;
	v58 =	vor.u32 v36, v62;
	v60 =	vadd.s32 v26, v35;
	[tilespmem:v33+s11+$0x0] =	vst.idx.add.f32.msk vm9, v38  }
0xcd: {  	v62 =	vor.u32 v27, v30;
	v30 =	vand.u32 $0x3C00, v61;
	v58 =	vor.u32 v23, v58;
	[tilespmem:v40+s11+$0x0] =	vst.idx.add.f32.msk vm7, v39  }
0xce: {  	v31 =	vor.u32 v36, v60;
	[tilespmem:v44+s11+$0x0] =	vst.idx.add.f32.msk vm10, v41;
	v41 =	vadd.s32 v30, v35;
	v44 =	vshll.u32 v32, $0x3  }
0xcf: {  	v63 =	vor.u32 v28, v31;
	[tilespmem:v45+s11+$0x0] =	vst.idx.add.f32.msk vm12, v42;
	v45 =	vor.u32 v36, v41;
	v31 =	vand.u32 $0x3C00, v44  }
0xd0: {  	v33 =	vand.u32 $0x3C00, v56;
	[tilespmem:v49+s11+$0x0] =	vst.idx.add.f32.msk vm13, v43;
	v39 =	vor.u32 v29, v45;
	v59 =	vadd.s32 v31, v35  }
0xd1: {  	v32 =	vand.u32 $0x7F, v32;
	v35 =	vadd.s32 v33, v35;
	[tilespmem:v54+s11+$0x0] =	vst.idx.add.f32.msk vm11, v46;
	v40 =	vor.u32 v36, v59  }
0xd2: {  	v34 =	vand.u32 $0x7F, v34;
	v35 =	vor.u32 v36, v35;
	[tilespmem:v55+s11+$0x0] =	vst.idx.add.f32.msk vm2, v47;
	v40 =	vor.u32 v32, v40  }
0xd3: {  	v35 =	vor.u32 v34, v35;
	[tilespmem:v58+s11+$0x0] =	vst.idx.add.f32.msk vm0, v48  }
0xd4: {  	[tilespmem:v62+s11+$0x0] =	vst.idx.add.f32.msk vm1, v50  }
0xd5: {  	[tilespmem:v63+s11+$0x0] =	vst.idx.add.f32.msk vm3, v52  }
0xd6: {  	[tilespmem:v39+s11+$0x0] =	vst.idx.add.f32.msk vm4, v53  }
0xd7: {  	[tilespmem:v40+s11+$0x0] =	vst.idx.add.f32.msk vm5, v51  }
0xd8: {  	[tilespmem:v35+s11+$0x0] =	vst.idx.add.f32.msk vm6, v57  }
0xd9: {  	v35 =	vld [tilespmem:$0xB80]  }
0xda: {  	v36 =	vld [tilespmem:$0xC00]  }
0xdb: {  	v37 =	vld [tilespmem:$0xC80]  }
0xdc: {  	v38 =	vld [tilespmem:$0xD00]  }
0xdd: {  	v60 =	vadd.s32 $0x1, v4;
	v39 =	vld [tilespmem:$0xD80]  }
0xde: {  	v40 =	vmin.u32 v60, $0x80;
	v41 =	vld [tilespmem:$0xE00]  }
0xdf: {  	v61 =	vshll.u32 v40, $0x9;
	v42 =	vld [tilespmem:$0xE80]  }
0xe0: {  	v40 =	vshll.u32 v40, $0x7;
	v44 =	vld [tilespmem:$0xF00];
	v43 =	vand.u32 $0x1F000, v61  }
0xe1: {  	v45 =	vld [tilespmem:$0xF80];
	v40 =	vand.u32 $0x380, v40;
	v62 =	vadd.s32 v10, v43  }
0xe2: {  	v47 =	vld [tilespmem:$0x1000];
	v46 =	vor.u32 v40, v62  }
0xe3: {  	v48 =	vld [tilespmem:$0x1080];
	v46 =	vor.u32 v5, v46  }
0xe4: {  	v49 =	vld [tilespmem:$0x1100]  }
0xe5: {  	v50 =	vld [tilespmem:$0x1180]  }
0xe6: {  	v51 =	vld [tilespmem:$0x1200];
	v63 =	vadd.s32 v6, v43  }
0xe7: {  	v52 =	vld [tilespmem:$0x1280];
	v56 =	vadd.s32 v9, v43;
	v57 =	vadd.s32 v12, v43;
	v55 =	vor.u32 v40, v63  }
0xe8: {  	[tilespmem:v46+s11+$0x0] =	vst.idx.add.f32.msk vm14, v35;
	v35 =	vor.u32 v7, v55;
	v46 =	vor.u32 v40, v56  }
0xe9: {  	v58 =	vadd.s32 v13, v43;
	v53 =	vor.u32 v40, v57;
	v46 =	vor.u32 v8, v46  }
0xea: {  	v59 =	vadd.s32 v14, v43;
	v54 =	vor.u32 v40, v58;
	v53 =	vor.u32 v11, v53  }
0xeb: {  	v60 =	vadd.s32 v19, v43;
	v54 =	vor.u32 v15, v54;
	v55 =	vor.u32 v40, v59  }
0xec: {  	v56 =	vor.u32 v40, v60;
	v55 =	vor.u32 v16, v55  }
0xed: {  	v61 =	vadd.s32 v21, v43;
	v62 =	vor.u32 v17, v56;
	[tilespmem:v35+s11+$0x0] =	vst.idx.add.f32.msk vm8, v36  }
0xee: {  	v63 =	vor.u32 v40, v61;
	[tilespmem:v46+s11+$0x0] =	vst.idx.add.f32.msk vm9, v37  }
0xef: {  	v36 =	vor.u32 v22, v63;
	[tilespmem:v53+s11+$0x0] =	vst.idx.add.f32.msk vm7, v38  }
0xf0: {  	[tilespmem:v54+s11+$0x0] =	vst.idx.add.f32.msk vm10, v39  }
0xf1: {  	[tilespmem:v55+s11+$0x0] =	vst.idx.add.f32.msk vm12, v41  }
0xf2: {  	[tilespmem:v62+s11+$0x0] =	vst.idx.add.f32.msk vm13, v42;
	v42 =	vadd.s32 v18, v43  }
0xf3: {  	v46 =	vadd.s32 v24, v43;
	v53 =	vadd.s32 v25, v43;
	v35 =	vor.u32 v40, v42  }
0xf4: {  	[tilespmem:v36+s11+$0x0] =	vst.idx.add.f32.msk vm11, v44;
	v36 =	vor.u32 v40, v46;
	v35 =	vor.u32 v20, v35  }
0xf5: {  	v37 =	vor.u32 v40, v53;
	v54 =	vadd.s32 v26, v43;
	v36 =	vor.u32 v23, v36  }
0xf6: {  	v37 =	vor.u32 v27, v37;
	v38 =	vor.u32 v40, v54;
	v55 =	vadd.s32 v30, v43  }
0xf7: {  	v56 =	vadd.s32 v31, v43;
	v38 =	vor.u32 v28, v38;
	v39 =	vor.u32 v40, v55  }
0xf8: {  	v57 =	vadd.s32 v33, v43;
	v41 =	vor.u32 v40, v56;
	v39 =	vor.u32 v29, v39  }
0xf9: {  	v58 =	vor.u32 v32, v41;
	v40 =	vor.u32 v40, v57;
	[tilespmem:v35+s11+$0x0] =	vst.idx.add.f32.msk vm2, v45  }
0xfa: {  	v59 =	vor.u32 v34, v40;
	[tilespmem:v36+s11+$0x0] =	vst.idx.add.f32.msk vm0, v47  }
0xfb: {  	[tilespmem:v37+s11+$0x0] =	vst.idx.add.f32.msk vm1, v48  }
0xfc: {  	[tilespmem:v38+s11+$0x0] =	vst.idx.add.f32.msk vm3, v49  }
0xfd: {  	[tilespmem:v39+s11+$0x0] =	vst.idx.add.f32.msk vm4, v50  }
0xfe: {  	[tilespmem:v58+s11+$0x0] =	vst.idx.add.f32.msk vm5, v51  }
0xff: {  	[tilespmem:v59+s11+$0x0] =	vst.idx.add.f32.msk vm6, v52  }
0x100: {  	v35 =	vld [tilespmem:$0x1300]  }
0x101: {  	v36 =	vld [tilespmem:$0x1380]  }
0x102: {  	v37 =	vld [tilespmem:$0x1400]  }
0x103: {  	v38 =	vld [tilespmem:$0x1480]  }
0x104: {  	v60 =	vadd.s32 $0x2, v4;
	v39 =	vld [tilespmem:$0x1500]  }
0x105: {  	v40 =	vmin.u32 v60, $0x80;
	v41 =	vld [tilespmem:$0x1580]  }
0x106: {  	v61 =	vshll.u32 v40, $0x9;
	v42 =	vld [tilespmem:$0x1600]  }
0x107: {  	v40 =	vshll.u32 v40, $0x7;
	v43 =	vand.u32 $0x1F000, v61;
	v44 =	vld [tilespmem:$0x1680]  }
0x108: {  	v40 =	vand.u32 $0x380, v40;
	v62 =	vadd.s32 v10, v43;
	v45 =	vld [tilespmem:$0x1700]  }
0x109: {  	v46 =	vor.u32 v40, v62;
	v47 =	vld [tilespmem:$0x1780]  }
0x10a: {  	v46 =	vor.u32 v5, v46;
	v48 =	vld [tilespmem:$0x1800]  }
0x10b: {  	v49 =	vld [tilespmem:$0x1880]  }
0x10c: {  	v50 =	vld [tilespmem:$0x1900]  }
0x10d: {  	v63 =	vadd.s32 v6, v43;
	v51 =	vld [tilespmem:$0x1980]  }
0x10e: {  	v56 =	vadd.s32 v9, v43;
	v57 =	vadd.s32 v12, v43;
	v55 =	vor.u32 v40, v63;
	v52 =	vld [tilespmem:$0x1A00]  }
0x10f: {  	[tilespmem:v46+s11+$0x0] =	vst.idx.add.f32.msk vm14, v35;
	v35 =	vor.u32 v7, v55;
	v46 =	vor.u32 v40, v56  }
0x110: {  	v53 =	vor.u32 v40, v57;
	v58 =	vadd.s32 v13, v43;
	v46 =	vor.u32 v8, v46  }
0x111: {  	v53 =	vor.u32 v11, v53;
	v54 =	vor.u32 v40, v58;
	v59 =	vadd.s32 v14, v43  }
0x112: {  	v60 =	vadd.s32 v19, v43;
	v54 =	vor.u32 v15, v54;
	v55 =	vor.u32 v40, v59  }
0x113: {  	v56 =	vor.u32 v40, v60;
	v55 =	vor.u32 v16, v55  }
0x114: {  	v61 =	vadd.s32 v21, v43;
	v62 =	vor.u32 v17, v56;
	[tilespmem:v35+s11+$0x0] =	vst.idx.add.f32.msk vm8, v36  }
0x115: {  	v63 =	vor.u32 v40, v61;
	[tilespmem:v46+s11+$0x0] =	vst.idx.add.f32.msk vm9, v37  }
0x116: {  	v36 =	vor.u32 v22, v63;
	[tilespmem:v53+s11+$0x0] =	vst.idx.add.f32.msk vm7, v38  }
0x117: {  	[tilespmem:v54+s11+$0x0] =	vst.idx.add.f32.msk vm10, v39  }
0x118: {  	[tilespmem:v55+s11+$0x0] =	vst.idx.add.f32.msk vm12, v41  }
0x119: {  	[tilespmem:v62+s11+$0x0] =	vst.idx.add.f32.msk vm13, v42;
	v42 =	vadd.s32 v18, v43  }
0x11a: {  	v46 =	vadd.s32 v24, v43;
	v53 =	vadd.s32 v25, v43;
	v35 =	vor.u32 v40, v42  }
0x11b: {  	[tilespmem:v36+s11+$0x0] =	vst.idx.add.f32.msk vm11, v44;
	v36 =	vor.u32 v40, v46;
	v35 =	vor.u32 v20, v35  }
0x11c: {  	v37 =	vor.u32 v40, v53;
	v54 =	vadd.s32 v26, v43;
	v36 =	vor.u32 v23, v36  }
0x11d: {  	v37 =	vor.u32 v27, v37;
	v38 =	vor.u32 v40, v54;
	v55 =	vadd.s32 v30, v43  }
0x11e: {  	v56 =	vadd.s32 v31, v43;
	v38 =	vor.u32 v28, v38;
	v39 =	vor.u32 v40, v55  }
0x11f: {  	v57 =	vadd.s32 v33, v43;
	v41 =	vor.u32 v40, v56;
	v39 =	vor.u32 v29, v39  }
0x120: {  	v58 =	vor.u32 v32, v41;
	v40 =	vor.u32 v40, v57;
	[tilespmem:v35+s11+$0x0] =	vst.idx.add.f32.msk vm2, v45  }
0x121: {  	v59 =	vor.u32 v34, v40;
	[tilespmem:v36+s11+$0x0] =	vst.idx.add.f32.msk vm0, v47  }
0x122: {  	[tilespmem:v37+s11+$0x0] =	vst.idx.add.f32.msk vm1, v48  }
0x123: {  	[tilespmem:v38+s11+$0x0] =	vst.idx.add.f32.msk vm3, v49  }
0x124: {  	[tilespmem:v39+s11+$0x0] =	vst.idx.add.f32.msk vm4, v50  }
0x125: {  	[tilespmem:v58+s11+$0x0] =	vst.idx.add.f32.msk vm5, v51  }
0x126: {  	[tilespmem:v59+s11+$0x0] =	vst.idx.add.f32.msk vm6, v52  }
0x127: {  	v35 =	vld [tilespmem:$0x1A80]  }
0x128: {  	v36 =	vld [tilespmem:$0x1B00]  }
0x129: {  	v37 =	vld [tilespmem:$0x1B80]  }
0x12a: {  	v38 =	vld [tilespmem:$0x1C00]  }
0x12b: {  	v60 =	vadd.s32 $0x3, v4;
	v39 =	vld [tilespmem:$0x1C80]  }
0x12c: {  	v40 =	vmin.u32 v60, $0x80;
	v41 =	vld [tilespmem:$0x1D00]  }
0x12d: {  	v61 =	vshll.u32 v40, $0x9;
	v42 =	vld [tilespmem:$0x1D80]  }
0x12e: {  	v40 =	vshll.u32 v40, $0x7;
	v43 =	vand.u32 $0x1F000, v61;
	v44 =	vld [tilespmem:$0x1E00]  }
0x12f: {  	v40 =	vand.u32 $0x380, v40;
	v62 =	vadd.s32 v10, v43;
	v45 =	vld [tilespmem:$0x1E80]  }
0x130: {  	v46 =	vor.u32 v40, v62;
	v47 =	vld [tilespmem:$0x1F00]  }
0x131: {  	v46 =	vor.u32 v5, v46;
	v48 =	vld [tilespmem:$0x1F80]  }
0x132: {  	v49 =	vld [tilespmem:$0x2000]  }
0x133: {  	v50 =	vld [tilespmem:$0x2080]  }
0x134: {  	v63 =	vadd.s32 v6, v43;
	v51 =	vld [tilespmem:$0x2100]  }
0x135: {  	v56 =	vadd.s32 v9, v43;
	v57 =	vadd.s32 v12, v43;
	v55 =	vor.u32 v40, v63;
	v52 =	vld [tilespmem:$0x2180]  }
0x136: {  	[tilespmem:v46+s11+$0x0] =	vst.idx.add.f32.msk vm14, v35;
	v35 =	vor.u32 v7, v55;
	v46 =	vor.u32 v40, v56  }
0x137: {  	v53 =	vor.u32 v40, v57;
	v58 =	vadd.s32 v13, v43;
	v46 =	vor.u32 v8, v46  }
0x138: {  	v53 =	vor.u32 v11, v53;
	v54 =	vor.u32 v40, v58;
	v59 =	vadd.s32 v14, v43  }
0x139: {  	v60 =	vadd.s32 v19, v43;
	v54 =	vor.u32 v15, v54;
	v55 =	vor.u32 v40, v59  }
0x13a: {  	v56 =	vor.u32 v40, v60;
	v55 =	vor.u32 v16, v55  }
0x13b: {  	v61 =	vadd.s32 v21, v43;
	v62 =	vor.u32 v17, v56;
	[tilespmem:v35+s11+$0x0] =	vst.idx.add.f32.msk vm8, v36  }
0x13c: {  	v63 =	vor.u32 v40, v61;
	[tilespmem:v46+s11+$0x0] =	vst.idx.add.f32.msk vm9, v37  }
0x13d: {  	v36 =	vor.u32 v22, v63;
	[tilespmem:v53+s11+$0x0] =	vst.idx.add.f32.msk vm7, v38  }
0x13e: {  	[tilespmem:v54+s11+$0x0] =	vst.idx.add.f32.msk vm10, v39  }
0x13f: {  	[tilespmem:v55+s11+$0x0] =	vst.idx.add.f32.msk vm12, v41  }
0x140: {  	[tilespmem:v62+s11+$0x0] =	vst.idx.add.f32.msk vm13, v42;
	v42 =	vadd.s32 v18, v43  }
0x141: {  	v46 =	vadd.s32 v24, v43;
	v53 =	vadd.s32 v25, v43;
	v35 =	vor.u32 v40, v42  }
0x142: {  	[tilespmem:v36+s11+$0x0] =	vst.idx.add.f32.msk vm11, v44;
	v36 =	vor.u32 v40, v46;
	v35 =	vor.u32 v20, v35  }
0x143: {  	v37 =	vor.u32 v40, v53;
	v54 =	vadd.s32 v26, v43;
	v36 =	vor.u32 v23, v36  }
0x144: {  	v37 =	vor.u32 v27, v37;
	v38 =	vor.u32 v40, v54;
	v55 =	vadd.s32 v30, v43  }
0x145: {  	v56 =	vadd.s32 v31, v43;
	v38 =	vor.u32 v28, v38;
	v39 =	vor.u32 v40, v55  }
0x146: {  	v57 =	vadd.s32 v33, v43;
	v41 =	vor.u32 v40, v56;
	v39 =	vor.u32 v29, v39  }
0x147: {  	v58 =	vor.u32 v32, v41;
	v40 =	vor.u32 v40, v57;
	[tilespmem:v35+s11+$0x0] =	vst.idx.add.f32.msk vm2, v45  }
0x148: {  	v59 =	vor.u32 v34, v40;
	[tilespmem:v36+s11+$0x0] =	vst.idx.add.f32.msk vm0, v47  }
0x149: {  	[tilespmem:v37+s11+$0x0] =	vst.idx.add.f32.msk vm1, v48  }
0x14a: {  	[tilespmem:v38+s11+$0x0] =	vst.idx.add.f32.msk vm3, v49  }
0x14b: {  	[tilespmem:v39+s11+$0x0] =	vst.idx.add.f32.msk vm4, v50  }
0x14c: {  	[tilespmem:v58+s11+$0x0] =	vst.idx.add.f32.msk vm5, v51  }
0x14d: {  	[tilespmem:v59+s11+$0x0] =	vst.idx.add.f32.msk vm6, v52  }
0x14e: {  	v35 =	vld [tilespmem:$0x2200]  }
0x14f: {  	v36 =	vld [tilespmem:$0x2280]  }
0x150: {  	v37 =	vld [tilespmem:$0x2300]  }
0x151: {  	v38 =	vld [tilespmem:$0x2380]  }
0x152: {  	v60 =	vadd.s32 $0x4, v4;
	v39 =	vld [tilespmem:$0x2400]  }
0x153: {  	v40 =	vmin.u32 v60, $0x80;
	v41 =	vld [tilespmem:$0x2480]  }
0x154: {  	v61 =	vshll.u32 v40, $0x9;
	v42 =	vld [tilespmem:$0x2500]  }
0x155: {  	v40 =	vshll.u32 v40, $0x7;
	v43 =	vand.u32 $0x1F000, v61;
	v44 =	vld [tilespmem:$0x2580]  }
0x156: {  	v40 =	vand.u32 $0x380, v40;
	v62 =	vadd.s32 v10, v43;
	v45 =	vld [tilespmem:$0x2600]  }
0x157: {  	v46 =	vor.u32 v40, v62;
	v47 =	vld [tilespmem:$0x2680]  }
0x158: {  	v46 =	vor.u32 v5, v46;
	v48 =	vld [tilespmem:$0x2700]  }
0x159: {  	v49 =	vld [tilespmem:$0x2780]  }
0x15a: {  	v50 =	vld [tilespmem:$0x2800]  }
0x15b: {  	v63 =	vadd.s32 v6, v43;
	v51 =	vld [tilespmem:$0x2880]  }
0x15c: {  	v56 =	vadd.s32 v9, v43;
	v57 =	vadd.s32 v12, v43;
	v55 =	vor.u32 v40, v63;
	v52 =	vld [tilespmem:$0x2900]  }
0x15d: {  	[tilespmem:v46+s11+$0x0] =	vst.idx.add.f32.msk vm14, v35;
	v35 =	vor.u32 v7, v55;
	v46 =	vor.u32 v40, v56  }
0x15e: {  	v53 =	vor.u32 v40, v57;
	v58 =	vadd.s32 v13, v43;
	v46 =	vor.u32 v8, v46  }
0x15f: {  	v53 =	vor.u32 v11, v53;
	v54 =	vor.u32 v40, v58;
	v59 =	vadd.s32 v14, v43  }
0x160: {  	v60 =	vadd.s32 v19, v43;
	v54 =	vor.u32 v15, v54;
	v55 =	vor.u32 v40, v59  }
0x161: {  	v56 =	vor.u32 v40, v60;
	v55 =	vor.u32 v16, v55  }
0x162: {  	v61 =	vadd.s32 v21, v43;
	v62 =	vor.u32 v17, v56;
	[tilespmem:v35+s11+$0x0] =	vst.idx.add.f32.msk vm8, v36  }
0x163: {  	v63 =	vor.u32 v40, v61;
	[tilespmem:v46+s11+$0x0] =	vst.idx.add.f32.msk vm9, v37  }
0x164: {  	v36 =	vor.u32 v22, v63;
	[tilespmem:v53+s11+$0x0] =	vst.idx.add.f32.msk vm7, v38  }
0x165: {  	[tilespmem:v54+s11+$0x0] =	vst.idx.add.f32.msk vm10, v39  }
0x166: {  	[tilespmem:v55+s11+$0x0] =	vst.idx.add.f32.msk vm12, v41  }
0x167: {  	[tilespmem:v62+s11+$0x0] =	vst.idx.add.f32.msk vm13, v42;
	v42 =	vadd.s32 v18, v43  }
0x168: {  	v46 =	vadd.s32 v24, v43;
	v53 =	vadd.s32 v25, v43;
	v35 =	vor.u32 v40, v42  }
0x169: {  	[tilespmem:v36+s11+$0x0] =	vst.idx.add.f32.msk vm11, v44;
	v36 =	vor.u32 v40, v46;
	v35 =	vor.u32 v20, v35  }
0x16a: {  	v37 =	vor.u32 v40, v53;
	v54 =	vadd.s32 v26, v43;
	v36 =	vor.u32 v23, v36  }
0x16b: {  	v37 =	vor.u32 v27, v37;
	v38 =	vor.u32 v40, v54;
	v55 =	vadd.s32 v30, v43  }
0x16c: {  	v56 =	vadd.s32 v31, v43;
	v38 =	vor.u32 v28, v38;
	v39 =	vor.u32 v40, v55  }
0x16d: {  	v57 =	vadd.s32 v33, v43;
	v41 =	vor.u32 v40, v56;
	v39 =	vor.u32 v29, v39  }
0x16e: {  	v58 =	vor.u32 v32, v41;
	v40 =	vor.u32 v40, v57;
	[tilespmem:v35+s11+$0x0] =	vst.idx.add.f32.msk vm2, v45  }
0x16f: {  	v59 =	vor.u32 v34, v40;
	[tilespmem:v36+s11+$0x0] =	vst.idx.add.f32.msk vm0, v47  }
0x170: {  	[tilespmem:v37+s11+$0x0] =	vst.idx.add.f32.msk vm1, v48  }
0x171: {  	[tilespmem:v38+s11+$0x0] =	vst.idx.add.f32.msk vm3, v49  }
0x172: {  	[tilespmem:v39+s11+$0x0] =	vst.idx.add.f32.msk vm4, v50  }
0x173: {  	[tilespmem:v58+s11+$0x0] =	vst.idx.add.f32.msk vm5, v51  }
0x174: {  	[tilespmem:v59+s11+$0x0] =	vst.idx.add.f32.msk vm6, v52  }
0x175: {  	v35 =	vld [tilespmem:$0x2980]  }
0x176: {  	v36 =	vld [tilespmem:$0x2A00]  }
0x177: {  	v37 =	vld [tilespmem:$0x2A80]  }
0x178: {  	v38 =	vld [tilespmem:$0x2B00]  }
0x179: {  	v60 =	vadd.s32 $0x5, v4;
	v39 =	vld [tilespmem:$0x2B80]  }
0x17a: {  	v40 =	vmin.u32 v60, $0x80;
	v41 =	vld [tilespmem:$0x2C00]  }
0x17b: {  	v61 =	vshll.u32 v40, $0x9;
	v42 =	vld [tilespmem:$0x2C80]  }
0x17c: {  	v40 =	vshll.u32 v40, $0x7;
	v43 =	vand.u32 $0x1F000, v61;
	v44 =	vld [tilespmem:$0x2D00]  }
0x17d: {  	v40 =	vand.u32 $0x380, v40;
	v62 =	vadd.s32 v10, v43;
	v45 =	vld [tilespmem:$0x2D80]  }
0x17e: {  	v46 =	vor.u32 v40, v62;
	v47 =	vld [tilespmem:$0x2E00]  }
0x17f: {  	v46 =	vor.u32 v5, v46;
	v48 =	vld [tilespmem:$0x2E80]  }
0x180: {  	v49 =	vld [tilespmem:$0x2F00]  }
0x181: {  	v50 =	vld [tilespmem:$0x2F80]  }
0x182: {  	v63 =	vadd.s32 v6, v43;
	v51 =	vld [tilespmem:$0x3000]  }
0x183: {  	v56 =	vadd.s32 v9, v43;
	v57 =	vadd.s32 v12, v43;
	v55 =	vor.u32 v40, v63;
	v52 =	vld [tilespmem:$0x3080]  }
0x184: {  	[tilespmem:v46+s11+$0x0] =	vst.idx.add.f32.msk vm14, v35;
	v35 =	vor.u32 v7, v55;
	v46 =	vor.u32 v40, v56  }
0x185: {  	v53 =	vor.u32 v40, v57;
	v58 =	vadd.s32 v13, v43;
	v46 =	vor.u32 v8, v46  }
0x186: {  	v53 =	vor.u32 v11, v53;
	v54 =	vor.u32 v40, v58;
	v59 =	vadd.s32 v14, v43  }
0x187: {  	v60 =	vadd.s32 v19, v43;
	v54 =	vor.u32 v15, v54;
	v55 =	vor.u32 v40, v59  }
0x188: {  	v56 =	vor.u32 v40, v60;
	v55 =	vor.u32 v16, v55  }
0x189: {  	v61 =	vadd.s32 v21, v43;
	v62 =	vor.u32 v17, v56;
	[tilespmem:v35+s11+$0x0] =	vst.idx.add.f32.msk vm8, v36  }
0x18a: {  	v63 =	vor.u32 v40, v61;
	[tilespmem:v46+s11+$0x0] =	vst.idx.add.f32.msk vm9, v37  }
0x18b: {  	v36 =	vor.u32 v22, v63;
	[tilespmem:v53+s11+$0x0] =	vst.idx.add.f32.msk vm7, v38  }
0x18c: {  	[tilespmem:v54+s11+$0x0] =	vst.idx.add.f32.msk vm10, v39  }
0x18d: {  	[tilespmem:v55+s11+$0x0] =	vst.idx.add.f32.msk vm12, v41  }
0x18e: {  	[tilespmem:v62+s11+$0x0] =	vst.idx.add.f32.msk vm13, v42;
	v42 =	vadd.s32 v18, v43  }
0x18f: {  	v46 =	vadd.s32 v24, v43;
	v53 =	vadd.s32 v25, v43;
	v35 =	vor.u32 v40, v42  }
0x190: {  	[tilespmem:v36+s11+$0x0] =	vst.idx.add.f32.msk vm11, v44;
	v36 =	vor.u32 v40, v46;
	v35 =	vor.u32 v20, v35  }
0x191: {  	v37 =	vor.u32 v40, v53;
	v54 =	vadd.s32 v26, v43;
	v36 =	vor.u32 v23, v36  }
0x192: {  	v37 =	vor.u32 v27, v37;
	v38 =	vor.u32 v40, v54;
	v55 =	vadd.s32 v30, v43  }
0x193: {  	v56 =	vadd.s32 v31, v43;
	v38 =	vor.u32 v28, v38;
	v39 =	vor.u32 v40, v55  }
0x194: {  	v57 =	vadd.s32 v33, v43;
	v41 =	vor.u32 v40, v56;
	v39 =	vor.u32 v29, v39  }
0x195: {  	v58 =	vor.u32 v32, v41;
	v40 =	vor.u32 v40, v57;
	[tilespmem:v35+s11+$0x0] =	vst.idx.add.f32.msk vm2, v45  }
0x196: {  	v59 =	vor.u32 v34, v40;
	[tilespmem:v36+s11+$0x0] =	vst.idx.add.f32.msk vm0, v47  }
0x197: {  	[tilespmem:v37+s11+$0x0] =	vst.idx.add.f32.msk vm1, v48  }
0x198: {  	[tilespmem:v38+s11+$0x0] =	vst.idx.add.f32.msk vm3, v49  }
0x199: {  	[tilespmem:v39+s11+$0x0] =	vst.idx.add.f32.msk vm4, v50  }
0x19a: {  	[tilespmem:v58+s11+$0x0] =	vst.idx.add.f32.msk vm5, v51  }
0x19b: {  	[tilespmem:v59+s11+$0x0] =	vst.idx.add.f32.msk vm6, v52  }
0x19c: {  	v35 =	vld [tilespmem:$0x3100]  }
0x19d: {  	v36 =	vld [tilespmem:$0x3180]  }
0x19e: {  	v37 =	vld [tilespmem:$0x3200]  }
0x19f: {  	v38 =	vld [tilespmem:$0x3280]  }
0x1a0: {  	v60 =	vadd.s32 $0x6, v4;
	v39 =	vld [tilespmem:$0x3300]  }
0x1a1: {  	v40 =	vmin.u32 v60, $0x80;
	v41 =	vld [tilespmem:$0x3380]  }
0x1a2: {  	v61 =	vshll.u32 v40, $0x9;
	v42 =	vld [tilespmem:$0x3400]  }
0x1a3: {  	v40 =	vshll.u32 v40, $0x7;
	v43 =	vand.u32 $0x1F000, v61;
	v44 =	vld [tilespmem:$0x3480]  }
0x1a4: {  	v40 =	vand.u32 $0x380, v40;
	v62 =	vadd.s32 v10, v43;
	v45 =	vld [tilespmem:$0x3500]  }
0x1a5: {  	v46 =	vor.u32 v40, v62;
	v47 =	vld [tilespmem:$0x3580]  }
0x1a6: {  	v46 =	vor.u32 v5, v46;
	v48 =	vld [tilespmem:$0x3600]  }
0x1a7: {  	v49 =	vld [tilespmem:$0x3680]  }
0x1a8: {  	v50 =	vld [tilespmem:$0x3700]  }
0x1a9: {  	v63 =	vadd.s32 v6, v43;
	v51 =	vld [tilespmem:$0x3780]  }
0x1aa: {  	v56 =	vadd.s32 v9, v43;
	v57 =	vadd.s32 v12, v43;
	v55 =	vor.u32 v40, v63;
	v52 =	vld [tilespmem:$0x3800]  }
0x1ab: {  	[tilespmem:v46+s11+$0x0] =	vst.idx.add.f32.msk vm14, v35;
	v35 =	vor.u32 v7, v55;
	v46 =	vor.u32 v40, v56  }
0x1ac: {  	v53 =	vor.u32 v40, v57;
	v58 =	vadd.s32 v13, v43;
	v46 =	vor.u32 v8, v46  }
0x1ad: {  	v53 =	vor.u32 v11, v53;
	v54 =	vor.u32 v40, v58;
	v59 =	vadd.s32 v14, v43  }
0x1ae: {  	v60 =	vadd.s32 v19, v43;
	v54 =	vor.u32 v15, v54;
	v55 =	vor.u32 v40, v59  }
0x1af: {  	v56 =	vor.u32 v40, v60;
	v55 =	vor.u32 v16, v55  }
0x1b0: {  	v61 =	vadd.s32 v21, v43;
	v62 =	vor.u32 v17, v56;
	[tilespmem:v35+s11+$0x0] =	vst.idx.add.f32.msk vm8, v36  }
0x1b1: {  	v63 =	vor.u32 v40, v61;
	[tilespmem:v46+s11+$0x0] =	vst.idx.add.f32.msk vm9, v37  }
0x1b2: {  	v36 =	vor.u32 v22, v63;
	[tilespmem:v53+s11+$0x0] =	vst.idx.add.f32.msk vm7, v38  }
0x1b3: {  	[tilespmem:v54+s11+$0x0] =	vst.idx.add.f32.msk vm10, v39  }
0x1b4: {  	[tilespmem:v55+s11+$0x0] =	vst.idx.add.f32.msk vm12, v41  }
0x1b5: {  	[tilespmem:v62+s11+$0x0] =	vst.idx.add.f32.msk vm13, v42;
	v42 =	vadd.s32 v18, v43  }
0x1b6: {  	v46 =	vadd.s32 v24, v43;
	v53 =	vadd.s32 v25, v43;
	v35 =	vor.u32 v40, v42  }
0x1b7: {  	[tilespmem:v36+s11+$0x0] =	vst.idx.add.f32.msk vm11, v44;
	v36 =	vor.u32 v40, v46;
	v35 =	vor.u32 v20, v35  }
0x1b8: {  	v37 =	vor.u32 v40, v53;
	v54 =	vadd.s32 v26, v43;
	v36 =	vor.u32 v23, v36  }
0x1b9: {  	v37 =	vor.u32 v27, v37;
	v38 =	vor.u32 v40, v54;
	v55 =	vadd.s32 v30, v43  }
0x1ba: {  	v56 =	vadd.s32 v31, v43;
	v38 =	vor.u32 v28, v38;
	v39 =	vor.u32 v40, v55  }
0x1bb: {  	v57 =	vadd.s32 v33, v43;
	v41 =	vor.u32 v40, v56;
	v39 =	vor.u32 v29, v39  }
0x1bc: {  	v58 =	vor.u32 v32, v41;
	v40 =	vor.u32 v40, v57;
	[tilespmem:v35+s11+$0x0] =	vst.idx.add.f32.msk vm2, v45  }
0x1bd: {  	v59 =	vor.u32 v34, v40;
	[tilespmem:v36+s11+$0x0] =	vst.idx.add.f32.msk vm0, v47  }
0x1be: {  	[tilespmem:v37+s11+$0x0] =	vst.idx.add.f32.msk vm1, v48  }
0x1bf: {  	[tilespmem:v38+s11+$0x0] =	vst.idx.add.f32.msk vm3, v49  }
0x1c0: {  	[tilespmem:v39+s11+$0x0] =	vst.idx.add.f32.msk vm4, v50  }
0x1c1: {  	[tilespmem:v58+s11+$0x0] =	vst.idx.add.f32.msk vm5, v51  }
0x1c2: {  	[tilespmem:v59+s11+$0x0] =	vst.idx.add.f32.msk vm6, v52  }
0x1c3: {  	v35 =	vld [tilespmem:$0x3880]  }
0x1c4: {  	v36 =	vld [tilespmem:$0x3900]  }
0x1c5: {  	v37 =	vld [tilespmem:$0x3980]  }
0x1c6: {  	v38 =	vld [tilespmem:$0x3A00]  }
0x1c7: {  	v60 =	vadd.s32 $0x7, v4;
	v39 =	vld [tilespmem:$0x3A80]  }
0x1c8: {  	v40 =	vmin.u32 v60, $0x80;
	v41 =	vld [tilespmem:$0x3B00]  }
0x1c9: {  	v61 =	vshll.u32 v40, $0x9;
	v42 =	vld [tilespmem:$0x3B80]  }
0x1ca: {  	v40 =	vshll.u32 v40, $0x7;
	v43 =	vand.u32 $0x1F000, v61;
	v44 =	vld [tilespmem:$0x3C00]  }
0x1cb: {  	v40 =	vand.u32 $0x380, v40;
	v62 =	vadd.s32 v10, v43;
	v45 =	vld [tilespmem:$0x3C80]  }
0x1cc: {  	v46 =	vor.u32 v40, v62;
	v47 =	vld [tilespmem:$0x3D00]  }
0x1cd: {  	v46 =	vor.u32 v5, v46;
	v48 =	vld [tilespmem:$0x3D80]  }
0x1ce: {  	v49 =	vld [tilespmem:$0x3E00]  }
0x1cf: {  	v50 =	vld [tilespmem:$0x3E80]  }
0x1d0: {  	v63 =	vadd.s32 v6, v43;
	v51 =	vld [tilespmem:$0x3F00]  }
0x1d1: {  	v56 =	vadd.s32 v9, v43;
	v57 =	vadd.s32 v12, v43;
	v55 =	vor.u32 v40, v63;
	v52 =	vld [tilespmem:$0x3F80]  }
0x1d2: {  	[tilespmem:v46+s11+$0x0] =	vst.idx.add.f32.msk vm14, v35;
	v35 =	vor.u32 v7, v55;
	v46 =	vor.u32 v40, v56  }
0x1d3: {  	v53 =	vor.u32 v40, v57;
	v58 =	vadd.s32 v13, v43;
	v46 =	vor.u32 v8, v46  }
0x1d4: {  	v53 =	vor.u32 v11, v53;
	v54 =	vor.u32 v40, v58;
	v59 =	vadd.s32 v14, v43  }
0x1d5: {  	v60 =	vadd.s32 v19, v43;
	v54 =	vor.u32 v15, v54;
	v55 =	vor.u32 v40, v59  }
0x1d6: {  	v56 =	vor.u32 v40, v60;
	v55 =	vor.u32 v16, v55  }
0x1d7: {  	v61 =	vadd.s32 v21, v43;
	v62 =	vor.u32 v17, v56;
	[tilespmem:v35+s11+$0x0] =	vst.idx.add.f32.msk vm8, v36  }
0x1d8: {  	v63 =	vor.u32 v40, v61;
	[tilespmem:v46+s11+$0x0] =	vst.idx.add.f32.msk vm9, v37  }
0x1d9: {  	v36 =	vor.u32 v22, v63;
	[tilespmem:v53+s11+$0x0] =	vst.idx.add.f32.msk vm7, v38  }
0x1da: {  	[tilespmem:v54+s11+$0x0] =	vst.idx.add.f32.msk vm10, v39  }
0x1db: {  	[tilespmem:v55+s11+$0x0] =	vst.idx.add.f32.msk vm12, v41  }
0x1dc: {  	[tilespmem:v62+s11+$0x0] =	vst.idx.add.f32.msk vm13, v42;
	v42 =	vadd.s32 v18, v43  }
0x1dd: {  	v46 =	vadd.s32 v24, v43;
	v53 =	vadd.s32 v25, v43;
	v35 =	vor.u32 v40, v42  }
0x1de: {  	[tilespmem:v36+s11+$0x0] =	vst.idx.add.f32.msk vm11, v44;
	v36 =	vor.u32 v40, v46;
	v35 =	vor.u32 v20, v35  }
0x1df: {  	v37 =	vor.u32 v40, v53;
	v54 =	vadd.s32 v26, v43;
	v36 =	vor.u32 v23, v36  }
0x1e0: {  	v37 =	vor.u32 v27, v37;
	v38 =	vor.u32 v40, v54;
	v55 =	vadd.s32 v30, v43  }
0x1e1: {  	v56 =	vadd.s32 v31, v43;
	v38 =	vor.u32 v28, v38;
	v39 =	vor.u32 v40, v55  }
0x1e2: {  	v57 =	vadd.s32 v33, v43;
	v41 =	vor.u32 v40, v56;
	v39 =	vor.u32 v29, v39  }
0x1e3: {  	v58 =	vor.u32 v32, v41;
	v40 =	vor.u32 v40, v57;
	[tilespmem:v35+s11+$0x0] =	vst.idx.add.f32.msk vm2, v45  }
0x1e4: {  	v59 =	vor.u32 v34, v40;
	[tilespmem:v36+s11+$0x0] =	vst.idx.add.f32.msk vm0, v47  }
0x1e5: {  	[tilespmem:v37+s11+$0x0] =	vst.idx.add.f32.msk vm1, v48  }
0x1e6: {  	[tilespmem:v38+s11+$0x0] =	vst.idx.add.f32.msk vm3, v49  }
0x1e7: {  	[tilespmem:v39+s11+$0x0] =	vst.idx.add.f32.msk vm4, v50  }
0x1e8: {  	[tilespmem:v58+s11+$0x0] =	vst.idx.add.f32.msk vm5, v51  }
0x1e9: {  	[tilespmem:v59+s11+$0x0] =	vst.idx.add.f32.msk vm6, v52  }
0x1ea: {  	v35 =	vld [tilespmem:$0x4000]  }
0x1eb: {  	v36 =	vld [tilespmem:$0x4080]  }
0x1ec: {  	v37 =	vld [tilespmem:$0x4100]  }
0x1ed: {  	v38 =	vld [tilespmem:$0x4180]  }
0x1ee: {  	v60 =	vadd.s32 $0x8, v4;
	v39 =	vld [tilespmem:$0x4200]  }
0x1ef: {  	v40 =	vmin.u32 v60, $0x80;
	v41 =	vld [tilespmem:$0x4280]  }
0x1f0: {  	v61 =	vshll.u32 v40, $0x9;
	v42 =	vld [tilespmem:$0x4300]  }
0x1f1: {  	v40 =	vshll.u32 v40, $0x7;
	v43 =	vand.u32 $0x1F000, v61;
	v44 =	vld [tilespmem:$0x4380]  }
0x1f2: {  	v40 =	vand.u32 $0x380, v40;
	v62 =	vadd.s32 v10, v43;
	v45 =	vld [tilespmem:$0x4400]  }
0x1f3: {  	v46 =	vor.u32 v40, v62;
	v47 =	vld [tilespmem:$0x4480]  }
0x1f4: {  	v46 =	vor.u32 v5, v46;
	v48 =	vld [tilespmem:$0x4500]  }
0x1f5: {  	v49 =	vld [tilespmem:$0x4580]  }
0x1f6: {  	v50 =	vld [tilespmem:$0x4600]  }
0x1f7: {  	v63 =	vadd.s32 v6, v43;
	v51 =	vld [tilespmem:$0x4680]  }
0x1f8: {  	v56 =	vadd.s32 v9, v43;
	v57 =	vadd.s32 v12, v43;
	v55 =	vor.u32 v40, v63;
	v52 =	vld [tilespmem:$0x4700]  }
0x1f9: {  	[tilespmem:v46+s11+$0x0] =	vst.idx.add.f32.msk vm14, v35;
	v35 =	vor.u32 v7, v55;
	v46 =	vor.u32 v40, v56  }
0x1fa: {  	v53 =	vor.u32 v40, v57;
	v58 =	vadd.s32 v13, v43;
	v46 =	vor.u32 v8, v46  }
0x1fb: {  	v53 =	vor.u32 v11, v53;
	v54 =	vor.u32 v40, v58;
	v59 =	vadd.s32 v14, v43  }
0x1fc: {  	v60 =	vadd.s32 v19, v43;
	v54 =	vor.u32 v15, v54;
	v55 =	vor.u32 v40, v59  }
0x1fd: {  	v56 =	vor.u32 v40, v60;
	v55 =	vor.u32 v16, v55  }
0x1fe: {  	v61 =	vadd.s32 v21, v43;
	v62 =	vor.u32 v17, v56;
	[tilespmem:v35+s11+$0x0] =	vst.idx.add.f32.msk vm8, v36  }
0x1ff: {  	v63 =	vor.u32 v40, v61;
	[tilespmem:v46+s11+$0x0] =	vst.idx.add.f32.msk vm9, v37  }
0x200: {  	v36 =	vor.u32 v22, v63;
	[tilespmem:v53+s11+$0x0] =	vst.idx.add.f32.msk vm7, v38  }
0x201: {  	[tilespmem:v54+s11+$0x0] =	vst.idx.add.f32.msk vm10, v39  }
0x202: {  	[tilespmem:v55+s11+$0x0] =	vst.idx.add.f32.msk vm12, v41  }
0x203: {  	[tilespmem:v62+s11+$0x0] =	vst.idx.add.f32.msk vm13, v42;
	v42 =	vadd.s32 v18, v43  }
0x204: {  	v46 =	vadd.s32 v24, v43;
	v53 =	vadd.s32 v25, v43;
	v35 =	vor.u32 v40, v42  }
0x205: {  	[tilespmem:v36+s11+$0x0] =	vst.idx.add.f32.msk vm11, v44;
	v36 =	vor.u32 v40, v46;
	v35 =	vor.u32 v20, v35  }
0x206: {  	v37 =	vor.u32 v40, v53;
	v54 =	vadd.s32 v26, v43;
	v36 =	vor.u32 v23, v36  }
0x207: {  	v37 =	vor.u32 v27, v37;
	v38 =	vor.u32 v40, v54;
	v55 =	vadd.s32 v30, v43  }
0x208: {  	v56 =	vadd.s32 v31, v43;
	v38 =	vor.u32 v28, v38;
	v39 =	vor.u32 v40, v55  }
0x209: {  	v57 =	vadd.s32 v33, v43;
	v41 =	vor.u32 v40, v56;
	v39 =	vor.u32 v29, v39  }
0x20a: {  	v58 =	vor.u32 v32, v41;
	v40 =	vor.u32 v40, v57;
	[tilespmem:v35+s11+$0x0] =	vst.idx.add.f32.msk vm2, v45  }
0x20b: {  	v59 =	vor.u32 v34, v40;
	[tilespmem:v36+s11+$0x0] =	vst.idx.add.f32.msk vm0, v47  }
0x20c: {  	[tilespmem:v37+s11+$0x0] =	vst.idx.add.f32.msk vm1, v48  }
0x20d: {  	[tilespmem:v38+s11+$0x0] =	vst.idx.add.f32.msk vm3, v49  }
0x20e: {  	[tilespmem:v39+s11+$0x0] =	vst.idx.add.f32.msk vm4, v50  }
0x20f: {  	[tilespmem:v58+s11+$0x0] =	vst.idx.add.f32.msk vm5, v51  }
0x210: {  	[tilespmem:v59+s11+$0x0] =	vst.idx.add.f32.msk vm6, v52  }
0x211: {  	v35 =	vld [tilespmem:$0x4780]  }
0x212: {  	v36 =	vld [tilespmem:$0x4800]  }
0x213: {  	v37 =	vld [tilespmem:$0x4880]  }
0x214: {  	v38 =	vld [tilespmem:$0x4900]  }
0x215: {  	v60 =	vadd.s32 $0x9, v4;
	v39 =	vld [tilespmem:$0x4980]  }
0x216: {  	v40 =	vmin.u32 v60, $0x80;
	v41 =	vld [tilespmem:$0x4A00]  }
0x217: {  	v61 =	vshll.u32 v40, $0x9;
	v42 =	vld [tilespmem:$0x4A80]  }
0x218: {  	v40 =	vshll.u32 v40, $0x7;
	v43 =	vand.u32 $0x1F000, v61;
	v44 =	vld [tilespmem:$0x4B00]  }
0x219: {  	v40 =	vand.u32 $0x380, v40;
	v62 =	vadd.s32 v10, v43;
	v45 =	vld [tilespmem:$0x4B80]  }
0x21a: {  	v46 =	vor.u32 v40, v62;
	v47 =	vld [tilespmem:$0x4C00]  }
0x21b: {  	v46 =	vor.u32 v5, v46;
	v48 =	vld [tilespmem:$0x4C80]  }
0x21c: {  	v49 =	vld [tilespmem:$0x4D00]  }
0x21d: {  	v50 =	vld [tilespmem:$0x4D80]  }
0x21e: {  	v63 =	vadd.s32 v6, v43;
	v51 =	vld [tilespmem:$0x4E00]  }
0x21f: {  	v56 =	vadd.s32 v9, v43;
	v57 =	vadd.s32 v12, v43;
	v55 =	vor.u32 v40, v63;
	v52 =	vld [tilespmem:$0x4E80]  }
0x220: {  	[tilespmem:v46+s11+$0x0] =	vst.idx.add.f32.msk vm14, v35;
	v35 =	vor.u32 v7, v55;
	v46 =	vor.u32 v40, v56  }
0x221: {  	v53 =	vor.u32 v40, v57;
	v58 =	vadd.s32 v13, v43;
	v46 =	vor.u32 v8, v46  }
0x222: {  	v53 =	vor.u32 v11, v53;
	v54 =	vor.u32 v40, v58;
	v59 =	vadd.s32 v14, v43  }
0x223: {  	v60 =	vadd.s32 v19, v43;
	v54 =	vor.u32 v15, v54;
	v55 =	vor.u32 v40, v59  }
0x224: {  	v56 =	vor.u32 v40, v60;
	v55 =	vor.u32 v16, v55  }
0x225: {  	v61 =	vadd.s32 v21, v43;
	v62 =	vor.u32 v17, v56;
	[tilespmem:v35+s11+$0x0] =	vst.idx.add.f32.msk vm8, v36  }
0x226: {  	v63 =	vor.u32 v40, v61;
	[tilespmem:v46+s11+$0x0] =	vst.idx.add.f32.msk vm9, v37  }
0x227: {  	v36 =	vor.u32 v22, v63;
	[tilespmem:v53+s11+$0x0] =	vst.idx.add.f32.msk vm7, v38  }
0x228: {  	[tilespmem:v54+s11+$0x0] =	vst.idx.add.f32.msk vm10, v39  }
0x229: {  	[tilespmem:v55+s11+$0x0] =	vst.idx.add.f32.msk vm12, v41  }
0x22a: {  	[tilespmem:v62+s11+$0x0] =	vst.idx.add.f32.msk vm13, v42;
	v42 =	vadd.s32 v18, v43  }
0x22b: {  	v46 =	vadd.s32 v24, v43;
	v53 =	vadd.s32 v25, v43;
	v35 =	vor.u32 v40, v42  }
0x22c: {  	[tilespmem:v36+s11+$0x0] =	vst.idx.add.f32.msk vm11, v44;
	v36 =	vor.u32 v40, v46;
	v35 =	vor.u32 v20, v35  }
0x22d: {  	v37 =	vor.u32 v40, v53;
	v54 =	vadd.s32 v26, v43;
	v36 =	vor.u32 v23, v36  }
0x22e: {  	v37 =	vor.u32 v27, v37;
	v38 =	vor.u32 v40, v54;
	v55 =	vadd.s32 v30, v43  }
0x22f: {  	v56 =	vadd.s32 v31, v43;
	v38 =	vor.u32 v28, v38;
	v39 =	vor.u32 v40, v55  }
0x230: {  	v57 =	vadd.s32 v33, v43;
	v41 =	vor.u32 v40, v56;
	v39 =	vor.u32 v29, v39  }
0x231: {  	v58 =	vor.u32 v32, v41;
	v40 =	vor.u32 v40, v57;
	[tilespmem:v35+s11+$0x0] =	vst.idx.add.f32.msk vm2, v45  }
0x232: {  	v59 =	vor.u32 v34, v40;
	[tilespmem:v36+s11+$0x0] =	vst.idx.add.f32.msk vm0, v47  }
0x233: {  	[tilespmem:v37+s11+$0x0] =	vst.idx.add.f32.msk vm1, v48  }
0x234: {  	[tilespmem:v38+s11+$0x0] =	vst.idx.add.f32.msk vm3, v49  }
0x235: {  	[tilespmem:v39+s11+$0x0] =	vst.idx.add.f32.msk vm4, v50  }
0x236: {  	[tilespmem:v58+s11+$0x0] =	vst.idx.add.f32.msk vm5, v51  }
0x237: {  	[tilespmem:v59+s11+$0x0] =	vst.idx.add.f32.msk vm6, v52  }
0x238: {  	v35 =	vld [tilespmem:$0x4F00]  }
0x239: {  	v36 =	vld [tilespmem:$0x4F80]  }
0x23a: {  	v37 =	vld [tilespmem:$0x5000]  }
0x23b: {  	v38 =	vld [tilespmem:$0x5080]  }
0x23c: {  	v60 =	vadd.s32 $0xA, v4;
	v39 =	vld [tilespmem:$0x5100]  }
0x23d: {  	v40 =	vmin.u32 v60, $0x80;
	v41 =	vld [tilespmem:$0x5180]  }
0x23e: {  	v61 =	vshll.u32 v40, $0x9;
	v42 =	vld [tilespmem:$0x5200]  }
0x23f: {  	v40 =	vshll.u32 v40, $0x7;
	v43 =	vand.u32 $0x1F000, v61;
	v44 =	vld [tilespmem:$0x5280]  }
0x240: {  	v40 =	vand.u32 $0x380, v40;
	v62 =	vadd.s32 v10, v43;
	v45 =	vld [tilespmem:$0x5300]  }
0x241: {  	v46 =	vor.u32 v40, v62;
	v47 =	vld [tilespmem:$0x5380]  }
0x242: {  	v46 =	vor.u32 v5, v46;
	v48 =	vld [tilespmem:$0x5400]  }
0x243: {  	v49 =	vld [tilespmem:$0x5480]  }
0x244: {  	v50 =	vld [tilespmem:$0x5500]  }
0x245: {  	v63 =	vadd.s32 v6, v43;
	v51 =	vld [tilespmem:$0x5580]  }
0x246: {  	v56 =	vadd.s32 v9, v43;
	v57 =	vadd.s32 v12, v43;
	v55 =	vor.u32 v40, v63;
	v52 =	vld [tilespmem:$0x5600]  }
0x247: {  	[tilespmem:v46+s11+$0x0] =	vst.idx.add.f32.msk vm14, v35;
	v35 =	vor.u32 v7, v55;
	v46 =	vor.u32 v40, v56  }
0x248: {  	v53 =	vor.u32 v40, v57;
	v58 =	vadd.s32 v13, v43;
	v46 =	vor.u32 v8, v46  }
0x249: {  	v53 =	vor.u32 v11, v53;
	v54 =	vor.u32 v40, v58;
	v59 =	vadd.s32 v14, v43  }
0x24a: {  	v60 =	vadd.s32 v19, v43;
	v54 =	vor.u32 v15, v54;
	v55 =	vor.u32 v40, v59  }
0x24b: {  	v56 =	vor.u32 v40, v60;
	v55 =	vor.u32 v16, v55  }
0x24c: {  	v61 =	vadd.s32 v21, v43;
	v62 =	vor.u32 v17, v56;
	[tilespmem:v35+s11+$0x0] =	vst.idx.add.f32.msk vm8, v36  }
0x24d: {  	v63 =	vor.u32 v40, v61;
	[tilespmem:v46+s11+$0x0] =	vst.idx.add.f32.msk vm9, v37  }
0x24e: {  	v36 =	vor.u32 v22, v63;
	[tilespmem:v53+s11+$0x0] =	vst.idx.add.f32.msk vm7, v38  }
0x24f: {  	[tilespmem:v54+s11+$0x0] =	vst.idx.add.f32.msk vm10, v39  }
0x250: {  	[tilespmem:v55+s11+$0x0] =	vst.idx.add.f32.msk vm12, v41  }
0x251: {  	[tilespmem:v62+s11+$0x0] =	vst.idx.add.f32.msk vm13, v42;
	v42 =	vadd.s32 v18, v43  }
0x252: {  	v46 =	vadd.s32 v24, v43;
	v53 =	vadd.s32 v25, v43;
	v35 =	vor.u32 v40, v42  }
0x253: {  	[tilespmem:v36+s11+$0x0] =	vst.idx.add.f32.msk vm11, v44;
	v36 =	vor.u32 v40, v46;
	v35 =	vor.u32 v20, v35  }
0x254: {  	v37 =	vor.u32 v40, v53;
	v54 =	vadd.s32 v26, v43;
	v36 =	vor.u32 v23, v36  }
0x255: {  	v37 =	vor.u32 v27, v37;
	v38 =	vor.u32 v40, v54;
	v55 =	vadd.s32 v30, v43  }
0x256: {  	v56 =	vadd.s32 v31, v43;
	v38 =	vor.u32 v28, v38;
	v39 =	vor.u32 v40, v55  }
0x257: {  	v57 =	vadd.s32 v33, v43;
	v41 =	vor.u32 v40, v56;
	v39 =	vor.u32 v29, v39  }
0x258: {  	v58 =	vor.u32 v32, v41;
	v40 =	vor.u32 v40, v57;
	[tilespmem:v35+s11+$0x0] =	vst.idx.add.f32.msk vm2, v45  }
0x259: {  	v59 =	vor.u32 v34, v40;
	[tilespmem:v36+s11+$0x0] =	vst.idx.add.f32.msk vm0, v47  }
0x25a: {  	[tilespmem:v37+s11+$0x0] =	vst.idx.add.f32.msk vm1, v48  }
0x25b: {  	[tilespmem:v38+s11+$0x0] =	vst.idx.add.f32.msk vm3, v49  }
0x25c: {  	[tilespmem:v39+s11+$0x0] =	vst.idx.add.f32.msk vm4, v50  }
0x25d: {  	[tilespmem:v58+s11+$0x0] =	vst.idx.add.f32.msk vm5, v51  }
0x25e: {  	[tilespmem:v59+s11+$0x0] =	vst.idx.add.f32.msk vm6, v52  }
0x25f: {  	v35 =	vld [tilespmem:$0x5680]  }
0x260: {  	v36 =	vld [tilespmem:$0x5700]  }
0x261: {  	v37 =	vld [tilespmem:$0x5780]  }
0x262: {  	v38 =	vld [tilespmem:$0x5800]  }
0x263: {  	v60 =	vadd.s32 $0xB, v4;
	v39 =	vld [tilespmem:$0x5880]  }
0x264: {  	v40 =	vmin.u32 v60, $0x80;
	v41 =	vld [tilespmem:$0x5900]  }
0x265: {  	v61 =	vshll.u32 v40, $0x9;
	v42 =	vld [tilespmem:$0x5980]  }
0x266: {  	v40 =	vshll.u32 v40, $0x7;
	v43 =	vand.u32 $0x1F000, v61;
	v44 =	vld [tilespmem:$0x5A00]  }
0x267: {  	v40 =	vand.u32 $0x380, v40;
	v62 =	vadd.s32 v10, v43;
	v45 =	vld [tilespmem:$0x5A80]  }
0x268: {  	v46 =	vor.u32 v40, v62;
	v47 =	vld [tilespmem:$0x5B00]  }
0x269: {  	v46 =	vor.u32 v5, v46;
	v48 =	vld [tilespmem:$0x5B80]  }
0x26a: {  	v49 =	vld [tilespmem:$0x5C00]  }
0x26b: {  	v50 =	vld [tilespmem:$0x5C80]  }
0x26c: {  	v63 =	vadd.s32 v6, v43;
	v51 =	vld [tilespmem:$0x5D00]  }
0x26d: {  	v56 =	vadd.s32 v9, v43;
	v57 =	vadd.s32 v12, v43;
	v55 =	vor.u32 v40, v63;
	v52 =	vld [tilespmem:$0x5D80]  }
0x26e: {  	[tilespmem:v46+s11+$0x0] =	vst.idx.add.f32.msk vm14, v35;
	v35 =	vor.u32 v7, v55;
	v46 =	vor.u32 v40, v56  }
0x26f: {  	v53 =	vor.u32 v40, v57;
	v58 =	vadd.s32 v13, v43;
	v46 =	vor.u32 v8, v46  }
0x270: {  	v53 =	vor.u32 v11, v53;
	v54 =	vor.u32 v40, v58;
	v59 =	vadd.s32 v14, v43  }
0x271: {  	v60 =	vadd.s32 v19, v43;
	v54 =	vor.u32 v15, v54;
	v55 =	vor.u32 v40, v59  }
0x272: {  	v56 =	vor.u32 v40, v60;
	v55 =	vor.u32 v16, v55  }
0x273: {  	v61 =	vadd.s32 v21, v43;
	v62 =	vor.u32 v17, v56;
	[tilespmem:v35+s11+$0x0] =	vst.idx.add.f32.msk vm8, v36  }
0x274: {  	v63 =	vor.u32 v40, v61;
	[tilespmem:v46+s11+$0x0] =	vst.idx.add.f32.msk vm9, v37  }
0x275: {  	v36 =	vor.u32 v22, v63;
	[tilespmem:v53+s11+$0x0] =	vst.idx.add.f32.msk vm7, v38  }
0x276: {  	[tilespmem:v54+s11+$0x0] =	vst.idx.add.f32.msk vm10, v39  }
0x277: {  	[tilespmem:v55+s11+$0x0] =	vst.idx.add.f32.msk vm12, v41  }
0x278: {  	[tilespmem:v62+s11+$0x0] =	vst.idx.add.f32.msk vm13, v42;
	v42 =	vadd.s32 v18, v43  }
0x279: {  	v46 =	vadd.s32 v24, v43;
	v53 =	vadd.s32 v25, v43;
	v35 =	vor.u32 v40, v42  }
0x27a: {  	[tilespmem:v36+s11+$0x0] =	vst.idx.add.f32.msk vm11, v44;
	v36 =	vor.u32 v40, v46;
	v35 =	vor.u32 v20, v35  }
0x27b: {  	v37 =	vor.u32 v40, v53;
	v54 =	vadd.s32 v26, v43;
	v36 =	vor.u32 v23, v36  }
0x27c: {  	v37 =	vor.u32 v27, v37;
	v38 =	vor.u32 v40, v54;
	v55 =	vadd.s32 v30, v43  }
0x27d: {  	v56 =	vadd.s32 v31, v43;
	v38 =	vor.u32 v28, v38;
	v39 =	vor.u32 v40, v55  }
0x27e: {  	v57 =	vadd.s32 v33, v43;
	v41 =	vor.u32 v40, v56;
	v39 =	vor.u32 v29, v39  }
0x27f: {  	v58 =	vor.u32 v32, v41;
	v40 =	vor.u32 v40, v57;
	[tilespmem:v35+s11+$0x0] =	vst.idx.add.f32.msk vm2, v45  }
0x280: {  	v59 =	vor.u32 v34, v40;
	[tilespmem:v36+s11+$0x0] =	vst.idx.add.f32.msk vm0, v47  }
0x281: {  	[tilespmem:v37+s11+$0x0] =	vst.idx.add.f32.msk vm1, v48  }
0x282: {  	[tilespmem:v38+s11+$0x0] =	vst.idx.add.f32.msk vm3, v49  }
0x283: {  	[tilespmem:v39+s11+$0x0] =	vst.idx.add.f32.msk vm4, v50  }
0x284: {  	[tilespmem:v58+s11+$0x0] =	vst.idx.add.f32.msk vm5, v51  }
0x285: {  	[tilespmem:v59+s11+$0x0] =	vst.idx.add.f32.msk vm6, v52  }
0x286: {  	v35 =	vld [tilespmem:$0x5E00]  }
0x287: {  	v36 =	vld [tilespmem:$0x5E80]  }
0x288: {  	v37 =	vld [tilespmem:$0x5F00]  }
0x289: {  	v38 =	vld [tilespmem:$0x5F80]  }
0x28a: {  	v60 =	vadd.s32 $0xC, v4;
	v39 =	vld [tilespmem:$0x6000]  }
0x28b: {  	v40 =	vmin.u32 v60, $0x80;
	v41 =	vld [tilespmem:$0x6080]  }
0x28c: {  	v61 =	vshll.u32 v40, $0x9;
	v42 =	vld [tilespmem:$0x6100]  }
0x28d: {  	v40 =	vshll.u32 v40, $0x7;
	v43 =	vand.u32 $0x1F000, v61;
	v44 =	vld [tilespmem:$0x6180]  }
0x28e: {  	v40 =	vand.u32 $0x380, v40;
	v62 =	vadd.s32 v10, v43;
	v45 =	vld [tilespmem:$0x6200]  }
0x28f: {  	v46 =	vor.u32 v40, v62;
	v47 =	vld [tilespmem:$0x6280]  }
0x290: {  	v46 =	vor.u32 v5, v46;
	v48 =	vld [tilespmem:$0x6300]  }
0x291: {  	v49 =	vld [tilespmem:$0x6380]  }
0x292: {  	v50 =	vld [tilespmem:$0x6400]  }
0x293: {  	v63 =	vadd.s32 v6, v43;
	v51 =	vld [tilespmem:$0x6480]  }
0x294: {  	v56 =	vadd.s32 v9, v43;
	v57 =	vadd.s32 v12, v43;
	v55 =	vor.u32 v40, v63;
	v52 =	vld [tilespmem:$0x6500]  }
0x295: {  	[tilespmem:v46+s11+$0x0] =	vst.idx.add.f32.msk vm14, v35;
	v35 =	vor.u32 v7, v55;
	v46 =	vor.u32 v40, v56  }
0x296: {  	v53 =	vor.u32 v40, v57;
	v58 =	vadd.s32 v13, v43;
	v46 =	vor.u32 v8, v46  }
0x297: {  	v53 =	vor.u32 v11, v53;
	v54 =	vor.u32 v40, v58;
	v59 =	vadd.s32 v14, v43  }
0x298: {  	v60 =	vadd.s32 v19, v43;
	v54 =	vor.u32 v15, v54;
	v55 =	vor.u32 v40, v59  }
0x299: {  	v56 =	vor.u32 v40, v60;
	v55 =	vor.u32 v16, v55  }
0x29a: {  	v61 =	vadd.s32 v21, v43;
	v62 =	vor.u32 v17, v56;
	[tilespmem:v35+s11+$0x0] =	vst.idx.add.f32.msk vm8, v36  }
0x29b: {  	v63 =	vor.u32 v40, v61;
	[tilespmem:v46+s11+$0x0] =	vst.idx.add.f32.msk vm9, v37  }
0x29c: {  	v36 =	vor.u32 v22, v63;
	[tilespmem:v53+s11+$0x0] =	vst.idx.add.f32.msk vm7, v38  }
0x29d: {  	[tilespmem:v54+s11+$0x0] =	vst.idx.add.f32.msk vm10, v39  }
0x29e: {  	[tilespmem:v55+s11+$0x0] =	vst.idx.add.f32.msk vm12, v41  }
0x29f: {  	[tilespmem:v62+s11+$0x0] =	vst.idx.add.f32.msk vm13, v42;
	v42 =	vadd.s32 v18, v43  }
0x2a0: {  	v46 =	vadd.s32 v24, v43;
	v53 =	vadd.s32 v25, v43;
	v35 =	vor.u32 v40, v42  }
0x2a1: {  	[tilespmem:v36+s11+$0x0] =	vst.idx.add.f32.msk vm11, v44;
	v36 =	vor.u32 v40, v46;
	v35 =	vor.u32 v20, v35  }
0x2a2: {  	v37 =	vor.u32 v40, v53;
	v54 =	vadd.s32 v26, v43;
	v36 =	vor.u32 v23, v36  }
0x2a3: {  	v37 =	vor.u32 v27, v37;
	v38 =	vor.u32 v40, v54;
	v55 =	vadd.s32 v30, v43  }
0x2a4: {  	v56 =	vadd.s32 v31, v43;
	v38 =	vor.u32 v28, v38;
	v39 =	vor.u32 v40, v55  }
0x2a5: {  	v57 =	vadd.s32 v33, v43;
	v41 =	vor.u32 v40, v56;
	v39 =	vor.u32 v29, v39  }
0x2a6: {  	v58 =	vor.u32 v32, v41;
	v40 =	vor.u32 v40, v57;
	[tilespmem:v35+s11+$0x0] =	vst.idx.add.f32.msk vm2, v45  }
0x2a7: {  	v59 =	vor.u32 v34, v40;
	[tilespmem:v36+s11+$0x0] =	vst.idx.add.f32.msk vm0, v47  }
0x2a8: {  	[tilespmem:v37+s11+$0x0] =	vst.idx.add.f32.msk vm1, v48  }
0x2a9: {  	[tilespmem:v38+s11+$0x0] =	vst.idx.add.f32.msk vm3, v49  }
0x2aa: {  	[tilespmem:v39+s11+$0x0] =	vst.idx.add.f32.msk vm4, v50  }
0x2ab: {  	[tilespmem:v58+s11+$0x0] =	vst.idx.add.f32.msk vm5, v51  }
0x2ac: {  	[tilespmem:v59+s11+$0x0] =	vst.idx.add.f32.msk vm6, v52  }
0x2ad: {  	v35 =	vld [tilespmem:$0x6580]  }
0x2ae: {  	v36 =	vld [tilespmem:$0x6600]  }
0x2af: {  	v37 =	vld [tilespmem:$0x6680]  }
0x2b0: {  	v38 =	vld [tilespmem:$0x6700]  }
0x2b1: {  	v60 =	vadd.s32 $0xD, v4;
	v39 =	vld [tilespmem:$0x6780]  }
0x2b2: {  	v40 =	vmin.u32 v60, $0x80;
	v41 =	vld [tilespmem:$0x6800]  }
0x2b3: {  	v61 =	vshll.u32 v40, $0x9;
	v42 =	vld [tilespmem:$0x6880]  }
0x2b4: {  	v40 =	vshll.u32 v40, $0x7;
	v43 =	vand.u32 $0x1F000, v61;
	v44 =	vld [tilespmem:$0x6900]  }
0x2b5: {  	v40 =	vand.u32 $0x380, v40;
	v62 =	vadd.s32 v10, v43;
	v45 =	vld [tilespmem:$0x6980]  }
0x2b6: {  	v46 =	vor.u32 v40, v62;
	v47 =	vld [tilespmem:$0x6A00]  }
0x2b7: {  	v46 =	vor.u32 v5, v46;
	v48 =	vld [tilespmem:$0x6A80]  }
0x2b8: {  	v49 =	vld [tilespmem:$0x6B00]  }
0x2b9: {  	v50 =	vld [tilespmem:$0x6B80]  }
0x2ba: {  	v63 =	vadd.s32 v6, v43;
	v51 =	vld [tilespmem:$0x6C00]  }
0x2bb: {  	v56 =	vadd.s32 v9, v43;
	v57 =	vadd.s32 v12, v43;
	v55 =	vor.u32 v40, v63;
	v52 =	vld [tilespmem:$0x6C80]  }
0x2bc: {  	[tilespmem:v46+s11+$0x0] =	vst.idx.add.f32.msk vm14, v35;
	v35 =	vor.u32 v7, v55;
	v46 =	vor.u32 v40, v56  }
0x2bd: {  	v53 =	vor.u32 v40, v57;
	v58 =	vadd.s32 v13, v43;
	v46 =	vor.u32 v8, v46  }
0x2be: {  	v53 =	vor.u32 v11, v53;
	v54 =	vor.u32 v40, v58;
	v59 =	vadd.s32 v14, v43  }
0x2bf: {  	v60 =	vadd.s32 v19, v43;
	v54 =	vor.u32 v15, v54;
	v55 =	vor.u32 v40, v59  }
0x2c0: {  	v56 =	vor.u32 v40, v60;
	v55 =	vor.u32 v16, v55  }
0x2c1: {  	v61 =	vadd.s32 v21, v43;
	v62 =	vor.u32 v17, v56;
	[tilespmem:v35+s11+$0x0] =	vst.idx.add.f32.msk vm8, v36  }
0x2c2: {  	v63 =	vor.u32 v40, v61;
	[tilespmem:v46+s11+$0x0] =	vst.idx.add.f32.msk vm9, v37  }
0x2c3: {  	v36 =	vor.u32 v22, v63;
	[tilespmem:v53+s11+$0x0] =	vst.idx.add.f32.msk vm7, v38  }
0x2c4: {  	[tilespmem:v54+s11+$0x0] =	vst.idx.add.f32.msk vm10, v39  }
0x2c5: {  	[tilespmem:v55+s11+$0x0] =	vst.idx.add.f32.msk vm12, v41  }
0x2c6: {  	[tilespmem:v62+s11+$0x0] =	vst.idx.add.f32.msk vm13, v42;
	v42 =	vadd.s32 v18, v43  }
0x2c7: {  	v46 =	vadd.s32 v24, v43;
	v53 =	vadd.s32 v25, v43;
	v35 =	vor.u32 v40, v42  }
0x2c8: {  	[tilespmem:v36+s11+$0x0] =	vst.idx.add.f32.msk vm11, v44;
	v36 =	vor.u32 v40, v46;
	v35 =	vor.u32 v20, v35  }
0x2c9: {  	v37 =	vor.u32 v40, v53;
	v54 =	vadd.s32 v26, v43;
	v36 =	vor.u32 v23, v36  }
0x2ca: {  	v37 =	vor.u32 v27, v37;
	v38 =	vor.u32 v40, v54;
	v55 =	vadd.s32 v30, v43  }
0x2cb: {  	v56 =	vadd.s32 v31, v43;
	v38 =	vor.u32 v28, v38;
	v39 =	vor.u32 v40, v55  }
0x2cc: {  	v57 =	vadd.s32 v33, v43;
	v41 =	vor.u32 v40, v56;
	v39 =	vor.u32 v29, v39  }
0x2cd: {  	v58 =	vor.u32 v32, v41;
	v40 =	vor.u32 v40, v57;
	[tilespmem:v35+s11+$0x0] =	vst.idx.add.f32.msk vm2, v45  }
0x2ce: {  	v59 =	vor.u32 v34, v40;
	[tilespmem:v36+s11+$0x0] =	vst.idx.add.f32.msk vm0, v47  }
0x2cf: {  	[tilespmem:v37+s11+$0x0] =	vst.idx.add.f32.msk vm1, v48  }
0x2d0: {  	[tilespmem:v38+s11+$0x0] =	vst.idx.add.f32.msk vm3, v49  }
0x2d1: {  	[tilespmem:v39+s11+$0x0] =	vst.idx.add.f32.msk vm4, v50  }
0x2d2: {  	[tilespmem:v58+s11+$0x0] =	vst.idx.add.f32.msk vm5, v51  }
0x2d3: {  	[tilespmem:v59+s11+$0x0] =	vst.idx.add.f32.msk vm6, v52  }
0x2d4: {  	v35 =	vld [tilespmem:$0x6D00]  }
0x2d5: {  	v36 =	vld [tilespmem:$0x6D80]  }
0x2d6: {  	v37 =	vld [tilespmem:$0x6E00]  }
0x2d7: {  	v38 =	vld [tilespmem:$0x6E80]  }
0x2d8: {  	v4 =	vadd.s32 $0xE, v4;
	v39 =	vld [tilespmem:$0x6F00]  }
0x2d9: {  	v4 =	vmin.u32 v4, $0x80;
	v60 =	vld [tilespmem:$0x6F80]  }
0x2da: {  	v62 =	vshll.u32 v4, $0x9;
	v61 =	vld [tilespmem:$0x7000]  }
0x2db: {  	v4 =	vshll.u32 v4, $0x7;
	v42 =	vand.u32 $0x1F000, v62;
	v63 =	vld [tilespmem:$0x7080]  }
0x2dc: {  	v4 =	vand.u32 $0x380, v4;
	v10 =	vadd.s32 v10, v42;
	v44 =	vld [tilespmem:$0x7100]  }
0x2dd: {  	v10 =	vor.u32 v4, v10;
	v45 =	vld [tilespmem:$0x7180]  }
0x2de: {  	v5 =	vor.u32 v5, v10;
	v46 =	vld [tilespmem:$0x7200]  }
0x2df: {  	v10 =	vld [tilespmem:$0x7280]  }
0x2e0: {  	v47 =	vld [tilespmem:$0x7300]  }
0x2e1: {  	v48 =	vld [tilespmem:$0x7380]  }
0x2e2: {  	v6 =	vadd.s32 v6, v42;
	v49 =	vld [tilespmem:$0x7400]  }
0x2e3: {  	v50 =	vadd.s32 v9, v42;
	[tilespmem:v5+s11+$0x0] =	vst.idx.add.f32.msk vm14, v35;
	v5 =	vor.u32 v4, v6  }
0x2e4: {  	v51 =	vadd.s32 v12, v42;
	v6 =	vor.u32 v4, v50;
	v5 =	vor.u32 v7, v5  }
0x2e5: {  	v52 =	vadd.s32 v13, v42;
	v6 =	vor.u32 v8, v6;
	v7 =	vor.u32 v4, v51  }
0x2e6: {  	v53 =	vadd.s32 v14, v42;
	v8 =	vor.u32 v4, v52;
	v7 =	vor.u32 v11, v7  }
0x2e7: {  	v54 =	vadd.s32 v19, v42;
	v9 =	vor.u32 v4, v53;
	v8 =	vor.u32 v15, v8  }
0x2e8: {  	v9 =	vor.u32 v16, v9;
	v11 =	vor.u32 v4, v54  }
0x2e9: {  	[tilespmem:v5+s11+$0x0] =	vst.idx.add.f32.msk vm8, v36;
	v5 =	vor.u32 v17, v11  }
0x2ea: {  	[tilespmem:v6+s11+$0x0] =	vst.idx.add.f32.msk vm9, v37  }
0x2eb: {  	[tilespmem:v7+s11+$0x0] =	vst.idx.add.f32.msk vm7, v38  }
0x2ec: {  	[tilespmem:v8+s11+$0x0] =	vst.idx.add.f32.msk vm10, v39  }
0x2ed: {  	v55 =	vadd.s32 v21, v42;
	v62 =	vadd.s32 v31, v42;
	[tilespmem:v9+s11+$0x0] =	vst.idx.add.f32.msk vm12, v60  }
0x2ee: {  	v56 =	vor.u32 v4, v55;
	[tilespmem:v5+s11+$0x0] =	vst.idx.add.f32.msk vm13, v61;
	v5 =	vadd.s32 v18, v42  }
0x2ef: {  	v57 =	vor.u32 v22, v56;
	v58 =	vadd.s32 v24, v42;
	v5 =	vor.u32 v4, v5  }
0x2f0: {  	v59 =	vadd.s32 v25, v42;
	v6 =	vor.u32 v4, v58;
	v5 =	vor.u32 v20, v5  }
0x2f1: {  	v6 =	vor.u32 v23, v6;
	v7 =	vor.u32 v4, v59;
	v60 =	vadd.s32 v26, v42  }
0x2f2: {  	v7 =	vor.u32 v27, v7;
	v8 =	vor.u32 v4, v60;
	v61 =	vadd.s32 v30, v42  }
0x2f3: {  	v11 =	vor.u32 v4, v62;
	v8 =	vor.u32 v28, v8;
	v9 =	vor.u32 v4, v61  }
0x2f4: {  	[tilespmem:v57+s11+$0x0] =	vst.idx.add.f32.msk vm11, v63;
	v63 =	vadd.s32 v33, v42;
	v9 =	vor.u32 v29, v9  }
0x2f5: {  	v4 =	vor.u32 v4, v63;
	[tilespmem:v5+s11+$0x0] =	vst.idx.add.f32.msk vm2, v44;
	v5 =	vor.u32 v32, v11  }
0x2f6: {  	v4 =	vor.u32 v34, v4;
	[tilespmem:v6+s11+$0x0] =	vst.idx.add.f32.msk vm0, v45  }
.Ltmp9:
0x2f7: {  	[tilespmem:v7+s11+$0x0] =	vst.idx.add.f32.msk vm1, v46;
	(pc) =	sbr.rel .LBB2_9-.Ltmp9, $4  }
0x2f8: {  	[tilespmem:v8+s11+$0x0] =	vst.idx.add.f32.msk vm3, v10  }
0x2f9: {  	[tilespmem:v9+s11+$0x0] =	vst.idx.add.f32.msk vm4, v47  }
0x2fa: {  	[tilespmem:v5+s11+$0x0] =	vst.idx.add.f32.msk vm5, v48  }
0x2fb: {  	[tilespmem:v4+s11+$0x0] =	vst.idx.add.f32.msk vm6, v49  }
.LBB2_12:
0x2fc: {  	_ =	sfence.sel $0x180000  }
0x2fd: {  	[bflag:$0x0] =	sbarrier.arrive $0xFFFF  }
0x2fe: {  	p0 =	sne.s32 s0, $0x0;
	_ =	strace $0x90000047  }
0x2ff: {  	s0 =	sadd.s32 @!p0 $0x100000, s1;
	[bflag:$0x2] =	sbarrier.arrive $0xFFFF  }
0x300: {  	[sflag:s0] =	ssyncadd.tile.s32 @!p0 $0x1;
	_ =	shalt  }
.Lfunc_end2:
_tile_overlayer_lowered:
.L_overlay_start_2:
0x301: {  	(tag) =	ssettag $0x2  }
0x302: {  	s0 =	rddreg [dreg:$0x0];
	s2 =	stileid.u32  }
0x303: {  	s1 =	rddreg [dreg:$0x1];
	p0 =	sne.s32 s2, $0x0  }
0x304: {  	s3 =	rddreg [dreg:$0x2];
	[bflag:$0x3] =	sbarrier.arrive $0xFFFF;
	s2 =	simm.s32 @!p0 $0x1C01  }
0x305: {  	[timem:s3], [sflag:s2] =	dma.local @!p0 [hbm:s0], s1  }
0x306: {  	s0 =	simm.s32 @!p0 $0x1  }
0x307: {  	_ =	swait.ge @!p0 [sflag:s0], s1  }
0x308: {  	s1 =	ssub.s32 @!p0 $0x0, s1;
	[sflag:s0] =	ssyncset.done @!p0 $0x0  }
0x309: {  	[sflag:s0] =	ssyncadd.s32 @!p0 s1  }
0x30a: {  	[bflag:$0x3] =	sbarrier.arrive $0xFFFF  }
0x30b: {  	_ =	shalt  }

</sc_bundles>
